<compile_context>
chip_gen: v7x
topology: tpu7x:2x2x1
jax: 0.10.2.dev20260603
libtpu: 0.0.44.dev20260713+nightly
codegen_flags: <defaults>
</compile_context>

<pallas_src>
import jax
import jax.numpy as jnp
from jax import lax
from jax.experimental import pallas as pl
from jax.experimental.pallas import tpu as pltpu
from jax.experimental.pallas import tpu_sc as plsc

_N = 10000
_E = 160000
_NP = 10240
_HW = 128
_NSC = 2
_NTILE = 16
_RPT = _NP // _NTILE
_RPT15 = _N - (_NTILE - 1) * _RPT
_EPT = _E // _NTILE
_C = 80
_NCH = _EPT // _C
_CEPT = _E // (_NSC * _NTILE)
_CC = 128


def _zero_acc(zbuf, acc, r0, s):
    zero16 = jnp.zeros((16,), jnp.float32)

    def zrow(i, carry):
        for j in range(_HW // 16):
            zbuf[i, pl.ds(j * 16, 16)] = zero16
        return carry

    lax.fori_loop(0, 16, zrow, 0)

    def zacc(b, carry):
        pltpu.sync_copy(zbuf, acc.at[pl.ds(r0 + b * 16, 16), :])
        return carry

    lax.fori_loop(0, jnp.where(s == _NTILE - 1, _RPT15 // 16, _RPT // 16),
                  zacc, 0)


def _writeback(acc, out, c, s, r0):
    @pl.when(s < _NTILE - 1)
    def _():
        pltpu.sync_copy(acc.at[pl.ds(r0, _RPT), :],
                        out.at[c, pl.ds(r0, _RPT), :])

    @pl.when(s == _NTILE - 1)
    def _():
        pltpu.sync_copy(acc.at[pl.ds(r0, _RPT15), :],
                        out.at[c, pl.ds(r0, _RPT15), :])


def _agg_body(x2, srcr, dstr, sums_out,
              idxv0, idxv1, idx2v0, idx2v1, dstv0, dstv1,
              rowsv0, rowsv1, zbuf, acc, gsem):
    c = lax.axis_index("c")
    s = lax.axis_index("s")
    r0 = s * _RPT

    _zero_acc(zbuf, acc, r0, s)
    plsc.subcore_barrier()

    idxv = (idxv0, idxv1)
    idx2v = (idx2v0, idx2v1)
    dstv = (dstv0, dstv1)
    rowsv = (rowsv0, rowsv1)

    e0 = s * _EPT

    def stage(k, b):
        eo = e0 + k * _C
        pltpu.sync_copy(srcr.at[pl.ds(eo, _C)], idxv[b])
        pltpu.sync_copy(dstr.at[pl.ds(eo, _C)], dstv[b])
        for j in range(_C // 16):
            v = idxv[b][pl.ds(j * 16, 16)]
            idx2v[b][pl.ds(j * 16, 16)] = v * 2 + c

    stage(0, 0)
    pltpu.async_copy(x2.at[idx2v[0]], rowsv[0], gsem)

    def pair(i, carry):
        for b in range(2):
            k = 2 * i + b
            bn = 1 - b
            stage(k + 1, bn)
            pltpu.make_async_copy(x2.at[idx2v[b]], rowsv[b], gsem).wait()
            pltpu.async_copy(x2.at[idx2v[bn]], rowsv[bn], gsem)
            pltpu.sync_copy(rowsv[b], acc.at[dstv[b]], add=True)
        return carry

    lax.fori_loop(0, (_NCH - 1) // 2, pair, 0)
    pltpu.make_async_copy(x2.at[idx2v[0]], rowsv[0], gsem).wait()
    pltpu.sync_copy(rowsv[0], acc.at[dstv[0]], add=True)

    plsc.subcore_barrier()
    _writeback(acc, sums_out, c, s, r0)


def _cnt_body(dstr, cnt_out, onesv, dstv0, dstv1, dstvt, zbuf, acc, ssem):
    c = lax.axis_index("c")
    s = lax.axis_index("s")
    r0 = s * _RPT

    _zero_acc(zbuf, acc, r0, s)
    one16 = jnp.ones((16,), jnp.float32)

    def orow(i, carry):
        for j in range(_HW // 16):
            onesv[i, pl.ds(j * 16, 16)] = one16
        return carry

    lax.fori_loop(0, _CC, orow, 0)
    plsc.subcore_barrier()

    ec0 = c * (_E // _NSC) + s * _CEPT
    dstv = (dstv0, dstv1)
    nfull = _CEPT // _CC
    rem = _CEPT - nfull * _CC

    pltpu.sync_copy(dstr.at[pl.ds(ec0, _CC)], dstv[0])

    def pair(i, carry):
        for b in range(2):
            k = 2 * i + b
            bn = 1 - b
            pltpu.async_copy(onesv, acc.at[dstv[b]], ssem, add=True)
            pltpu.sync_copy(dstr.at[pl.ds(ec0 + (k + 1) * _CC, _CC)], dstv[bn])
            pltpu.make_async_copy(onesv, acc.at[dstv[b]], ssem).wait()
        return carry

    lax.fori_loop(0, (nfull - 1) // 2, pair, 0)
    pltpu.sync_copy(onesv, acc.at[dstv[0]], add=True)
    if rem:
        pltpu.sync_copy(dstr.at[pl.ds(ec0 + nfull * _CC, rem)], dstvt)
        pltpu.sync_copy(onesv.at[pl.ds(0, rem), :], acc.at[dstvt], add=True)

    plsc.subcore_barrier()
    _writeback(acc, cnt_out, c, s, r0)


_sc_mesh = plsc.VectorSubcoreMesh(core_axis_name="c", subcore_axis_name="s")

_agg = pl.kernel(
    _agg_body,
    out_type=jax.ShapeDtypeStruct((_NSC, _N, _HW), jnp.float32),
    mesh=_sc_mesh,
    scratch_types=(
        pltpu.VMEM((_C,), jnp.int32),
        pltpu.VMEM((_C,), jnp.int32),
        pltpu.VMEM((_C,), jnp.int32),
        pltpu.VMEM((_C,), jnp.int32),
        pltpu.VMEM((_C,), jnp.int32),
        pltpu.VMEM((_C,), jnp.int32),
        pltpu.VMEM((_C, _HW), jnp.float32),
        pltpu.VMEM((_C, _HW), jnp.float32),
        pltpu.VMEM((16, _HW), jnp.float32),
        pltpu.VMEM_SHARED((_NP, _HW), jnp.float32),
        pltpu.SemaphoreType.DMA,
    ),
    name="sage_agg",
)

_cnt_kernel = pl.kernel(
    _cnt_body,
    out_type=jax.ShapeDtypeStruct((_NSC, _N, _HW), jnp.float32),
    mesh=_sc_mesh,
    scratch_types=(
        pltpu.VMEM((_CC, _HW), jnp.float32),
        pltpu.VMEM((_CC,), jnp.int32),
        pltpu.VMEM((_CC,), jnp.int32),
        pltpu.VMEM((8,), jnp.int32),
        pltpu.VMEM((16, _HW), jnp.float32),
        pltpu.VMEM_SHARED((_NP, _HW), jnp.float32),
        pltpu.SemaphoreType.DMA,
    ),
    name="sage_cnt",
)


_BN = 2000


def _bdot(a, b):
    return jnp.dot(a.astype(jnp.bfloat16), b.astype(jnp.bfloat16),
                   preferred_element_type=jnp.float32)


def _tc1_body(x, s0, s1, c0, c1, wl0a, wl0b, wr0, wl1, bl0, h_out, t_out):
    cnt = c0[:, 0:1] + c1[:, 0:1]
    inv = 1.0 / jnp.maximum(cnt, 1.0)
    h = _bdot(s0[...] * inv, wl0a[...])
    h += _bdot(s1[...] * inv, wl0b[...])
    h += _bdot(x[...], wr0[...])
    h += bl0[...]
    h = jnp.maximum(h, 0.0)
    h_out[...] = h.astype(jnp.bfloat16)
    t_out[...] = _bdot(h, wl1[...])


def _tc2_body(h, s0, s1, c0, c1, wr1, bl1, o_out):
    cnt = c0[:, 0:1] + c1[:, 0:1]
    inv = 1.0 / jnp.maximum(cnt, 1.0)
    m = jnp.concatenate([s0[...] * inv, s1[...] * inv], axis=1)
    o = m + _bdot(h[...], wr1[...])
    o += bl1[...]
    o_out[...] = jnp.maximum(o, 0.0)


def _row_block(width):
    return pl.BlockSpec((_BN, width), lambda i: (i, 0))


def _full_block(shape):
    return pl.BlockSpec(shape, lambda i: tuple(0 for _ in shape))


_tc1 = pl.pallas_call(
    _tc1_body,
    grid=(_N // _BN,),
    in_specs=[
        _row_block(256),
        _row_block(_HW),
        _row_block(_HW),
        _row_block(_HW),
        _row_block(_HW),
        _full_block((_HW, 512)),
        _full_block((_HW, 512)),
        _full_block((256, 512)),
        _full_block((512, 256)),
        _full_block((1, 512)),
    ],
    out_specs=[_row_block(512), _row_block(256)],
    out_shape=[
        jax.ShapeDtypeStruct((_N, 512), jnp.bfloat16),
        jax.ShapeDtypeStruct((_N, 256), jnp.float32),
    ],
)

_tc2 = pl.pallas_call(
    _tc2_body,
    grid=(_N // _BN,),
    in_specs=[
        _row_block(512),
        _row_block(_HW),
        _row_block(_HW),
        _row_block(_HW),
        _row_block(_HW),
        _full_block((512, 256)),
        _full_block((1, 256)),
    ],
    out_specs=_row_block(256),
    out_shape=jax.ShapeDtypeStruct((_N, 256), jnp.float32),
)


@jax.jit
def kernel(x, edge_index, W_l0, b_l0, W_r0, W_l1, b_l1, W_r1):
    src = edge_index[0]
    dst = edge_index[1]

    cnt = _cnt_kernel(dst)
    x2 = x.reshape(2 * _N, _HW)
    sums0 = _agg(x2, src, dst)
    h, t = _tc1(x, sums0[0], sums0[1], cnt[0], cnt[1],
                W_l0[:_HW], W_l0[_HW:], W_r0, W_l1, b_l0.reshape(1, -1))
    t2 = t.reshape(2 * _N, _HW)
    sums1 = _agg(t2, src, dst)
    out = _tc2(h, sums1[0], sums1[1], cnt[0], cnt[1],
               W_r1, b_l1.reshape(1, -1))
    return out

# --- scband reference (transcript-rebuilt; emitter-appended) ---
"""Pipeline reference for scband-graph-sage-51522427683146 (READ-ONLY COPY).

The authoritative reference and input builder live on the scoring server;
editing this copy changes nothing except your own understanding.
"""

import jax, jax.numpy as jnp
import numpy as np

N = 10000
E = 160000
D_IN = 256
D_H = 512
D_OUT = 256


def setup_inputs(seed: int = 0) -> dict:
    key = jax.random.key(seed)
    ks = jax.random.split(key, 10)
    x = jax.random.normal(ks[0], (N, D_IN), dtype=jnp.float32)
    edge_index = jax.random.randint(ks[1], (2, E), 0, N, dtype=jnp.int32)
    # Layer 0: SAGEConv(256 -> 512). PyG SAGEConv: lin_l (neighbor aggr, with bias), lin_r (root, no bias)
    s0 = 1.0 / np.sqrt(D_IN)
    W_l0 = jax.random.uniform(ks[2], (D_IN, D_H), jnp.float32, -s0, s0)
    b_l0 = jnp.zeros((D_H,), jnp.float32)
    W_r0 = jax.random.uniform(ks[3], (D_IN, D_H), jnp.float32, -s0, s0)
    # Layer 1: SAGEConv(512 -> 256)
    s1 = 1.0 / np.sqrt(D_H)
    W_l1 = jax.random.uniform(ks[4], (D_H, D_OUT), jnp.float32, -s1, s1)
    b_l1 = jnp.zeros((D_OUT,), jnp.float32)
    W_r1 = jax.random.uniform(ks[5], (D_H, D_OUT), jnp.float32, -s1, s1)
    return {
        "x": x,
        "edge_index": edge_index,
        "W_l0": W_l0, "b_l0": b_l0, "W_r0": W_r0,
        "W_l1": W_l1, "b_l1": b_l1, "W_r1": W_r1,
    }


def _sage_conv(x, edge_index, W_l, b_l, W_r):
    # PyG SAGEConv with mean aggregation (default), flow source_to_target.
    src = edge_index[0]
    dst = edge_index[1]
    msgs = jnp.take(x, src, axis=0)                      # gather source features
    summed = jax.ops.segment_sum(msgs, dst, num_segments=x.shape[0])
    cnt = jax.ops.segment_sum(jnp.ones((edge_index.shape[1],), x.dtype), dst,
                              num_segments=x.shape[0])
    mean = summed / jnp.clip(cnt, 1.0, None)[:, None]    # mean over in-neighbors
    return mean @ W_l + b_l + x @ W_r                    # lin_l(aggr) + lin_r(x)


def reference(x, edge_index, W_l0, b_l0, W_r0, W_l1, b_l1, W_r1):
    # Layer 0 + ReLU (dropout p=0.0 in eval -> identity)
    h = _sage_conv(x, edge_index, W_l0, b_l0, W_r0)
    h = jax.nn.relu(h)
    # Layer 1 + ReLU (forward applies relu after every conv)
    out = _sage_conv(h, edge_index, W_l1, b_l1, W_r1)
    out = jax.nn.relu(out)
    return out

if __name__ == "__main__":
    import jax
    _d = setup_inputs()
    print(jax.jit(kernel)(*tuple(_d.values())))

</pallas_src>

<mosaic_0001>
#map = affine_map<(d0, d1) -> (0)>
#map1 = affine_map<(d0, d1) -> (0, 0, 0)>
module attributes {stable_mosaic.version = 14 : i64} {
  func.func @sage_cnt(%arg0: i32, %arg1: i32, %arg2: memref<160000xi32, #tpu.memory_space<hbm>>, %arg3: memref<2x10000x128xf32, #tpu.memory_space<hbm>>, %arg4: memref<128x128xf32, #tpu.memory_space<vmem>>, %arg5: memref<128xi32, #tpu.memory_space<vmem>>, %arg6: memref<128xi32, #tpu.memory_space<vmem>>, %arg7: memref<8xi32, #tpu.memory_space<vmem>>, %arg8: memref<16x128xf32, #tpu.memory_space<vmem>>, %arg9: memref<10240x128xf32, #tpu.memory_space<vmem_shared>>, %arg10: memref<!tpu.dma_semaphore, #tpu.memory_space<semaphore_mem>>) attributes {dimension_semantics = [#tpu.dimension_semantics<core_parallel>, #tpu.dimension_semantics<subcore_parallel>], iteration_bounds = array<i64: 2, 16>, scalar_prefetch = 0 : i64, scratch_operands = 7 : i64, tpu.core_type = #tpu.core_type<sc_vector_subcore>, window_params = [{transform_indices = #map}, {transform_indices = #map1}]} {
    %mul3A = arith.constant 640 : i32
    %mul3A_0 = arith.muli %arg1, %mul3A : i32
    %broadcast_in_dim3A = arith.constant 0.000000e+00 : f32
    %broadcast_in_dim3A_1 = vector.broadcast %broadcast_in_dim3A : f32 to vector<16xf32>
    %scan3A = arith.constant 0 : i32
    %scan3A_2 = arith.constant 0 : i32
    %scan3A_3 = arith.constant 16 : i32
    %scan3A_4 = arith.addi %scan3A_2, %scan3A_3 : i32
    %scan3A_5 = arith.constant 1 : i32
    scf.for %scan3A_46 = %scan3A_2 to %scan3A_4 step %scan3A_5  : i32 {
      %swap3A = arith.index_cast %scan3A_46 : i32 to index
      %swap3A_47 = arith.constant 0 : index
      %swap3A_48 = tpu.vector_load %arg8[%swap3A, %swap3A_47] {strides = array<i32>} : memref<16x128xf32, #tpu.memory_space<vmem>>, vector<1x16xf32>,
      %swap3A_49 = vector.shape_cast %swap3A_48 : vector<1x16xf32> to vector<16xf32>
      %swap3A_50 = vector.shape_cast %broadcast_in_dim3A_1 : vector<16xf32> to vector<1x16xf32>
      tpu.vector_store %arg8[%swap3A, %swap3A_47], %swap3A_50 {strides = array<i32>} : memref<16x128xf32, #tpu.memory_space<vmem>>, vector<1x16xf32>,
      %swap3A_51 = arith.index_cast %scan3A_46 : i32 to index
      %swap3A_52 = arith.constant 16 : index
      %swap3A_53 = tpu.vector_load %arg8[%swap3A_51, %swap3A_52] {strides = array<i32>} : memref<16x128xf32, #tpu.memory_space<vmem>>, vector<1x16xf32>,
      %swap3A_54 = vector.shape_cast %swap3A_53 : vector<1x16xf32> to vector<16xf32>
      %swap3A_55 = vector.shape_cast %broadcast_in_dim3A_1 : vector<16xf32> to vector<1x16xf32>
      tpu.vector_store %arg8[%swap3A_51, %swap3A_52], %swap3A_55 {strides = array<i32>} : memref<16x128xf32, #tpu.memory_space<vmem>>, vector<1x16xf32>,
      %swap3A_56 = arith.index_cast %scan3A_46 : i32 to index
      %swap3A_57 = arith.constant 32 : index
      %swap3A_58 = tpu.vector_load %arg8[%swap3A_56, %swap3A_57] {strides = array<i32>} : memref<16x128xf32, #tpu.memory_space<vmem>>, vector<1x16xf32>,
      %swap3A_59 = vector.shape_cast %swap3A_58 : vector<1x16xf32> to vector<16xf32>
      %swap3A_60 = vector.shape_cast %broadcast_in_dim3A_1 : vector<16xf32> to vector<1x16xf32>
      tpu.vector_store %arg8[%swap3A_56, %swap3A_57], %swap3A_60 {strides = array<i32>} : memref<16x128xf32, #tpu.memory_space<vmem>>, vector<1x16xf32>,
      %swap3A_61 = arith.index_cast %scan3A_46 : i32 to index
      %swap3A_62 = arith.constant 48 : index
      %swap3A_63 = tpu.vector_load %arg8[%swap3A_61, %swap3A_62] {strides = array<i32>} : memref<16x128xf32, #tpu.memory_space<vmem>>, vector<1x16xf32>,
      %swap3A_64 = vector.shape_cast %swap3A_63 : vector<1x16xf32> to vector<16xf32>
      %swap3A_65 = vector.shape_cast %broadcast_in_dim3A_1 : vector<16xf32> to vector<1x16xf32>
      tpu.vector_store %arg8[%swap3A_61, %swap3A_62], %swap3A_65 {strides = array<i32>} : memref<16x128xf32, #tpu.memory_space<vmem>>, vector<1x16xf32>,
      %swap3A_66 = arith.index_cast %scan3A_46 : i32 to index
      %swap3A_67 = arith.constant 64 : index
      %swap3A_68 = tpu.vector_load %arg8[%swap3A_66, %swap3A_67] {strides = array<i32>} : memref<16x128xf32, #tpu.memory_space<vmem>>, vector<1x16xf32>,
      %swap3A_69 = vector.shape_cast %swap3A_68 : vector<1x16xf32> to vector<16xf32>
      %swap3A_70 = vector.shape_cast %broadcast_in_dim3A_1 : vector<16xf32> to vector<1x16xf32>
      tpu.vector_store %arg8[%swap3A_66, %swap3A_67], %swap3A_70 {strides = array<i32>} : memref<16x128xf32, #tpu.memory_space<vmem>>, vector<1x16xf32>,
      %swap3A_71 = arith.index_cast %scan3A_46 : i32 to index
      %swap3A_72 = arith.constant 80 : index
      %swap3A_73 = tpu.vector_load %arg8[%swap3A_71, %swap3A_72] {strides = array<i32>} : memref<16x128xf32, #tpu.memory_space<vmem>>, vector<1x16xf32>,
      %swap3A_74 = vector.shape_cast %swap3A_73 : vector<1x16xf32> to vector<16xf32>
      %swap3A_75 = vector.shape_cast %broadcast_in_dim3A_1 : vector<16xf32> to vector<1x16xf32>
      tpu.vector_store %arg8[%swap3A_71, %swap3A_72], %swap3A_75 {strides = array<i32>} : memref<16x128xf32, #tpu.memory_space<vmem>>, vector<1x16xf32>,
      %swap3A_76 = arith.index_cast %scan3A_46 : i32 to index
      %swap3A_77 = arith.constant 96 : index
      %swap3A_78 = tpu.vector_load %arg8[%swap3A_76, %swap3A_77] {strides = array<i32>} : memref<16x128xf32, #tpu.memory_space<vmem>>, vector<1x16xf32>,
      %swap3A_79 = vector.shape_cast %swap3A_78 : vector<1x16xf32> to vector<16xf32>
      %swap3A_80 = vector.shape_cast %broadcast_in_dim3A_1 : vector<16xf32> to vector<1x16xf32>
      tpu.vector_store %arg8[%swap3A_76, %swap3A_77], %swap3A_80 {strides = array<i32>} : memref<16x128xf32, #tpu.memory_space<vmem>>, vector<1x16xf32>,
      %swap3A_81 = arith.index_cast %scan3A_46 : i32 to index
      %swap3A_82 = arith.constant 112 : index
      %swap3A_83 = tpu.vector_load %arg8[%swap3A_81, %swap3A_82] {strides = array<i32>} : memref<16x128xf32, #tpu.memory_space<vmem>>, vector<1x16xf32>,
      %swap3A_84 = vector.shape_cast %swap3A_83 : vector<1x16xf32> to vector<16xf32>
      %swap3A_85 = vector.shape_cast %broadcast_in_dim3A_1 : vector<16xf32> to vector<1x16xf32>
      tpu.vector_store %arg8[%swap3A_81, %swap3A_82], %swap3A_85 {strides = array<i32>} : memref<16x128xf32, #tpu.memory_space<vmem>>, vector<1x16xf32>,
    }
    %scan3A_6 = arith.constant 16 : i32
    %eq3A = arith.constant 15 : i32
    %eq3A_7 = arith.cmpi eq, %arg1, %eq3A : i32
    %jit3A = arith.constant 25 : i32
    %jit3A_8 = arith.constant 40 : i32
    %select_n3A = arith.select %eq3A_7, %jit3A, %jit3A_8 : i32
    %while3A = arith.constant 0 : i32
    %while3A_9 = arith.constant 0 : i32
    %while3A_10 = arith.subi %select_n3A, %while3A_9 : i32
    %while3A_11 = arith.addi %while3A_9, %while3A_10 : i32
    %while3A_12 = arith.constant 1 : i32
    %while3A_13 = arith.divsi %while3A_10, %while3A_12 : i32
    %while3A_14 = arith.muli %while3A_13, %while3A_12 : i32
    %while3A_15 = arith.addi %while3A_9, %while3A_14 : i32
    %while3A_16 = arith.constant 1 : i32
    scf.for %while3A_46 = %while3A_9 to %while3A_15 step %while3A_16  : i32 {
      %mul3A_47 = arith.constant 16 : i32
      %mul3A_48 = arith.muli %while3A_46, %mul3A_47 : i32
      %add3A_49 = arith.addi %mul3A_0, %mul3A_48 : i32
      "tpu.region"() ({
        %run_scoped3A = tpu.sem_alloc : memref<!tpu.dma_semaphore, #tpu.memory_space<semaphore_mem>>
        %dma_start3A = arith.constant 0 : i32
        %dma_start3A_50 = tpu.memref_slice %arg9[%add3A_49, %dma_start3A] : memref<10240x128xf32, #tpu.memory_space<vmem_shared>> -> memref<16x128xf32, #tpu.memory_space<vmem_shared>>
        %dma_start3A_51 = arith.constant 0 : i32
        %dma_start3A_52 = tpu.memref_slice %arg9[%add3A_49, %dma_start3A_51] : memref<10240x128xf32, #tpu.memory_space<vmem_shared>> -> memref<16x128xf32, #tpu.memory_space<vmem_shared>>
        tpu.enqueue_dma source(%arg8 : memref<16x128xf32, #tpu.memory_space<vmem>>) target(%dma_start3A_52 : memref<16x128xf32, #tpu.memory_space<vmem_shared>>) target_semaphore(%run_scoped3A : memref<!tpu.dma_semaphore, #tpu.memory_space<semaphore_mem>>)
        %dma_wait3A = arith.constant 0 : i32
        %dma_wait3A_53 = tpu.memref_slice %arg9[%add3A_49, %dma_wait3A] : memref<10240x128xf32, #tpu.memory_space<vmem_shared>> -> memref<16x128xf32, #tpu.memory_space<vmem_shared>>
        %dma_wait3A_54 = arith.constant 0 : i32
        %dma_wait3A_55 = tpu.memref_slice %arg9[%add3A_49, %dma_wait3A_54] : memref<10240x128xf32, #tpu.memory_space<vmem_shared>> -> memref<16x128xf32, #tpu.memory_space<vmem_shared>>
        tpu.wait_dma2 semaphore(%run_scoped3A : memref<!tpu.dma_semaphore, #tpu.memory_space<semaphore_mem>>) src(%arg8 : memref<16x128xf32, #tpu.memory_space<vmem>>) dst(%dma_wait3A_55 : memref<16x128xf32, #tpu.memory_space<vmem_shared>>)
        tpu.yield
      }) : () -> ()
    }
    %while3A_17 = arith.constant 1 : i32
    scf.for %while3A_46 = %while3A_15 to %while3A_11 step %while3A_17  : i32 {
      %mul3A_47 = arith.constant 16 : i32
      %mul3A_48 = arith.muli %while3A_46, %mul3A_47 : i32
      %add3A_49 = arith.addi %mul3A_0, %mul3A_48 : i32
      "tpu.region"() ({
        %run_scoped3A = tpu.sem_alloc : memref<!tpu.dma_semaphore, #tpu.memory_space<semaphore_mem>>
        %dma_start3A = arith.constant 0 : i32
        %dma_start3A_50 = tpu.memref_slice %arg9[%add3A_49, %dma_start3A] : memref<10240x128xf32, #tpu.memory_space<vmem_shared>> -> memref<16x128xf32, #tpu.memory_space<vmem_shared>>
        %dma_start3A_51 = arith.constant 0 : i32
        %dma_start3A_52 = tpu.memref_slice %arg9[%add3A_49, %dma_start3A_51] : memref<10240x128xf32, #tpu.memory_space<vmem_shared>> -> memref<16x128xf32, #tpu.memory_space<vmem_shared>>
        tpu.enqueue_dma source(%arg8 : memref<16x128xf32, #tpu.memory_space<vmem>>) target(%dma_start3A_52 : memref<16x128xf32, #tpu.memory_space<vmem_shared>>) target_semaphore(%run_scoped3A : memref<!tpu.dma_semaphore, #tpu.memory_space<semaphore_mem>>)
        %dma_wait3A = arith.constant 0 : i32
        %dma_wait3A_53 = tpu.memref_slice %arg9[%add3A_49, %dma_wait3A] : memref<10240x128xf32, #tpu.memory_space<vmem_shared>> -> memref<16x128xf32, #tpu.memory_space<vmem_shared>>
        %dma_wait3A_54 = arith.constant 0 : i32
        %dma_wait3A_55 = tpu.memref_slice %arg9[%add3A_49, %dma_wait3A_54] : memref<10240x128xf32, #tpu.memory_space<vmem_shared>> -> memref<16x128xf32, #tpu.memory_space<vmem_shared>>
        tpu.wait_dma2 semaphore(%run_scoped3A : memref<!tpu.dma_semaphore, #tpu.memory_space<semaphore_mem>>) src(%arg8 : memref<16x128xf32, #tpu.memory_space<vmem>>) dst(%dma_wait3A_55 : memref<16x128xf32, #tpu.memory_space<vmem_shared>>)
        tpu.yield
      }) : () -> ()
    }
    %broadcast_in_dim3A_18 = arith.constant 1.000000e+00 : f32
    %broadcast_in_dim3A_19 = vector.broadcast %broadcast_in_dim3A_18 : f32 to vector<16xf32>
    %scan3A_20 = arith.constant 0 : i32
    %scan3A_21 = arith.constant 0 : i32
    %scan3A_22 = arith.constant 128 : i32
    %scan3A_23 = arith.addi %scan3A_21, %scan3A_22 : i32
    %scan3A_24 = arith.constant 1 : i32
    scf.for %scan3A_46 = %scan3A_21 to %scan3A_23 step %scan3A_24  : i32 {
      %swap3A = arith.index_cast %scan3A_46 : i32 to index
      %swap3A_47 = arith.constant 0 : index
      %swap3A_48 = tpu.vector_load %arg4[%swap3A, %swap3A_47] {strides = array<i32>} : memref<128x128xf32, #tpu.memory_space<vmem>>, vector<1x16xf32>,
      %swap3A_49 = vector.shape_cast %swap3A_48 : vector<1x16xf32> to vector<16xf32>
      %swap3A_50 = vector.shape_cast %broadcast_in_dim3A_19 : vector<16xf32> to vector<1x16xf32>
      tpu.vector_store %arg4[%swap3A, %swap3A_47], %swap3A_50 {strides = array<i32>} : memref<128x128xf32, #tpu.memory_space<vmem>>, vector<1x16xf32>,
      %swap3A_51 = arith.index_cast %scan3A_46 : i32 to index
      %swap3A_52 = arith.constant 16 : index
      %swap3A_53 = tpu.vector_load %arg4[%swap3A_51, %swap3A_52] {strides = array<i32>} : memref<128x128xf32, #tpu.memory_space<vmem>>, vector<1x16xf32>,
      %swap3A_54 = vector.shape_cast %swap3A_53 : vector<1x16xf32> to vector<16xf32>
      %swap3A_55 = vector.shape_cast %broadcast_in_dim3A_19 : vector<16xf32> to vector<1x16xf32>
      tpu.vector_store %arg4[%swap3A_51, %swap3A_52], %swap3A_55 {strides = array<i32>} : memref<128x128xf32, #tpu.memory_space<vmem>>, vector<1x16xf32>,
      %swap3A_56 = arith.index_cast %scan3A_46 : i32 to index
      %swap3A_57 = arith.constant 32 : index
      %swap3A_58 = tpu.vector_load %arg4[%swap3A_56, %swap3A_57] {strides = array<i32>} : memref<128x128xf32, #tpu.memory_space<vmem>>, vector<1x16xf32>,
      %swap3A_59 = vector.shape_cast %swap3A_58 : vector<1x16xf32> to vector<16xf32>
      %swap3A_60 = vector.shape_cast %broadcast_in_dim3A_19 : vector<16xf32> to vector<1x16xf32>
      tpu.vector_store %arg4[%swap3A_56, %swap3A_57], %swap3A_60 {strides = array<i32>} : memref<128x128xf32, #tpu.memory_space<vmem>>, vector<1x16xf32>,
      %swap3A_61 = arith.index_cast %scan3A_46 : i32 to index
      %swap3A_62 = arith.constant 48 : index
      %swap3A_63 = tpu.vector_load %arg4[%swap3A_61, %swap3A_62] {strides = array<i32>} : memref<128x128xf32, #tpu.memory_space<vmem>>, vector<1x16xf32>,
      %swap3A_64 = vector.shape_cast %swap3A_63 : vector<1x16xf32> to vector<16xf32>
      %swap3A_65 = vector.shape_cast %broadcast_in_dim3A_19 : vector<16xf32> to vector<1x16xf32>
      tpu.vector_store %arg4[%swap3A_61, %swap3A_62], %swap3A_65 {strides = array<i32>} : memref<128x128xf32, #tpu.memory_space<vmem>>, vector<1x16xf32>,
      %swap3A_66 = arith.index_cast %scan3A_46 : i32 to index
      %swap3A_67 = arith.constant 64 : index
      %swap3A_68 = tpu.vector_load %arg4[%swap3A_66, %swap3A_67] {strides = array<i32>} : memref<128x128xf32, #tpu.memory_space<vmem>>, vector<1x16xf32>,
      %swap3A_69 = vector.shape_cast %swap3A_68 : vector<1x16xf32> to vector<16xf32>
      %swap3A_70 = vector.shape_cast %broadcast_in_dim3A_19 : vector<16xf32> to vector<1x16xf32>
      tpu.vector_store %arg4[%swap3A_66, %swap3A_67], %swap3A_70 {strides = array<i32>} : memref<128x128xf32, #tpu.memory_space<vmem>>, vector<1x16xf32>,
      %swap3A_71 = arith.index_cast %scan3A_46 : i32 to index
      %swap3A_72 = arith.constant 80 : index
      %swap3A_73 = tpu.vector_load %arg4[%swap3A_71, %swap3A_72] {strides = array<i32>} : memref<128x128xf32, #tpu.memory_space<vmem>>, vector<1x16xf32>,
      %swap3A_74 = vector.shape_cast %swap3A_73 : vector<1x16xf32> to vector<16xf32>
      %swap3A_75 = vector.shape_cast %broadcast_in_dim3A_19 : vector<16xf32> to vector<1x16xf32>
      tpu.vector_store %arg4[%swap3A_71, %swap3A_72], %swap3A_75 {strides = array<i32>} : memref<128x128xf32, #tpu.memory_space<vmem>>, vector<1x16xf32>,
      %swap3A_76 = arith.index_cast %scan3A_46 : i32 to index
      %swap3A_77 = arith.constant 96 : index
      %swap3A_78 = tpu.vector_load %arg4[%swap3A_76, %swap3A_77] {strides = array<i32>} : memref<128x128xf32, #tpu.memory_space<vmem>>, vector<1x16xf32>,
      %swap3A_79 = vector.shape_cast %swap3A_78 : vector<1x16xf32> to vector<16xf32>
      %swap3A_80 = vector.shape_cast %broadcast_in_dim3A_19 : vector<16xf32> to vector<1x16xf32>
      tpu.vector_store %arg4[%swap3A_76, %swap3A_77], %swap3A_80 {strides = array<i32>} : memref<128x128xf32, #tpu.memory_space<vmem>>, vector<1x16xf32>,
      %swap3A_81 = arith.index_cast %scan3A_46 : i32 to index
      %swap3A_82 = arith.constant 112 : index
      %swap3A_83 = tpu.vector_load %arg4[%swap3A_81, %swap3A_82] {strides = array<i32>} : memref<128x128xf32, #tpu.memory_space<vmem>>, vector<1x16xf32>,
      %swap3A_84 = vector.shape_cast %swap3A_83 : vector<1x16xf32> to vector<16xf32>
      %swap3A_85 = vector.shape_cast %broadcast_in_dim3A_19 : vector<16xf32> to vector<1x16xf32>
      tpu.vector_store %arg4[%swap3A_81, %swap3A_82], %swap3A_85 {strides = array<i32>} : memref<128x128xf32, #tpu.memory_space<vmem>>, vector<1x16xf32>,
    }
    %scan3A_25 = arith.constant 128 : i32
    %barrier3A = arith.constant 0 : index
    tpu.barrier barrier_id(%barrier3A)
    %mul3A_26 = arith.constant 80000 : i32
    %mul3A_27 = arith.muli %arg0, %mul3A_26 : i32
    %mul3A_28 = arith.constant 5000 : i32
    %mul3A_29 = arith.muli %arg1, %mul3A_28 : i32
    %add3A = arith.addi %mul3A_27, %mul3A_29 : i32
    "tpu.region"() ({
      %run_scoped3A = tpu.sem_alloc : memref<!tpu.dma_semaphore, #tpu.memory_space<semaphore_mem>>
      %dma_start3A = tpu.memref_slice %arg2[%add3A] : memref<160000xi32, #tpu.memory_space<hbm>> -> memref<128xi32, #tpu.memory_space<hbm>>
      %dma_start3A_46 = tpu.memref_slice %arg2[%add3A] : memref<160000xi32, #tpu.memory_space<hbm>> -> memref<128xi32, #tpu.memory_space<hbm>>
      tpu.enqueue_dma source(%dma_start3A_46 : memref<128xi32, #tpu.memory_space<hbm>>) target(%arg5 : memref<128xi32, #tpu.memory_space<vmem>>) target_semaphore(%run_scoped3A : memref<!tpu.dma_semaphore, #tpu.memory_space<semaphore_mem>>)
      %dma_wait3A = tpu.memref_slice %arg2[%add3A] : memref<160000xi32, #tpu.memory_space<hbm>> -> memref<128xi32, #tpu.memory_space<hbm>>
      %dma_wait3A_47 = tpu.memref_slice %arg2[%add3A] : memref<160000xi32, #tpu.memory_space<hbm>> -> memref<128xi32, #tpu.memory_space<hbm>>
      tpu.wait_dma2 semaphore(%run_scoped3A : memref<!tpu.dma_semaphore, #tpu.memory_space<semaphore_mem>>) src(%dma_wait3A_47 : memref<128xi32, #tpu.memory_space<hbm>>) dst(%arg5 : memref<128xi32, #tpu.memory_space<vmem>>)
      tpu.yield
    }) : () -> ()
    %scan3A_30 = arith.constant 0 : i32
    %scan3A_31 = arith.constant 0 : i32
    %scan3A_32 = arith.constant 19 : i32
    %scan3A_33 = arith.addi %scan3A_31, %scan3A_32 : i32
    %scan3A_34 = arith.constant 1 : i32
    scf.for %scan3A_46 = %scan3A_31 to %scan3A_33 step %scan3A_34  : i32 {
      %mul3A_47 = arith.constant 2 : i32
      %mul3A_48 = arith.muli %mul3A_47, %scan3A_46 : i32
      %add3A_49 = arith.constant 0 : i32
      %add3A_50 = arith.addi %mul3A_48, %add3A_49 : i32
      %dma_start3A = arith.constant 0 : i32
      %dma_start3A_51 = arith.constant 0 : i32
      %dma_start3A_52 = tpu.memref_slice %arg9[%dma_start3A, %dma_start3A_51] : memref<10240x128xf32, #tpu.memory_space<vmem_shared>> -> memref<10240x128xf32, #tpu.memory_space<vmem_shared>>
      tpu.enqueue_indirect_dma source(%arg4 : memref<128x128xf32, #tpu.memory_space<vmem>>) target(%dma_start3A_52 : memref<10240x128xf32, #tpu.memory_space<vmem_shared>>) offsets(%arg5 : memref<128xi32, #tpu.memory_space<vmem>>) semaphore(%arg10 : memref<!tpu.dma_semaphore, #tpu.memory_space<semaphore_mem>>) {add = true}
      %add3A_53 = arith.constant 1 : i32
      %add3A_54 = arith.addi %add3A_50, %add3A_53 : i32
      %mul3A_55 = arith.constant 128 : i32
      %mul3A_56 = arith.muli %add3A_54, %mul3A_55 : i32
      %add3A_57 = arith.addi %add3A, %mul3A_56 : i32
      "tpu.region"() ({
        %run_scoped3A = tpu.sem_alloc : memref<!tpu.dma_semaphore, #tpu.memory_space<semaphore_mem>>
        %dma_start3A_75 = tpu.memref_slice %arg2[%add3A_57] : memref<160000xi32, #tpu.memory_space<hbm>> -> memref<128xi32, #tpu.memory_space<hbm>>
        %dma_start3A_76 = tpu.memref_slice %arg2[%add3A_57] : memref<160000xi32, #tpu.memory_space<hbm>> -> memref<128xi32, #tpu.memory_space<hbm>>
        tpu.enqueue_dma source(%dma_start3A_76 : memref<128xi32, #tpu.memory_space<hbm>>) target(%arg6 : memref<128xi32, #tpu.memory_space<vmem>>) target_semaphore(%run_scoped3A : memref<!tpu.dma_semaphore, #tpu.memory_space<semaphore_mem>>)
        %dma_wait3A_77 = tpu.memref_slice %arg2[%add3A_57] : memref<160000xi32, #tpu.memory_space<hbm>> -> memref<128xi32, #tpu.memory_space<hbm>>
        %dma_wait3A_78 = tpu.memref_slice %arg2[%add3A_57] : memref<160000xi32, #tpu.memory_space<hbm>> -> memref<128xi32, #tpu.memory_space<hbm>>
        tpu.wait_dma2 semaphore(%run_scoped3A : memref<!tpu.dma_semaphore, #tpu.memory_space<semaphore_mem>>) src(%dma_wait3A_78 : memref<128xi32, #tpu.memory_space<hbm>>) dst(%arg6 : memref<128xi32, #tpu.memory_space<vmem>>)
        tpu.yield
      }) : () -> ()
      %dma_wait3A = arith.constant 0 : i32
      %dma_wait3A_58 = arith.constant 0 : i32
      %dma_wait3A_59 = tpu.memref_slice %arg9[%dma_wait3A, %dma_wait3A_58] : memref<10240x128xf32, #tpu.memory_space<vmem_shared>> -> memref<10240x128xf32, #tpu.memory_space<vmem_shared>>
      tpu.wait_indirect_dma semaphore(%arg10 : memref<!tpu.dma_semaphore, #tpu.memory_space<semaphore_mem>>) src(%arg4 : memref<128x128xf32, #tpu.memory_space<vmem>>) dst(%dma_wait3A_59 : memref<10240x128xf32, #tpu.memory_space<vmem_shared>>)
      %mul3A_60 = arith.constant 2 : i32
      %mul3A_61 = arith.muli %mul3A_60, %scan3A_46 : i32
      %add3A_62 = arith.constant 1 : i32
      %add3A_63 = arith.addi %mul3A_61, %add3A_62 : i32
      %dma_start3A_64 = arith.constant 0 : i32
      %dma_start3A_65 = arith.constant 0 : i32
      %dma_start3A_66 = tpu.memref_slice %arg9[%dma_start3A_64, %dma_start3A_65] : memref<10240x128xf32, #tpu.memory_space<vmem_shared>> -> memref<10240x128xf32, #tpu.memory_space<vmem_shared>>
      tpu.enqueue_indirect_dma source(%arg4 : memref<128x128xf32, #tpu.memory_space<vmem>>) target(%dma_start3A_66 : memref<10240x128xf32, #tpu.memory_space<vmem_shared>>) offsets(%arg6 : memref<128xi32, #tpu.memory_space<vmem>>) semaphore(%arg10 : memref<!tpu.dma_semaphore, #tpu.memory_space<semaphore_mem>>) {add = true}
      %add3A_67 = arith.constant 1 : i32
      %add3A_68 = arith.addi %add3A_63, %add3A_67 : i32
      %mul3A_69 = arith.constant 128 : i32
      %mul3A_70 = arith.muli %add3A_68, %mul3A_69 : i32
      %add3A_71 = arith.addi %add3A, %mul3A_70 : i32
      "tpu.region"() ({
        %run_scoped3A = tpu.sem_alloc : memref<!tpu.dma_semaphore, #tpu.memory_space<semaphore_mem>>
        %dma_start3A_75 = tpu.memref_slice %arg2[%add3A_71] : memref<160000xi32, #tpu.memory_space<hbm>> -> memref<128xi32, #tpu.memory_space<hbm>>
        %dma_start3A_76 = tpu.memref_slice %arg2[%add3A_71] : memref<160000xi32, #tpu.memory_space<hbm>> -> memref<128xi32, #tpu.memory_space<hbm>>
        tpu.enqueue_dma source(%dma_start3A_76 : memref<128xi32, #tpu.memory_space<hbm>>) target(%arg5 : memref<128xi32, #tpu.memory_space<vmem>>) target_semaphore(%run_scoped3A : memref<!tpu.dma_semaphore, #tpu.memory_space<semaphore_mem>>)
        %dma_wait3A_77 = tpu.memref_slice %arg2[%add3A_71] : memref<160000xi32, #tpu.memory_space<hbm>> -> memref<128xi32, #tpu.memory_space<hbm>>
        %dma_wait3A_78 = tpu.memref_slice %arg2[%add3A_71] : memref<160000xi32, #tpu.memory_space<hbm>> -> memref<128xi32, #tpu.memory_space<hbm>>
        tpu.wait_dma2 semaphore(%run_scoped3A : memref<!tpu.dma_semaphore, #tpu.memory_space<semaphore_mem>>) src(%dma_wait3A_78 : memref<128xi32, #tpu.memory_space<hbm>>) dst(%arg5 : memref<128xi32, #tpu.memory_space<vmem>>)
        tpu.yield
      }) : () -> ()
      %dma_wait3A_72 = arith.constant 0 : i32
      %dma_wait3A_73 = arith.constant 0 : i32
      %dma_wait3A_74 = tpu.memref_slice %arg9[%dma_wait3A_72, %dma_wait3A_73] : memref<10240x128xf32, #tpu.memory_space<vmem_shared>> -> memref<10240x128xf32, #tpu.memory_space<vmem_shared>>
      tpu.wait_indirect_dma semaphore(%arg10 : memref<!tpu.dma_semaphore, #tpu.memory_space<semaphore_mem>>) src(%arg4 : memref<128x128xf32, #tpu.memory_space<vmem>>) dst(%dma_wait3A_74 : memref<10240x128xf32, #tpu.memory_space<vmem_shared>>)
    }
    %scan3A_35 = arith.constant 19 : i32
    "tpu.region"() ({
      %run_scoped3A = tpu.sem_alloc : memref<!tpu.dma_semaphore, #tpu.memory_space<semaphore_mem>>
      %dma_start3A = arith.constant 0 : i32
      %dma_start3A_46 = arith.constant 0 : i32
      %dma_start3A_47 = tpu.memref_slice %arg9[%dma_start3A, %dma_start3A_46] : memref<10240x128xf32, #tpu.memory_space<vmem_shared>> -> memref<10240x128xf32, #tpu.memory_space<vmem_shared>>
      tpu.enqueue_indirect_dma source(%arg4 : memref<128x128xf32, #tpu.memory_space<vmem>>) target(%dma_start3A_47 : memref<10240x128xf32, #tpu.memory_space<vmem_shared>>) offsets(%arg5 : memref<128xi32, #tpu.memory_space<vmem>>) semaphore(%run_scoped3A : memref<!tpu.dma_semaphore, #tpu.memory_space<semaphore_mem>>) {add = true}
      %dma_wait3A = arith.constant 0 : i32
      %dma_wait3A_48 = arith.constant 0 : i32
      %dma_wait3A_49 = tpu.memref_slice %arg9[%dma_wait3A, %dma_wait3A_48] : memref<10240x128xf32, #tpu.memory_space<vmem_shared>> -> memref<10240x128xf32, #tpu.memory_space<vmem_shared>>
      tpu.wait_indirect_dma semaphore(%run_scoped3A : memref<!tpu.dma_semaphore, #tpu.memory_space<semaphore_mem>>) src(%arg4 : memref<128x128xf32, #tpu.memory_space<vmem>>) dst(%dma_wait3A_49 : memref<10240x128xf32, #tpu.memory_space<vmem_shared>>)
      tpu.yield
    }) : () -> ()
    %add3A_36 = arith.constant 4992 : i32
    %add3A_37 = arith.addi %add3A, %add3A_36 : i32
    "tpu.region"() ({
      %run_scoped3A = tpu.sem_alloc : memref<!tpu.dma_semaphore, #tpu.memory_space<semaphore_mem>>
      %dma_start3A = tpu.memref_slice %arg2[%add3A_37] : memref<160000xi32, #tpu.memory_space<hbm>> -> memref<8xi32, #tpu.memory_space<hbm>>
      %dma_start3A_46 = tpu.memref_slice %arg2[%add3A_37] : memref<160000xi32, #tpu.memory_space<hbm>> -> memref<8xi32, #tpu.memory_space<hbm>>
      tpu.enqueue_dma source(%dma_start3A_46 : memref<8xi32, #tpu.memory_space<hbm>>) target(%arg7 : memref<8xi32, #tpu.memory_space<vmem>>) target_semaphore(%run_scoped3A : memref<!tpu.dma_semaphore, #tpu.memory_space<semaphore_mem>>)
      %dma_wait3A = tpu.memref_slice %arg2[%add3A_37] : memref<160000xi32, #tpu.memory_space<hbm>> -> memref<8xi32, #tpu.memory_space<hbm>>
      %dma_wait3A_47 = tpu.memref_slice %arg2[%add3A_37] : memref<160000xi32, #tpu.memory_space<hbm>> -> memref<8xi32, #tpu.memory_space<hbm>>
      tpu.wait_dma2 semaphore(%run_scoped3A : memref<!tpu.dma_semaphore, #tpu.memory_space<semaphore_mem>>) src(%dma_wait3A_47 : memref<8xi32, #tpu.memory_space<hbm>>) dst(%arg7 : memref<8xi32, #tpu.memory_space<vmem>>)
      tpu.yield
    }) : () -> ()
    "tpu.region"() ({
      %run_scoped3A = tpu.sem_alloc : memref<!tpu.dma_semaphore, #tpu.memory_space<semaphore_mem>>
      %dma_start3A = arith.constant 0 : i32
      %dma_start3A_46 = arith.constant 0 : i32
      %dma_start3A_47 = tpu.memref_slice %arg4[%dma_start3A, %dma_start3A_46] : memref<128x128xf32, #tpu.memory_space<vmem>> -> memref<8x128xf32, #tpu.memory_space<vmem>>
      %dma_start3A_48 = arith.constant 0 : i32
      %dma_start3A_49 = arith.constant 0 : i32
      %dma_start3A_50 = tpu.memref_slice %arg9[%dma_start3A_48, %dma_start3A_49] : memref<10240x128xf32, #tpu.memory_space<vmem_shared>> -> memref<10240x128xf32, #tpu.memory_space<vmem_shared>>
      tpu.enqueue_indirect_dma source(%dma_start3A_47 : memref<8x128xf32, #tpu.memory_space<vmem>>) target(%dma_start3A_50 : memref<10240x128xf32, #tpu.memory_space<vmem_shared>>) offsets(%arg7 : memref<8xi32, #tpu.memory_space<vmem>>) semaphore(%run_scoped3A : memref<!tpu.dma_semaphore, #tpu.memory_space<semaphore_mem>>) {add = true}
      %dma_wait3A = arith.constant 0 : i32
      %dma_wait3A_51 = arith.constant 0 : i32
      %dma_wait3A_52 = tpu.memref_slice %arg4[%dma_wait3A, %dma_wait3A_51] : memref<128x128xf32, #tpu.memory_space<vmem>> -> memref<8x128xf32, #tpu.memory_space<vmem>>
      %dma_wait3A_53 = arith.constant 0 : i32
      %dma_wait3A_54 = arith.constant 0 : i32
      %dma_wait3A_55 = tpu.memref_slice %arg9[%dma_wait3A_53, %dma_wait3A_54] : memref<10240x128xf32, #tpu.memory_space<vmem_shared>> -> memref<10240x128xf32, #tpu.memory_space<vmem_shared>>
      tpu.wait_indirect_dma semaphore(%run_scoped3A : memref<!tpu.dma_semaphore, #tpu.memory_space<semaphore_mem>>) src(%dma_wait3A_52 : memref<8x128xf32, #tpu.memory_space<vmem>>) dst(%dma_wait3A_55 : memref<10240x128xf32, #tpu.memory_space<vmem_shared>>)
      tpu.yield
    }) : () -> ()
    %barrier3A_38 = arith.constant 0 : index
    tpu.barrier barrier_id(%barrier3A_38)
    %lt3A = arith.constant 15 : i32
    %lt3A_39 = arith.cmpi slt, %arg1, %lt3A : i32
    %convert_element_type3A = arith.extui %lt3A_39 : i1 to i32
    %cond3A = arith.constant 0 : i32
    %cond3A_40 = arith.cmpi ne, %convert_element_type3A, %cond3A : i32
    scf.if %cond3A_40 {
      "tpu.region"() ({
        %run_scoped3A = tpu.sem_alloc : memref<!tpu.dma_semaphore, #tpu.memory_space<semaphore_mem>>
        %dma_start3A = arith.constant 0 : i32
        %dma_start3A_46 = tpu.memref_slice %arg3[%arg0, %mul3A_0, %dma_start3A] : memref<2x10000x128xf32, #tpu.memory_space<hbm>> -> memref<1x640x128xf32, #tpu.memory_space<hbm>>
        %dma_start3A_47 = tpu.memref_squeeze %dma_start3A_46 : memref<1x640x128xf32, #tpu.memory_space<hbm>> -> memref<640x128xf32, #tpu.memory_space<hbm>>
        %dma_start3A_48 = arith.constant 0 : i32
        %dma_start3A_49 = tpu.memref_slice %arg9[%mul3A_0, %dma_start3A_48] : memref<10240x128xf32, #tpu.memory_space<vmem_shared>> -> memref<640x128xf32, #tpu.memory_space<vmem_shared>>
        tpu.enqueue_dma source(%dma_start3A_49 : memref<640x128xf32, #tpu.memory_space<vmem_shared>>) target(%dma_start3A_47 : memref<640x128xf32, #tpu.memory_space<hbm>>) target_semaphore(%run_scoped3A : memref<!tpu.dma_semaphore, #tpu.memory_space<semaphore_mem>>)
        %dma_wait3A = arith.constant 0 : i32
        %dma_wait3A_50 = tpu.memref_slice %arg3[%arg0, %mul3A_0, %dma_wait3A] : memref<2x10000x128xf32, #tpu.memory_space<hbm>> -> memref<1x640x128xf32, #tpu.memory_space<hbm>>
        %dma_wait3A_51 = tpu.memref_squeeze %dma_wait3A_50 : memref<1x640x128xf32, #tpu.memory_space<hbm>> -> memref<640x128xf32, #tpu.memory_space<hbm>>
        %dma_wait3A_52 = arith.constant 0 : i32
        %dma_wait3A_53 = tpu.memref_slice %arg9[%mul3A_0, %dma_wait3A_52] : memref<10240x128xf32, #tpu.memory_space<vmem_shared>> -> memref<640x128xf32, #tpu.memory_space<vmem_shared>>
        tpu.wait_dma2 semaphore(%run_scoped3A : memref<!tpu.dma_semaphore, #tpu.memory_space<semaphore_mem>>) src(%dma_wait3A_53 : memref<640x128xf32, #tpu.memory_space<vmem_shared>>) dst(%dma_wait3A_51 : memref<640x128xf32, #tpu.memory_space<hbm>>)
        tpu.yield
      }) : () -> ()
    } else {
    }
    %eq3A_41 = arith.constant 15 : i32
    %eq3A_42 = arith.cmpi eq, %arg1, %eq3A_41 : i32
    %convert_element_type3A_43 = arith.extui %eq3A_42 : i1 to i32
    %cond3A_44 = arith.constant 0 : i32
    %cond3A_45 = arith.cmpi ne, %convert_element_type3A_43, %cond3A_44 : i32
    scf.if %cond3A_45 {
      "tpu.region"() ({
        %run_scoped3A = tpu.sem_alloc : memref<!tpu.dma_semaphore, #tpu.memory_space<semaphore_mem>>
        %dma_start3A = arith.constant 0 : i32
        %dma_start3A_46 = tpu.memref_slice %arg3[%arg0, %mul3A_0, %dma_start3A] : memref<2x10000x128xf32, #tpu.memory_space<hbm>> -> memref<1x400x128xf32, #tpu.memory_space<hbm>>
        %dma_start3A_47 = tpu.memref_squeeze %dma_start3A_46 : memref<1x400x128xf32, #tpu.memory_space<hbm>> -> memref<400x128xf32, #tpu.memory_space<hbm>>
        %dma_start3A_48 = arith.constant 0 : i32
        %dma_start3A_49 = tpu.memref_slice %arg9[%mul3A_0, %dma_start3A_48] : memref<10240x128xf32, #tpu.memory_space<vmem_shared>> -> memref<400x128xf32, #tpu.memory_space<vmem_shared>>
        tpu.enqueue_dma source(%dma_start3A_49 : memref<400x128xf32, #tpu.memory_space<vmem_shared>>) target(%dma_start3A_47 : memref<400x128xf32, #tpu.memory_space<hbm>>) target_semaphore(%run_scoped3A : memref<!tpu.dma_semaphore, #tpu.memory_space<semaphore_mem>>)
        %dma_wait3A = arith.constant 0 : i32
        %dma_wait3A_50 = tpu.memref_slice %arg3[%arg0, %mul3A_0, %dma_wait3A] : memref<2x10000x128xf32, #tpu.memory_space<hbm>> -> memref<1x400x128xf32, #tpu.memory_space<hbm>>
        %dma_wait3A_51 = tpu.memref_squeeze %dma_wait3A_50 : memref<1x400x128xf32, #tpu.memory_space<hbm>> -> memref<400x128xf32, #tpu.memory_space<hbm>>
        %dma_wait3A_52 = arith.constant 0 : i32
        %dma_wait3A_53 = tpu.memref_slice %arg9[%mul3A_0, %dma_wait3A_52] : memref<10240x128xf32, #tpu.memory_space<vmem_shared>> -> memref<400x128xf32, #tpu.memory_space<vmem_shared>>
        tpu.wait_dma2 semaphore(%run_scoped3A : memref<!tpu.dma_semaphore, #tpu.memory_space<semaphore_mem>>) src(%dma_wait3A_53 : memref<400x128xf32, #tpu.memory_space<vmem_shared>>) dst(%dma_wait3A_51 : memref<400x128xf32, #tpu.memory_space<hbm>>)
        tpu.yield
      }) : () -> ()
    } else {
    }
    return
  }
}

#map = affine_map<(d0, d1) -> (0, 0)>
#map1 = affine_map<(d0, d1) -> (0)>
#map2 = affine_map<(d0, d1) -> (0, 0, 0)>
module attributes {stable_mosaic.version = 14 : i64} {
  func.func @sage_agg(%arg0: i32, %arg1: i32, %arg2: memref<20000x128xf32, #tpu.memory_space<hbm>>, %arg3: memref<160000xi32, #tpu.memory_space<hbm>>, %arg4: memref<160000xi32, #tpu.memory_space<hbm>>, %arg5: memref<2x10000x128xf32, #tpu.memory_space<hbm>>, %arg6: memref<80xi32, #tpu.memory_space<vmem>>, %arg7: memref<80xi32, #tpu.memory_space<vmem>>, %arg8: memref<80xi32, #tpu.memory_space<vmem>>, %arg9: memref<80xi32, #tpu.memory_space<vmem>>, %arg10: memref<80xi32, #tpu.memory_space<vmem>>, %arg11: memref<80xi32, #tpu.memory_space<vmem>>, %arg12: memref<80x128xf32, #tpu.memory_space<vmem>>, %arg13: memref<80x128xf32, #tpu.memory_space<vmem>>, %arg14: memref<16x128xf32, #tpu.memory_space<vmem>>, %arg15: memref<10240x128xf32, #tpu.memory_space<vmem_shared>>, %arg16: memref<!tpu.dma_semaphore, #tpu.memory_space<semaphore_mem>>) attributes {dimension_semantics = [#tpu.dimension_semantics<core_parallel>, #tpu.dimension_semantics<subcore_parallel>], iteration_bounds = array<i64: 2, 16>, scalar_prefetch = 0 : i64, scratch_operands = 11 : i64, tpu.core_type = #tpu.core_type<sc_vector_subcore>, window_params = [{transform_indices = #map}, {transform_indices = #map1}, {transform_indices = #map1}, {transform_indices = #map2}]} {
    %mul3A = arith.constant 640 : i32
    %mul3A_0 = arith.muli %arg1, %mul3A : i32
    %broadcast_in_dim3A = arith.constant 0.000000e+00 : f32
    %broadcast_in_dim3A_1 = vector.broadcast %broadcast_in_dim3A : f32 to vector<16xf32>
    %scan3A = arith.constant 0 : i32
    %scan3A_2 = arith.constant 0 : i32
    %scan3A_3 = arith.constant 16 : i32
    %scan3A_4 = arith.addi %scan3A_2, %scan3A_3 : i32
    %scan3A_5 = arith.constant 1 : i32
    scf.for %scan3A_97 = %scan3A_2 to %scan3A_4 step %scan3A_5  : i32 {
      %swap3A_98 = arith.index_cast %scan3A_97 : i32 to index
      %swap3A_99 = arith.constant 0 : index
      %swap3A_100 = tpu.vector_load %arg14[%swap3A_98, %swap3A_99] {strides = array<i32>} : memref<16x128xf32, #tpu.memory_space<vmem>>, vector<1x16xf32>,
      %swap3A_101 = vector.shape_cast %swap3A_100 : vector<1x16xf32> to vector<16xf32>
      %swap3A_102 = vector.shape_cast %broadcast_in_dim3A_1 : vector<16xf32> to vector<1x16xf32>
      tpu.vector_store %arg14[%swap3A_98, %swap3A_99], %swap3A_102 {strides = array<i32>} : memref<16x128xf32, #tpu.memory_space<vmem>>, vector<1x16xf32>,
      %swap3A_103 = arith.index_cast %scan3A_97 : i32 to index
      %swap3A_104 = arith.constant 16 : index
      %swap3A_105 = tpu.vector_load %arg14[%swap3A_103, %swap3A_104] {strides = array<i32>} : memref<16x128xf32, #tpu.memory_space<vmem>>, vector<1x16xf32>,
      %swap3A_106 = vector.shape_cast %swap3A_105 : vector<1x16xf32> to vector<16xf32>
      %swap3A_107 = vector.shape_cast %broadcast_in_dim3A_1 : vector<16xf32> to vector<1x16xf32>
      tpu.vector_store %arg14[%swap3A_103, %swap3A_104], %swap3A_107 {strides = array<i32>} : memref<16x128xf32, #tpu.memory_space<vmem>>, vector<1x16xf32>,
      %swap3A_108 = arith.index_cast %scan3A_97 : i32 to index
      %swap3A_109 = arith.constant 32 : index
      %swap3A_110 = tpu.vector_load %arg14[%swap3A_108, %swap3A_109] {strides = array<i32>} : memref<16x128xf32, #tpu.memory_space<vmem>>, vector<1x16xf32>,
      %swap3A_111 = vector.shape_cast %swap3A_110 : vector<1x16xf32> to vector<16xf32>
      %swap3A_112 = vector.shape_cast %broadcast_in_dim3A_1 : vector<16xf32> to vector<1x16xf32>
      tpu.vector_store %arg14[%swap3A_108, %swap3A_109], %swap3A_112 {strides = array<i32>} : memref<16x128xf32, #tpu.memory_space<vmem>>, vector<1x16xf32>,
      %swap3A_113 = arith.index_cast %scan3A_97 : i32 to index
      %swap3A_114 = arith.constant 48 : index
      %swap3A_115 = tpu.vector_load %arg14[%swap3A_113, %swap3A_114] {strides = array<i32>} : memref<16x128xf32, #tpu.memory_space<vmem>>, vector<1x16xf32>,
      %swap3A_116 = vector.shape_cast %swap3A_115 : vector<1x16xf32> to vector<16xf32>
      %swap3A_117 = vector.shape_cast %broadcast_in_dim3A_1 : vector<16xf32> to vector<1x16xf32>
      tpu.vector_store %arg14[%swap3A_113, %swap3A_114], %swap3A_117 {strides = array<i32>} : memref<16x128xf32, #tpu.memory_space<vmem>>, vector<1x16xf32>,
      %swap3A_118 = arith.index_cast %scan3A_97 : i32 to index
      %swap3A_119 = arith.constant 64 : index
      %swap3A_120 = tpu.vector_load %arg14[%swap3A_118, %swap3A_119] {strides = array<i32>} : memref<16x128xf32, #tpu.memory_space<vmem>>, vector<1x16xf32>,
      %swap3A_121 = vector.shape_cast %swap3A_120 : vector<1x16xf32> to vector<16xf32>
      %swap3A_122 = vector.shape_cast %broadcast_in_dim3A_1 : vector<16xf32> to vector<1x16xf32>
      tpu.vector_store %arg14[%swap3A_118, %swap3A_119], %swap3A_122 {strides = array<i32>} : memref<16x128xf32, #tpu.memory_space<vmem>>, vector<1x16xf32>,
      %swap3A_123 = arith.index_cast %scan3A_97 : i32 to index
      %swap3A_124 = arith.constant 80 : index
      %swap3A_125 = tpu.vector_load %arg14[%swap3A_123, %swap3A_124] {strides = array<i32>} : memref<16x128xf32, #tpu.memory_space<vmem>>, vector<1x16xf32>,
      %swap3A_126 = vector.shape_cast %swap3A_125 : vector<1x16xf32> to vector<16xf32>
      %swap3A_127 = vector.shape_cast %broadcast_in_dim3A_1 : vector<16xf32> to vector<1x16xf32>
      tpu.vector_store %arg14[%swap3A_123, %swap3A_124], %swap3A_127 {strides = array<i32>} : memref<16x128xf32, #tpu.memory_space<vmem>>, vector<1x16xf32>,
      %swap3A_128 = arith.index_cast %scan3A_97 : i32 to index
      %swap3A_129 = arith.constant 96 : index
      %swap3A_130 = tpu.vector_load %arg14[%swap3A_128, %swap3A_129] {strides = array<i32>} : memref<16x128xf32, #tpu.memory_space<vmem>>, vector<1x16xf32>,
      %swap3A_131 = vector.shape_cast %swap3A_130 : vector<1x16xf32> to vector<16xf32>
      %swap3A_132 = vector.shape_cast %broadcast_in_dim3A_1 : vector<16xf32> to vector<1x16xf32>
      tpu.vector_store %arg14[%swap3A_128, %swap3A_129], %swap3A_132 {strides = array<i32>} : memref<16x128xf32, #tpu.memory_space<vmem>>, vector<1x16xf32>,
      %swap3A_133 = arith.index_cast %scan3A_97 : i32 to index
      %swap3A_134 = arith.constant 112 : index
      %swap3A_135 = tpu.vector_load %arg14[%swap3A_133, %swap3A_134] {strides = array<i32>} : memref<16x128xf32, #tpu.memory_space<vmem>>, vector<1x16xf32>,
      %swap3A_136 = vector.shape_cast %swap3A_135 : vector<1x16xf32> to vector<16xf32>
      %swap3A_137 = vector.shape_cast %broadcast_in_dim3A_1 : vector<16xf32> to vector<1x16xf32>
      tpu.vector_store %arg14[%swap3A_133, %swap3A_134], %swap3A_137 {strides = array<i32>} : memref<16x128xf32, #tpu.memory_space<vmem>>, vector<1x16xf32>,
    }
    %scan3A_6 = arith.constant 16 : i32
    %eq3A = arith.constant 15 : i32
    %eq3A_7 = arith.cmpi eq, %arg1, %eq3A : i32
    %jit3A = arith.constant 25 : i32
    %jit3A_8 = arith.constant 40 : i32
    %select_n3A = arith.select %eq3A_7, %jit3A, %jit3A_8 : i32
    %while3A = arith.constant 0 : i32
    %while3A_9 = arith.constant 0 : i32
    %while3A_10 = arith.subi %select_n3A, %while3A_9 : i32
    %while3A_11 = arith.addi %while3A_9, %while3A_10 : i32
    %while3A_12 = arith.constant 1 : i32
    %while3A_13 = arith.divsi %while3A_10, %while3A_12 : i32
    %while3A_14 = arith.muli %while3A_13, %while3A_12 : i32
    %while3A_15 = arith.addi %while3A_9, %while3A_14 : i32
    %while3A_16 = arith.constant 1 : i32
    scf.for %while3A_97 = %while3A_9 to %while3A_15 step %while3A_16  : i32 {
      %mul3A_98 = arith.constant 16 : i32
      %mul3A_99 = arith.muli %while3A_97, %mul3A_98 : i32
      %add3A_100 = arith.addi %mul3A_0, %mul3A_99 : i32
      "tpu.region"() ({
        %run_scoped3A = tpu.sem_alloc : memref<!tpu.dma_semaphore, #tpu.memory_space<semaphore_mem>>
        %dma_start3A_101 = arith.constant 0 : i32
        %dma_start3A_102 = tpu.memref_slice %arg15[%add3A_100, %dma_start3A_101] : memref<10240x128xf32, #tpu.memory_space<vmem_shared>> -> memref<16x128xf32, #tpu.memory_space<vmem_shared>>
        %dma_start3A_103 = arith.constant 0 : i32
        %dma_start3A_104 = tpu.memref_slice %arg15[%add3A_100, %dma_start3A_103] : memref<10240x128xf32, #tpu.memory_space<vmem_shared>> -> memref<16x128xf32, #tpu.memory_space<vmem_shared>>
        tpu.enqueue_dma source(%arg14 : memref<16x128xf32, #tpu.memory_space<vmem>>) target(%dma_start3A_104 : memref<16x128xf32, #tpu.memory_space<vmem_shared>>) target_semaphore(%run_scoped3A : memref<!tpu.dma_semaphore, #tpu.memory_space<semaphore_mem>>)
        %dma_wait3A_105 = arith.constant 0 : i32
        %dma_wait3A_106 = tpu.memref_slice %arg15[%add3A_100, %dma_wait3A_105] : memref<10240x128xf32, #tpu.memory_space<vmem_shared>> -> memref<16x128xf32, #tpu.memory_space<vmem_shared>>
        %dma_wait3A_107 = arith.constant 0 : i32
        %dma_wait3A_108 = tpu.memref_slice %arg15[%add3A_100, %dma_wait3A_107] : memref<10240x128xf32, #tpu.memory_space<vmem_shared>> -> memref<16x128xf32, #tpu.memory_space<vmem_shared>>
        tpu.wait_dma2 semaphore(%run_scoped3A : memref<!tpu.dma_semaphore, #tpu.memory_space<semaphore_mem>>) src(%arg14 : memref<16x128xf32, #tpu.memory_space<vmem>>) dst(%dma_wait3A_108 : memref<16x128xf32, #tpu.memory_space<vmem_shared>>)
        tpu.yield
      }) : () -> ()
    }
    %while3A_17 = arith.constant 1 : i32
    scf.for %while3A_97 = %while3A_15 to %while3A_11 step %while3A_17  : i32 {
      %mul3A_98 = arith.constant 16 : i32
      %mul3A_99 = arith.muli %while3A_97, %mul3A_98 : i32
      %add3A_100 = arith.addi %mul3A_0, %mul3A_99 : i32
      "tpu.region"() ({
        %run_scoped3A = tpu.sem_alloc : memref<!tpu.dma_semaphore, #tpu.memory_space<semaphore_mem>>
        %dma_start3A_101 = arith.constant 0 : i32
        %dma_start3A_102 = tpu.memref_slice %arg15[%add3A_100, %dma_start3A_101] : memref<10240x128xf32, #tpu.memory_space<vmem_shared>> -> memref<16x128xf32, #tpu.memory_space<vmem_shared>>
        %dma_start3A_103 = arith.constant 0 : i32
        %dma_start3A_104 = tpu.memref_slice %arg15[%add3A_100, %dma_start3A_103] : memref<10240x128xf32, #tpu.memory_space<vmem_shared>> -> memref<16x128xf32, #tpu.memory_space<vmem_shared>>
        tpu.enqueue_dma source(%arg14 : memref<16x128xf32, #tpu.memory_space<vmem>>) target(%dma_start3A_104 : memref<16x128xf32, #tpu.memory_space<vmem_shared>>) target_semaphore(%run_scoped3A : memref<!tpu.dma_semaphore, #tpu.memory_space<semaphore_mem>>)
        %dma_wait3A_105 = arith.constant 0 : i32
        %dma_wait3A_106 = tpu.memref_slice %arg15[%add3A_100, %dma_wait3A_105] : memref<10240x128xf32, #tpu.memory_space<vmem_shared>> -> memref<16x128xf32, #tpu.memory_space<vmem_shared>>
        %dma_wait3A_107 = arith.constant 0 : i32
        %dma_wait3A_108 = tpu.memref_slice %arg15[%add3A_100, %dma_wait3A_107] : memref<10240x128xf32, #tpu.memory_space<vmem_shared>> -> memref<16x128xf32, #tpu.memory_space<vmem_shared>>
        tpu.wait_dma2 semaphore(%run_scoped3A : memref<!tpu.dma_semaphore, #tpu.memory_space<semaphore_mem>>) src(%arg14 : memref<16x128xf32, #tpu.memory_space<vmem>>) dst(%dma_wait3A_108 : memref<16x128xf32, #tpu.memory_space<vmem_shared>>)
        tpu.yield
      }) : () -> ()
    }
    %barrier3A = arith.constant 0 : index
    tpu.barrier barrier_id(%barrier3A)
    %mul3A_18 = arith.constant 10000 : i32
    %mul3A_19 = arith.muli %arg1, %mul3A_18 : i32
    %add3A = arith.constant 0 : i32
    %add3A_20 = arith.addi %mul3A_19, %add3A : i32
    "tpu.region"() ({
      %run_scoped3A = tpu.sem_alloc : memref<!tpu.dma_semaphore, #tpu.memory_space<semaphore_mem>>
      %dma_start3A_97 = tpu.memref_slice %arg3[%add3A_20] : memref<160000xi32, #tpu.memory_space<hbm>> -> memref<80xi32, #tpu.memory_space<hbm>>
      %dma_start3A_98 = tpu.memref_slice %arg3[%add3A_20] : memref<160000xi32, #tpu.memory_space<hbm>> -> memref<80xi32, #tpu.memory_space<hbm>>
      tpu.enqueue_dma source(%dma_start3A_98 : memref<80xi32, #tpu.memory_space<hbm>>) target(%arg6 : memref<80xi32, #tpu.memory_space<vmem>>) target_semaphore(%run_scoped3A : memref<!tpu.dma_semaphore, #tpu.memory_space<semaphore_mem>>)
      %dma_wait3A_99 = tpu.memref_slice %arg3[%add3A_20] : memref<160000xi32, #tpu.memory_space<hbm>> -> memref<80xi32, #tpu.memory_space<hbm>>
      %dma_wait3A_100 = tpu.memref_slice %arg3[%add3A_20] : memref<160000xi32, #tpu.memory_space<hbm>> -> memref<80xi32, #tpu.memory_space<hbm>>
      tpu.wait_dma2 semaphore(%run_scoped3A : memref<!tpu.dma_semaphore, #tpu.memory_space<semaphore_mem>>) src(%dma_wait3A_100 : memref<80xi32, #tpu.memory_space<hbm>>) dst(%arg6 : memref<80xi32, #tpu.memory_space<vmem>>)
      tpu.yield
    }) : () -> ()
    "tpu.region"() ({
      %run_scoped3A = tpu.sem_alloc : memref<!tpu.dma_semaphore, #tpu.memory_space<semaphore_mem>>
      %dma_start3A_97 = tpu.memref_slice %arg4[%add3A_20] : memref<160000xi32, #tpu.memory_space<hbm>> -> memref<80xi32, #tpu.memory_space<hbm>>
      %dma_start3A_98 = tpu.memref_slice %arg4[%add3A_20] : memref<160000xi32, #tpu.memory_space<hbm>> -> memref<80xi32, #tpu.memory_space<hbm>>
      tpu.enqueue_dma source(%dma_start3A_98 : memref<80xi32, #tpu.memory_space<hbm>>) target(%arg10 : memref<80xi32, #tpu.memory_space<vmem>>) target_semaphore(%run_scoped3A : memref<!tpu.dma_semaphore, #tpu.memory_space<semaphore_mem>>)
      %dma_wait3A_99 = tpu.memref_slice %arg4[%add3A_20] : memref<160000xi32, #tpu.memory_space<hbm>> -> memref<80xi32, #tpu.memory_space<hbm>>
      %dma_wait3A_100 = tpu.memref_slice %arg4[%add3A_20] : memref<160000xi32, #tpu.memory_space<hbm>> -> memref<80xi32, #tpu.memory_space<hbm>>
      tpu.wait_dma2 semaphore(%run_scoped3A : memref<!tpu.dma_semaphore, #tpu.memory_space<semaphore_mem>>) src(%dma_wait3A_100 : memref<80xi32, #tpu.memory_space<hbm>>) dst(%arg10 : memref<80xi32, #tpu.memory_space<vmem>>)
      tpu.yield
    }) : () -> ()
    %get3A = arith.constant 0 : index
    %get3A_21 = tpu.vector_load %arg6[%get3A] {strides = array<i32>} : memref<80xi32, #tpu.memory_space<vmem>>, vector<16xi32>,
    %get3A_22 = vector.shape_cast %get3A_21 : vector<16xi32> to vector<16xi32>
    %mul3A_23 = arith.constant 2 : i32
    %mul3A_24 = vector.broadcast %mul3A_23 : i32 to vector<16xi32>
    %mul3A_25 = arith.muli %get3A_22, %mul3A_24 : vector<16xi32>
    %add3A_26 = vector.broadcast %arg0 : i32 to vector<16xi32>
    %add3A_27 = arith.addi %mul3A_25, %add3A_26 : vector<16xi32>
    %swap3A = arith.constant 0 : index
    %swap3A_28 = tpu.vector_load %arg8[%swap3A] {strides = array<i32>} : memref<80xi32, #tpu.memory_space<vmem>>, vector<16xi32>,
    %swap3A_29 = vector.shape_cast %swap3A_28 : vector<16xi32> to vector<16xi32>
    %swap3A_30 = vector.shape_cast %add3A_27 : vector<16xi32> to vector<16xi32>
    tpu.vector_store %arg8[%swap3A], %swap3A_30 {strides = array<i32>} : memref<80xi32, #tpu.memory_space<vmem>>, vector<16xi32>,
    %get3A_31 = arith.constant 16 : index
    %get3A_32 = tpu.vector_load %arg6[%get3A_31] {strides = array<i32>} : memref<80xi32, #tpu.memory_space<vmem>>, vector<16xi32>,
    %get3A_33 = vector.shape_cast %get3A_32 : vector<16xi32> to vector<16xi32>
    %mul3A_34 = arith.constant 2 : i32
    %mul3A_35 = vector.broadcast %mul3A_34 : i32 to vector<16xi32>
    %mul3A_36 = arith.muli %get3A_33, %mul3A_35 : vector<16xi32>
    %add3A_37 = vector.broadcast %arg0 : i32 to vector<16xi32>
    %add3A_38 = arith.addi %mul3A_36, %add3A_37 : vector<16xi32>
    %swap3A_39 = arith.constant 16 : index
    %swap3A_40 = tpu.vector_load %arg8[%swap3A_39] {strides = array<i32>} : memref<80xi32, #tpu.memory_space<vmem>>, vector<16xi32>,
    %swap3A_41 = vector.shape_cast %swap3A_40 : vector<16xi32> to vector<16xi32>
    %swap3A_42 = vector.shape_cast %add3A_38 : vector<16xi32> to vector<16xi32>
    tpu.vector_store %arg8[%swap3A_39], %swap3A_42 {strides = array<i32>} : memref<80xi32, #tpu.memory_space<vmem>>, vector<16xi32>,
    %get3A_43 = arith.constant 32 : index
    %get3A_44 = tpu.vector_load %arg6[%get3A_43] {strides = array<i32>} : memref<80xi32, #tpu.memory_space<vmem>>, vector<16xi32>,
    %get3A_45 = vector.shape_cast %get3A_44 : vector<16xi32> to vector<16xi32>
    %mul3A_46 = arith.constant 2 : i32
    %mul3A_47 = vector.broadcast %mul3A_46 : i32 to vector<16xi32>
    %mul3A_48 = arith.muli %get3A_45, %mul3A_47 : vector<16xi32>
    %add3A_49 = vector.broadcast %arg0 : i32 to vector<16xi32>
    %add3A_50 = arith.addi %mul3A_48, %add3A_49 : vector<16xi32>
    %swap3A_51 = arith.constant 32 : index
    %swap3A_52 = tpu.vector_load %arg8[%swap3A_51] {strides = array<i32>} : memref<80xi32, #tpu.memory_space<vmem>>, vector<16xi32>,
    %swap3A_53 = vector.shape_cast %swap3A_52 : vector<16xi32> to vector<16xi32>
    %swap3A_54 = vector.shape_cast %add3A_50 : vector<16xi32> to vector<16xi32>
    tpu.vector_store %arg8[%swap3A_51], %swap3A_54 {strides = array<i32>} : memref<80xi32, #tpu.memory_space<vmem>>, vector<16xi32>,
    %get3A_55 = arith.constant 48 : index
    %get3A_56 = tpu.vector_load %arg6[%get3A_55] {strides = array<i32>} : memref<80xi32, #tpu.memory_space<vmem>>, vector<16xi32>,
    %get3A_57 = vector.shape_cast %get3A_56 : vector<16xi32> to vector<16xi32>
    %mul3A_58 = arith.constant 2 : i32
    %mul3A_59 = vector.broadcast %mul3A_58 : i32 to vector<16xi32>
    %mul3A_60 = arith.muli %get3A_57, %mul3A_59 : vector<16xi32>
    %add3A_61 = vector.broadcast %arg0 : i32 to vector<16xi32>
    %add3A_62 = arith.addi %mul3A_60, %add3A_61 : vector<16xi32>
    %swap3A_63 = arith.constant 48 : index
    %swap3A_64 = tpu.vector_load %arg8[%swap3A_63] {strides = array<i32>} : memref<80xi32, #tpu.memory_space<vmem>>, vector<16xi32>,
    %swap3A_65 = vector.shape_cast %swap3A_64 : vector<16xi32> to vector<16xi32>
    %swap3A_66 = vector.shape_cast %add3A_62 : vector<16xi32> to vector<16xi32>
    tpu.vector_store %arg8[%swap3A_63], %swap3A_66 {strides = array<i32>} : memref<80xi32, #tpu.memory_space<vmem>>, vector<16xi32>,
    %get3A_67 = arith.constant 64 : index
    %get3A_68 = tpu.vector_load %arg6[%get3A_67] {strides = array<i32>} : memref<80xi32, #tpu.memory_space<vmem>>, vector<16xi32>,
    %get3A_69 = vector.shape_cast %get3A_68 : vector<16xi32> to vector<16xi32>
    %mul3A_70 = arith.constant 2 : i32
    %mul3A_71 = vector.broadcast %mul3A_70 : i32 to vector<16xi32>
    %mul3A_72 = arith.muli %get3A_69, %mul3A_71 : vector<16xi32>
    %add3A_73 = vector.broadcast %arg0 : i32 to vector<16xi32>
    %add3A_74 = arith.addi %mul3A_72, %add3A_73 : vector<16xi32>
    %swap3A_75 = arith.constant 64 : index
    %swap3A_76 = tpu.vector_load %arg8[%swap3A_75] {strides = array<i32>} : memref<80xi32, #tpu.memory_space<vmem>>, vector<16xi32>,
    %swap3A_77 = vector.shape_cast %swap3A_76 : vector<16xi32> to vector<16xi32>
    %swap3A_78 = vector.shape_cast %add3A_74 : vector<16xi32> to vector<16xi32>
    tpu.vector_store %arg8[%swap3A_75], %swap3A_78 {strides = array<i32>} : memref<80xi32, #tpu.memory_space<vmem>>, vector<16xi32>,
    %dma_start3A = arith.constant 0 : i32
    %dma_start3A_79 = arith.constant 0 : i32
    %dma_start3A_80 = tpu.memref_slice %arg2[%dma_start3A, %dma_start3A_79] : memref<20000x128xf32, #tpu.memory_space<hbm>> -> memref<20000x128xf32, #tpu.memory_space<hbm>>
    tpu.enqueue_indirect_dma source(%dma_start3A_80 : memref<20000x128xf32, #tpu.memory_space<hbm>>) target(%arg12 : memref<80x128xf32, #tpu.memory_space<vmem>>) offsets(%arg8 : memref<80xi32, #tpu.memory_space<vmem>>) semaphore(%arg16 : memref<!tpu.dma_semaphore, #tpu.memory_space<semaphore_mem>>)
    %scan3A_81 = arith.constant 0 : i32
    %scan3A_82 = arith.constant 0 : i32
    %scan3A_83 = arith.constant 62 : i32
    %scan3A_84 = arith.addi %scan3A_82, %scan3A_83 : i32
    %scan3A_85 = arith.constant 1 : i32
    scf.for %scan3A_97 = %scan3A_82 to %scan3A_84 step %scan3A_85  : i32 {
      %mul3A_98 = arith.constant 2 : i32
      %mul3A_99 = arith.muli %mul3A_98, %scan3A_97 : i32
      %add3A_100 = arith.constant 0 : i32
      %add3A_101 = arith.addi %mul3A_99, %add3A_100 : i32
      %add3A_102 = arith.constant 1 : i32
      %add3A_103 = arith.addi %add3A_101, %add3A_102 : i32
      %mul3A_104 = arith.constant 80 : i32
      %mul3A_105 = arith.muli %add3A_103, %mul3A_104 : i32
      %add3A_106 = arith.addi %mul3A_19, %mul3A_105 : i32
      "tpu.region"() ({
        %run_scoped3A = tpu.sem_alloc : memref<!tpu.dma_semaphore, #tpu.memory_space<semaphore_mem>>
        %dma_start3A_248 = tpu.memref_slice %arg3[%add3A_106] : memref<160000xi32, #tpu.memory_space<hbm>> -> memref<80xi32, #tpu.memory_space<hbm>>
        %dma_start3A_249 = tpu.memref_slice %arg3[%add3A_106] : memref<160000xi32, #tpu.memory_space<hbm>> -> memref<80xi32, #tpu.memory_space<hbm>>
        tpu.enqueue_dma source(%dma_start3A_249 : memref<80xi32, #tpu.memory_space<hbm>>) target(%arg7 : memref<80xi32, #tpu.memory_space<vmem>>) target_semaphore(%run_scoped3A : memref<!tpu.dma_semaphore, #tpu.memory_space<semaphore_mem>>)
        %dma_wait3A_250 = tpu.memref_slice %arg3[%add3A_106] : memref<160000xi32, #tpu.memory_space<hbm>> -> memref<80xi32, #tpu.memory_space<hbm>>
        %dma_wait3A_251 = tpu.memref_slice %arg3[%add3A_106] : memref<160000xi32, #tpu.memory_space<hbm>> -> memref<80xi32, #tpu.memory_space<hbm>>
        tpu.wait_dma2 semaphore(%run_scoped3A : memref<!tpu.dma_semaphore, #tpu.memory_space<semaphore_mem>>) src(%dma_wait3A_251 : memref<80xi32, #tpu.memory_space<hbm>>) dst(%arg7 : memref<80xi32, #tpu.memory_space<vmem>>)
        tpu.yield
      }) : () -> ()
      "tpu.region"() ({
        %run_scoped3A = tpu.sem_alloc : memref<!tpu.dma_semaphore, #tpu.memory_space<semaphore_mem>>
        %dma_start3A_248 = tpu.memref_slice %arg4[%add3A_106] : memref<160000xi32, #tpu.memory_space<hbm>> -> memref<80xi32, #tpu.memory_space<hbm>>
        %dma_start3A_249 = tpu.memref_slice %arg4[%add3A_106] : memref<160000xi32, #tpu.memory_space<hbm>> -> memref<80xi32, #tpu.memory_space<hbm>>
        tpu.enqueue_dma source(%dma_start3A_249 : memref<80xi32, #tpu.memory_space<hbm>>) target(%arg11 : memref<80xi32, #tpu.memory_space<vmem>>) target_semaphore(%run_scoped3A : memref<!tpu.dma_semaphore, #tpu.memory_space<semaphore_mem>>)
        %dma_wait3A_250 = tpu.memref_slice %arg4[%add3A_106] : memref<160000xi32, #tpu.memory_space<hbm>> -> memref<80xi32, #tpu.memory_space<hbm>>
        %dma_wait3A_251 = tpu.memref_slice %arg4[%add3A_106] : memref<160000xi32, #tpu.memory_space<hbm>> -> memref<80xi32, #tpu.memory_space<hbm>>
        tpu.wait_dma2 semaphore(%run_scoped3A : memref<!tpu.dma_semaphore, #tpu.memory_space<semaphore_mem>>) src(%dma_wait3A_251 : memref<80xi32, #tpu.memory_space<hbm>>) dst(%arg11 : memref<80xi32, #tpu.memory_space<vmem>>)
        tpu.yield
      }) : () -> ()
      %get3A_107 = arith.constant 0 : index
      %get3A_108 = tpu.vector_load %arg7[%get3A_107] {strides = array<i32>} : memref<80xi32, #tpu.memory_space<vmem>>, vector<16xi32>,
      %get3A_109 = vector.shape_cast %get3A_108 : vector<16xi32> to vector<16xi32>
      %mul3A_110 = arith.constant 2 : i32
      %mul3A_111 = vector.broadcast %mul3A_110 : i32 to vector<16xi32>
      %mul3A_112 = arith.muli %get3A_109, %mul3A_111 : vector<16xi32>
      %add3A_113 = vector.broadcast %arg0 : i32 to vector<16xi32>
      %add3A_114 = arith.addi %mul3A_112, %add3A_113 : vector<16xi32>
      %swap3A_115 = arith.constant 0 : index
      %swap3A_116 = tpu.vector_load %arg9[%swap3A_115] {strides = array<i32>} : memref<80xi32, #tpu.memory_space<vmem>>, vector<16xi32>,
      %swap3A_117 = vector.shape_cast %swap3A_116 : vector<16xi32> to vector<16xi32>
      %swap3A_118 = vector.shape_cast %add3A_114 : vector<16xi32> to vector<16xi32>
      tpu.vector_store %arg9[%swap3A_115], %swap3A_118 {strides = array<i32>} : memref<80xi32, #tpu.memory_space<vmem>>, vector<16xi32>,
      %get3A_119 = arith.constant 16 : index
      %get3A_120 = tpu.vector_load %arg7[%get3A_119] {strides = array<i32>} : memref<80xi32, #tpu.memory_space<vmem>>, vector<16xi32>,
      %get3A_121 = vector.shape_cast %get3A_120 : vector<16xi32> to vector<16xi32>
      %mul3A_122 = arith.constant 2 : i32
      %mul3A_123 = vector.broadcast %mul3A_122 : i32 to vector<16xi32>
      %mul3A_124 = arith.muli %get3A_121, %mul3A_123 : vector<16xi32>
      %add3A_125 = vector.broadcast %arg0 : i32 to vector<16xi32>
      %add3A_126 = arith.addi %mul3A_124, %add3A_125 : vector<16xi32>
      %swap3A_127 = arith.constant 16 : index
      %swap3A_128 = tpu.vector_load %arg9[%swap3A_127] {strides = array<i32>} : memref<80xi32, #tpu.memory_space<vmem>>, vector<16xi32>,
      %swap3A_129 = vector.shape_cast %swap3A_128 : vector<16xi32> to vector<16xi32>
      %swap3A_130 = vector.shape_cast %add3A_126 : vector<16xi32> to vector<16xi32>
      tpu.vector_store %arg9[%swap3A_127], %swap3A_130 {strides = array<i32>} : memref<80xi32, #tpu.memory_space<vmem>>, vector<16xi32>,
      %get3A_131 = arith.constant 32 : index
      %get3A_132 = tpu.vector_load %arg7[%get3A_131] {strides = array<i32>} : memref<80xi32, #tpu.memory_space<vmem>>, vector<16xi32>,
      %get3A_133 = vector.shape_cast %get3A_132 : vector<16xi32> to vector<16xi32>
      %mul3A_134 = arith.constant 2 : i32
      %mul3A_135 = vector.broadcast %mul3A_134 : i32 to vector<16xi32>
      %mul3A_136 = arith.muli %get3A_133, %mul3A_135 : vector<16xi32>
      %add3A_137 = vector.broadcast %arg0 : i32 to vector<16xi32>
      %add3A_138 = arith.addi %mul3A_136, %add3A_137 : vector<16xi32>
      %swap3A_139 = arith.constant 32 : index
      %swap3A_140 = tpu.vector_load %arg9[%swap3A_139] {strides = array<i32>} : memref<80xi32, #tpu.memory_space<vmem>>, vector<16xi32>,
      %swap3A_141 = vector.shape_cast %swap3A_140 : vector<16xi32> to vector<16xi32>
      %swap3A_142 = vector.shape_cast %add3A_138 : vector<16xi32> to vector<16xi32>
      tpu.vector_store %arg9[%swap3A_139], %swap3A_142 {strides = array<i32>} : memref<80xi32, #tpu.memory_space<vmem>>, vector<16xi32>,
      %get3A_143 = arith.constant 48 : index
      %get3A_144 = tpu.vector_load %arg7[%get3A_143] {strides = array<i32>} : memref<80xi32, #tpu.memory_space<vmem>>, vector<16xi32>,
      %get3A_145 = vector.shape_cast %get3A_144 : vector<16xi32> to vector<16xi32>
      %mul3A_146 = arith.constant 2 : i32
      %mul3A_147 = vector.broadcast %mul3A_146 : i32 to vector<16xi32>
      %mul3A_148 = arith.muli %get3A_145, %mul3A_147 : vector<16xi32>
      %add3A_149 = vector.broadcast %arg0 : i32 to vector<16xi32>
      %add3A_150 = arith.addi %mul3A_148, %add3A_149 : vector<16xi32>
      %swap3A_151 = arith.constant 48 : index
      %swap3A_152 = tpu.vector_load %arg9[%swap3A_151] {strides = array<i32>} : memref<80xi32, #tpu.memory_space<vmem>>, vector<16xi32>,
      %swap3A_153 = vector.shape_cast %swap3A_152 : vector<16xi32> to vector<16xi32>
      %swap3A_154 = vector.shape_cast %add3A_150 : vector<16xi32> to vector<16xi32>
      tpu.vector_store %arg9[%swap3A_151], %swap3A_154 {strides = array<i32>} : memref<80xi32, #tpu.memory_space<vmem>>, vector<16xi32>,
      %get3A_155 = arith.constant 64 : index
      %get3A_156 = tpu.vector_load %arg7[%get3A_155] {strides = array<i32>} : memref<80xi32, #tpu.memory_space<vmem>>, vector<16xi32>,
      %get3A_157 = vector.shape_cast %get3A_156 : vector<16xi32> to vector<16xi32>
      %mul3A_158 = arith.constant 2 : i32
      %mul3A_159 = vector.broadcast %mul3A_158 : i32 to vector<16xi32>
      %mul3A_160 = arith.muli %get3A_157, %mul3A_159 : vector<16xi32>
      %add3A_161 = vector.broadcast %arg0 : i32 to vector<16xi32>
      %add3A_162 = arith.addi %mul3A_160, %add3A_161 : vector<16xi32>
      %swap3A_163 = arith.constant 64 : index
      %swap3A_164 = tpu.vector_load %arg9[%swap3A_163] {strides = array<i32>} : memref<80xi32, #tpu.memory_space<vmem>>, vector<16xi32>,
      %swap3A_165 = vector.shape_cast %swap3A_164 : vector<16xi32> to vector<16xi32>
      %swap3A_166 = vector.shape_cast %add3A_162 : vector<16xi32> to vector<16xi32>
      tpu.vector_store %arg9[%swap3A_163], %swap3A_166 {strides = array<i32>} : memref<80xi32, #tpu.memory_space<vmem>>, vector<16xi32>,
      %dma_wait3A_167 = arith.constant 0 : i32
      %dma_wait3A_168 = arith.constant 0 : i32
      %dma_wait3A_169 = tpu.memref_slice %arg2[%dma_wait3A_167, %dma_wait3A_168] : memref<20000x128xf32, #tpu.memory_space<hbm>> -> memref<20000x128xf32, #tpu.memory_space<hbm>>
      tpu.wait_indirect_dma semaphore(%arg16 : memref<!tpu.dma_semaphore, #tpu.memory_space<semaphore_mem>>) src(%dma_wait3A_169 : memref<20000x128xf32, #tpu.memory_space<hbm>>) dst(%arg12 : memref<80x128xf32, #tpu.memory_space<vmem>>)
      %dma_start3A_170 = arith.constant 0 : i32
      %dma_start3A_171 = arith.constant 0 : i32
      %dma_start3A_172 = tpu.memref_slice %arg2[%dma_start3A_170, %dma_start3A_171] : memref<20000x128xf32, #tpu.memory_space<hbm>> -> memref<20000x128xf32, #tpu.memory_space<hbm>>
      tpu.enqueue_indirect_dma source(%dma_start3A_172 : memref<20000x128xf32, #tpu.memory_space<hbm>>) target(%arg13 : memref<80x128xf32, #tpu.memory_space<vmem>>) offsets(%arg9 : memref<80xi32, #tpu.memory_space<vmem>>) semaphore(%arg16 : memref<!tpu.dma_semaphore, #tpu.memory_space<semaphore_mem>>)
      "tpu.region"() ({
        %run_scoped3A = tpu.sem_alloc : memref<!tpu.dma_semaphore, #tpu.memory_space<semaphore_mem>>
        %dma_start3A_248 = arith.constant 0 : i32
        %dma_start3A_249 = arith.constant 0 : i32
        %dma_start3A_250 = tpu.memref_slice %arg15[%dma_start3A_248, %dma_start3A_249] : memref<10240x128xf32, #tpu.memory_space<vmem_shared>> -> memref<10240x128xf32, #tpu.memory_space<vmem_shared>>
        tpu.enqueue_indirect_dma source(%arg12 : memref<80x128xf32, #tpu.memory_space<vmem>>) target(%dma_start3A_250 : memref<10240x128xf32, #tpu.memory_space<vmem_shared>>) offsets(%arg10 : memref<80xi32, #tpu.memory_space<vmem>>) semaphore(%run_scoped3A : memref<!tpu.dma_semaphore, #tpu.memory_space<semaphore_mem>>) {add = true}
        %dma_wait3A_251 = arith.constant 0 : i32
        %dma_wait3A_252 = arith.constant 0 : i32
        %dma_wait3A_253 = tpu.memref_slice %arg15[%dma_wait3A_251, %dma_wait3A_252] : memref<10240x128xf32, #tpu.memory_space<vmem_shared>> -> memref<10240x128xf32, #tpu.memory_space<vmem_shared>>
        tpu.wait_indirect_dma semaphore(%run_scoped3A : memref<!tpu.dma_semaphore, #tpu.memory_space<semaphore_mem>>) src(%arg12 : memref<80x128xf32, #tpu.memory_space<vmem>>) dst(%dma_wait3A_253 : memref<10240x128xf32, #tpu.memory_space<vmem_shared>>)
        tpu.yield
      }) : () -> ()
      %mul3A_173 = arith.constant 2 : i32
      %mul3A_174 = arith.muli %mul3A_173, %scan3A_97 : i32
      %add3A_175 = arith.constant 1 : i32
      %add3A_176 = arith.addi %mul3A_174, %add3A_175 : i32
      %add3A_177 = arith.constant 1 : i32
      %add3A_178 = arith.addi %add3A_176, %add3A_177 : i32
      %mul3A_179 = arith.constant 80 : i32
      %mul3A_180 = arith.muli %add3A_178, %mul3A_179 : i32
      %add3A_181 = arith.addi %mul3A_19, %mul3A_180 : i32
      "tpu.region"() ({
        %run_scoped3A = tpu.sem_alloc : memref<!tpu.dma_semaphore, #tpu.memory_space<semaphore_mem>>
        %dma_start3A_248 = tpu.memref_slice %arg3[%add3A_181] : memref<160000xi32, #tpu.memory_space<hbm>> -> memref<80xi32, #tpu.memory_space<hbm>>
        %dma_start3A_249 = tpu.memref_slice %arg3[%add3A_181] : memref<160000xi32, #tpu.memory_space<hbm>> -> memref<80xi32, #tpu.memory_space<hbm>>
        tpu.enqueue_dma source(%dma_start3A_249 : memref<80xi32, #tpu.memory_space<hbm>>) target(%arg6 : memref<80xi32, #tpu.memory_space<vmem>>) target_semaphore(%run_scoped3A : memref<!tpu.dma_semaphore, #tpu.memory_space<semaphore_mem>>)
        %dma_wait3A_250 = tpu.memref_slice %arg3[%add3A_181] : memref<160000xi32, #tpu.memory_space<hbm>> -> memref<80xi32, #tpu.memory_space<hbm>>
        %dma_wait3A_251 = tpu.memref_slice %arg3[%add3A_181] : memref<160000xi32, #tpu.memory_space<hbm>> -> memref<80xi32, #tpu.memory_space<hbm>>
        tpu.wait_dma2 semaphore(%run_scoped3A : memref<!tpu.dma_semaphore, #tpu.memory_space<semaphore_mem>>) src(%dma_wait3A_251 : memref<80xi32, #tpu.memory_space<hbm>>) dst(%arg6 : memref<80xi32, #tpu.memory_space<vmem>>)
        tpu.yield
      }) : () -> ()
      "tpu.region"() ({
        %run_scoped3A = tpu.sem_alloc : memref<!tpu.dma_semaphore, #tpu.memory_space<semaphore_mem>>
        %dma_start3A_248 = tpu.memref_slice %arg4[%add3A_181] : memref<160000xi32, #tpu.memory_space<hbm>> -> memref<80xi32, #tpu.memory_space<hbm>>
        %dma_start3A_249 = tpu.memref_slice %arg4[%add3A_181] : memref<160000xi32, #tpu.memory_space<hbm>> -> memref<80xi32, #tpu.memory_space<hbm>>
        tpu.enqueue_dma source(%dma_start3A_249 : memref<80xi32, #tpu.memory_space<hbm>>) target(%arg10 : memref<80xi32, #tpu.memory_space<vmem>>) target_semaphore(%run_scoped3A : memref<!tpu.dma_semaphore, #tpu.memory_space<semaphore_mem>>)
        %dma_wait3A_250 = tpu.memref_slice %arg4[%add3A_181] : memref<160000xi32, #tpu.memory_space<hbm>> -> memref<80xi32, #tpu.memory_space<hbm>>
        %dma_wait3A_251 = tpu.memref_slice %arg4[%add3A_181] : memref<160000xi32, #tpu.memory_space<hbm>> -> memref<80xi32, #tpu.memory_space<hbm>>
        tpu.wait_dma2 semaphore(%run_scoped3A : memref<!tpu.dma_semaphore, #tpu.memory_space<semaphore_mem>>) src(%dma_wait3A_251 : memref<80xi32, #tpu.memory_space<hbm>>) dst(%arg10 : memref<80xi32, #tpu.memory_space<vmem>>)
        tpu.yield
      }) : () -> ()
      %get3A_182 = arith.constant 0 : index
      %get3A_183 = tpu.vector_load %arg6[%get3A_182] {strides = array<i32>} : memref<80xi32, #tpu.memory_space<vmem>>, vector<16xi32>,
      %get3A_184 = vector.shape_cast %get3A_183 : vector<16xi32> to vector<16xi32>
      %mul3A_185 = arith.constant 2 : i32
      %mul3A_186 = vector.broadcast %mul3A_185 : i32 to vector<16xi32>
      %mul3A_187 = arith.muli %get3A_184, %mul3A_186 : vector<16xi32>
      %add3A_188 = vector.broadcast %arg0 : i32 to vector<16xi32>
      %add3A_189 = arith.addi %mul3A_187, %add3A_188 : vector<16xi32>
      %swap3A_190 = arith.constant 0 : index
      %swap3A_191 = tpu.vector_load %arg8[%swap3A_190] {strides = array<i32>} : memref<80xi32, #tpu.memory_space<vmem>>, vector<16xi32>,
      %swap3A_192 = vector.shape_cast %swap3A_191 : vector<16xi32> to vector<16xi32>
      %swap3A_193 = vector.shape_cast %add3A_189 : vector<16xi32> to vector<16xi32>
      tpu.vector_store %arg8[%swap3A_190], %swap3A_193 {strides = array<i32>} : memref<80xi32, #tpu.memory_space<vmem>>, vector<16xi32>,
      %get3A_194 = arith.constant 16 : index
      %get3A_195 = tpu.vector_load %arg6[%get3A_194] {strides = array<i32>} : memref<80xi32, #tpu.memory_space<vmem>>, vector<16xi32>,
      %get3A_196 = vector.shape_cast %get3A_195 : vector<16xi32> to vector<16xi32>
      %mul3A_197 = arith.constant 2 : i32
      %mul3A_198 = vector.broadcast %mul3A_197 : i32 to vector<16xi32>
      %mul3A_199 = arith.muli %get3A_196, %mul3A_198 : vector<16xi32>
      %add3A_200 = vector.broadcast %arg0 : i32 to vector<16xi32>
      %add3A_201 = arith.addi %mul3A_199, %add3A_200 : vector<16xi32>
      %swap3A_202 = arith.constant 16 : index
      %swap3A_203 = tpu.vector_load %arg8[%swap3A_202] {strides = array<i32>} : memref<80xi32, #tpu.memory_space<vmem>>, vector<16xi32>,
      %swap3A_204 = vector.shape_cast %swap3A_203 : vector<16xi32> to vector<16xi32>
      %swap3A_205 = vector.shape_cast %add3A_201 : vector<16xi32> to vector<16xi32>
      tpu.vector_store %arg8[%swap3A_202], %swap3A_205 {strides = array<i32>} : memref<80xi32, #tpu.memory_space<vmem>>, vector<16xi32>,
      %get3A_206 = arith.constant 32 : index
      %get3A_207 = tpu.vector_load %arg6[%get3A_206] {strides = array<i32>} : memref<80xi32, #tpu.memory_space<vmem>>, vector<16xi32>,
      %get3A_208 = vector.shape_cast %get3A_207 : vector<16xi32> to vector<16xi32>
      %mul3A_209 = arith.constant 2 : i32
      %mul3A_210 = vector.broadcast %mul3A_209 : i32 to vector<16xi32>
      %mul3A_211 = arith.muli %get3A_208, %mul3A_210 : vector<16xi32>
      %add3A_212 = vector.broadcast %arg0 : i32 to vector<16xi32>
      %add3A_213 = arith.addi %mul3A_211, %add3A_212 : vector<16xi32>
      %swap3A_214 = arith.constant 32 : index
      %swap3A_215 = tpu.vector_load %arg8[%swap3A_214] {strides = array<i32>} : memref<80xi32, #tpu.memory_space<vmem>>, vector<16xi32>,
      %swap3A_216 = vector.shape_cast %swap3A_215 : vector<16xi32> to vector<16xi32>
      %swap3A_217 = vector.shape_cast %add3A_213 : vector<16xi32> to vector<16xi32>
      tpu.vector_store %arg8[%swap3A_214], %swap3A_217 {strides = array<i32>} : memref<80xi32, #tpu.memory_space<vmem>>, vector<16xi32>,
      %get3A_218 = arith.constant 48 : index
      %get3A_219 = tpu.vector_load %arg6[%get3A_218] {strides = array<i32>} : memref<80xi32, #tpu.memory_space<vmem>>, vector<16xi32>,
      %get3A_220 = vector.shape_cast %get3A_219 : vector<16xi32> to vector<16xi32>
      %mul3A_221 = arith.constant 2 : i32
      %mul3A_222 = vector.broadcast %mul3A_221 : i32 to vector<16xi32>
      %mul3A_223 = arith.muli %get3A_220, %mul3A_222 : vector<16xi32>
      %add3A_224 = vector.broadcast %arg0 : i32 to vector<16xi32>
      %add3A_225 = arith.addi %mul3A_223, %add3A_224 : vector<16xi32>
      %swap3A_226 = arith.constant 48 : index
      %swap3A_227 = tpu.vector_load %arg8[%swap3A_226] {strides = array<i32>} : memref<80xi32, #tpu.memory_space<vmem>>, vector<16xi32>,
      %swap3A_228 = vector.shape_cast %swap3A_227 : vector<16xi32> to vector<16xi32>
      %swap3A_229 = vector.shape_cast %add3A_225 : vector<16xi32> to vector<16xi32>
      tpu.vector_store %arg8[%swap3A_226], %swap3A_229 {strides = array<i32>} : memref<80xi32, #tpu.memory_space<vmem>>, vector<16xi32>,
      %get3A_230 = arith.constant 64 : index
      %get3A_231 = tpu.vector_load %arg6[%get3A_230] {strides = array<i32>} : memref<80xi32, #tpu.memory_space<vmem>>, vector<16xi32>,
      %get3A_232 = vector.shape_cast %get3A_231 : vector<16xi32> to vector<16xi32>
      %mul3A_233 = arith.constant 2 : i32
      %mul3A_234 = vector.broadcast %mul3A_233 : i32 to vector<16xi32>
      %mul3A_235 = arith.muli %get3A_232, %mul3A_234 : vector<16xi32>
      %add3A_236 = vector.broadcast %arg0 : i32 to vector<16xi32>
      %add3A_237 = arith.addi %mul3A_235, %add3A_236 : vector<16xi32>
      %swap3A_238 = arith.constant 64 : index
      %swap3A_239 = tpu.vector_load %arg8[%swap3A_238] {strides = array<i32>} : memref<80xi32, #tpu.memory_space<vmem>>, vector<16xi32>,
      %swap3A_240 = vector.shape_cast %swap3A_239 : vector<16xi32> to vector<16xi32>
      %swap3A_241 = vector.shape_cast %add3A_237 : vector<16xi32> to vector<16xi32>
      tpu.vector_store %arg8[%swap3A_238], %swap3A_241 {strides = array<i32>} : memref<80xi32, #tpu.memory_space<vmem>>, vector<16xi32>,
      %dma_wait3A_242 = arith.constant 0 : i32
      %dma_wait3A_243 = arith.constant 0 : i32
      %dma_wait3A_244 = tpu.memref_slice %arg2[%dma_wait3A_242, %dma_wait3A_243] : memref<20000x128xf32, #tpu.memory_space<hbm>> -> memref<20000x128xf32, #tpu.memory_space<hbm>>
      tpu.wait_indirect_dma semaphore(%arg16 : memref<!tpu.dma_semaphore, #tpu.memory_space<semaphore_mem>>) src(%dma_wait3A_244 : memref<20000x128xf32, #tpu.memory_space<hbm>>) dst(%arg13 : memref<80x128xf32, #tpu.memory_space<vmem>>)
      %dma_start3A_245 = arith.constant 0 : i32
      %dma_start3A_246 = arith.constant 0 : i32
      %dma_start3A_247 = tpu.memref_slice %arg2[%dma_start3A_245, %dma_start3A_246] : memref<20000x128xf32, #tpu.memory_space<hbm>> -> memref<20000x128xf32, #tpu.memory_space<hbm>>
      tpu.enqueue_indirect_dma source(%dma_start3A_247 : memref<20000x128xf32, #tpu.memory_space<hbm>>) target(%arg12 : memref<80x128xf32, #tpu.memory_space<vmem>>) offsets(%arg8 : memref<80xi32, #tpu.memory_space<vmem>>) semaphore(%arg16 : memref<!tpu.dma_semaphore, #tpu.memory_space<semaphore_mem>>)
      "tpu.region"() ({
        %run_scoped3A = tpu.sem_alloc : memref<!tpu.dma_semaphore, #tpu.memory_space<semaphore_mem>>
        %dma_start3A_248 = arith.constant 0 : i32
        %dma_start3A_249 = arith.constant 0 : i32
        %dma_start3A_250 = tpu.memref_slice %arg15[%dma_start3A_248, %dma_start3A_249] : memref<10240x128xf32, #tpu.memory_space<vmem_shared>> -> memref<10240x128xf32, #tpu.memory_space<vmem_shared>>
        tpu.enqueue_indirect_dma source(%arg13 : memref<80x128xf32, #tpu.memory_space<vmem>>) target(%dma_start3A_250 : memref<10240x128xf32, #tpu.memory_space<vmem_shared>>) offsets(%arg11 : memref<80xi32, #tpu.memory_space<vmem>>) semaphore(%run_scoped3A : memref<!tpu.dma_semaphore, #tpu.memory_space<semaphore_mem>>) {add = true}
        %dma_wait3A_251 = arith.constant 0 : i32
        %dma_wait3A_252 = arith.constant 0 : i32
        %dma_wait3A_253 = tpu.memref_slice %arg15[%dma_wait3A_251, %dma_wait3A_252] : memref<10240x128xf32, #tpu.memory_space<vmem_shared>> -> memref<10240x128xf32, #tpu.memory_space<vmem_shared>>
        tpu.wait_indirect_dma semaphore(%run_scoped3A : memref<!tpu.dma_semaphore, #tpu.memory_space<semaphore_mem>>) src(%arg13 : memref<80x128xf32, #tpu.memory_space<vmem>>) dst(%dma_wait3A_253 : memref<10240x128xf32, #tpu.memory_space<vmem_shared>>)
        tpu.yield
      }) : () -> ()
    }
    %scan3A_86 = arith.constant 62 : i32
    %dma_wait3A = arith.constant 0 : i32
    %dma_wait3A_87 = arith.constant 0 : i32
    %dma_wait3A_88 = tpu.memref_slice %arg2[%dma_wait3A, %dma_wait3A_87] : memref<20000x128xf32, #tpu.memory_space<hbm>> -> memref<20000x128xf32, #tpu.memory_space<hbm>>
    tpu.wait_indirect_dma semaphore(%arg16 : memref<!tpu.dma_semaphore, #tpu.memory_space<semaphore_mem>>) src(%dma_wait3A_88 : memref<20000x128xf32, #tpu.memory_space<hbm>>) dst(%arg12 : memref<80x128xf32, #tpu.memory_space<vmem>>)
    "tpu.region"() ({
      %run_scoped3A = tpu.sem_alloc : memref<!tpu.dma_semaphore, #tpu.memory_space<semaphore_mem>>
      %dma_start3A_97 = arith.constant 0 : i32
      %dma_start3A_98 = arith.constant 0 : i32
      %dma_start3A_99 = tpu.memref_slice %arg15[%dma_start3A_97, %dma_start3A_98] : memref<10240x128xf32, #tpu.memory_space<vmem_shared>> -> memref<10240x128xf32, #tpu.memory_space<vmem_shared>>
      tpu.enqueue_indirect_dma source(%arg12 : memref<80x128xf32, #tpu.memory_space<vmem>>) target(%dma_start3A_99 : memref<10240x128xf32, #tpu.memory_space<vmem_shared>>) offsets(%arg10 : memref<80xi32, #tpu.memory_space<vmem>>) semaphore(%run_scoped3A : memref<!tpu.dma_semaphore, #tpu.memory_space<semaphore_mem>>) {add = true}
      %dma_wait3A_100 = arith.constant 0 : i32
      %dma_wait3A_101 = arith.constant 0 : i32
      %dma_wait3A_102 = tpu.memref_slice %arg15[%dma_wait3A_100, %dma_wait3A_101] : memref<10240x128xf32, #tpu.memory_space<vmem_shared>> -> memref<10240x128xf32, #tpu.memory_space<vmem_shared>>
      tpu.wait_indirect_dma semaphore(%run_scoped3A : memref<!tpu.dma_semaphore, #tpu.memory_space<semaphore_mem>>) src(%arg12 : memref<80x128xf32, #tpu.memory_space<vmem>>) dst(%dma_wait3A_102 : memref<10240x128xf32, #tpu.memory_space<vmem_shared>>)
      tpu.yield
    }) : () -> ()
    %barrier3A_89 = arith.constant 0 : index
    tpu.barrier barrier_id(%barrier3A_89)
    %lt3A = arith.constant 15 : i32
    %lt3A_90 = arith.cmpi slt, %arg1, %lt3A : i32
    %convert_element_type3A = arith.extui %lt3A_90 : i1 to i32
    %cond3A = arith.constant 0 : i32
    %cond3A_91 = arith.cmpi ne, %convert_element_type3A, %cond3A : i32
    scf.if %cond3A_91 {
      "tpu.region"() ({
        %run_scoped3A = tpu.sem_alloc : memref<!tpu.dma_semaphore, #tpu.memory_space<semaphore_mem>>
        %dma_start3A_97 = arith.constant 0 : i32
        %dma_start3A_98 = tpu.memref_slice %arg5[%arg0, %mul3A_0, %dma_start3A_97] : memref<2x10000x128xf32, #tpu.memory_space<hbm>> -> memref<1x640x128xf32, #tpu.memory_space<hbm>>
        %dma_start3A_99 = tpu.memref_squeeze %dma_start3A_98 : memref<1x640x128xf32, #tpu.memory_space<hbm>> -> memref<640x128xf32, #tpu.memory_space<hbm>>
        %dma_start3A_100 = arith.constant 0 : i32
        %dma_start3A_101 = tpu.memref_slice %arg15[%mul3A_0, %dma_start3A_100] : memref<10240x128xf32, #tpu.memory_space<vmem_shared>> -> memref<640x128xf32, #tpu.memory_space<vmem_shared>>
        tpu.enqueue_dma source(%dma_start3A_101 : memref<640x128xf32, #tpu.memory_space<vmem_shared>>) target(%dma_start3A_99 : memref<640x128xf32, #tpu.memory_space<hbm>>) target_semaphore(%run_scoped3A : memref<!tpu.dma_semaphore, #tpu.memory_space<semaphore_mem>>)
        %dma_wait3A_102 = arith.constant 0 : i32
        %dma_wait3A_103 = tpu.memref_slice %arg5[%arg0, %mul3A_0, %dma_wait3A_102] : memref<2x10000x128xf32, #tpu.memory_space<hbm>> -> memref<1x640x128xf32, #tpu.memory_space<hbm>>
        %dma_wait3A_104 = tpu.memref_squeeze %dma_wait3A_103 : memref<1x640x128xf32, #tpu.memory_space<hbm>> -> memref<640x128xf32, #tpu.memory_space<hbm>>
        %dma_wait3A_105 = arith.constant 0 : i32
        %dma_wait3A_106 = tpu.memref_slice %arg15[%mul3A_0, %dma_wait3A_105] : memref<10240x128xf32, #tpu.memory_space<vmem_shared>> -> memref<640x128xf32, #tpu.memory_space<vmem_shared>>
        tpu.wait_dma2 semaphore(%run_scoped3A : memref<!tpu.dma_semaphore, #tpu.memory_space<semaphore_mem>>) src(%dma_wait3A_106 : memref<640x128xf32, #tpu.memory_space<vmem_shared>>) dst(%dma_wait3A_104 : memref<640x128xf32, #tpu.memory_space<hbm>>)
        tpu.yield
      }) : () -> ()
    } else {
    }
    %eq3A_92 = arith.constant 15 : i32
    %eq3A_93 = arith.cmpi eq, %arg1, %eq3A_92 : i32
    %convert_element_type3A_94 = arith.extui %eq3A_93 : i1 to i32
    %cond3A_95 = arith.constant 0 : i32
    %cond3A_96 = arith.cmpi ne, %convert_element_type3A_94, %cond3A_95 : i32
    scf.if %cond3A_96 {
      "tpu.region"() ({
        %run_scoped3A = tpu.sem_alloc : memref<!tpu.dma_semaphore, #tpu.memory_space<semaphore_mem>>
        %dma_start3A_97 = arith.constant 0 : i32
        %dma_start3A_98 = tpu.memref_slice %arg5[%arg0, %mul3A_0, %dma_start3A_97] : memref<2x10000x128xf32, #tpu.memory_space<hbm>> -> memref<1x400x128xf32, #tpu.memory_space<hbm>>
        %dma_start3A_99 = tpu.memref_squeeze %dma_start3A_98 : memref<1x400x128xf32, #tpu.memory_space<hbm>> -> memref<400x128xf32, #tpu.memory_space<hbm>>
        %dma_start3A_100 = arith.constant 0 : i32
        %dma_start3A_101 = tpu.memref_slice %arg15[%mul3A_0, %dma_start3A_100] : memref<10240x128xf32, #tpu.memory_space<vmem_shared>> -> memref<400x128xf32, #tpu.memory_space<vmem_shared>>
        tpu.enqueue_dma source(%dma_start3A_101 : memref<400x128xf32, #tpu.memory_space<vmem_shared>>) target(%dma_start3A_99 : memref<400x128xf32, #tpu.memory_space<hbm>>) target_semaphore(%run_scoped3A : memref<!tpu.dma_semaphore, #tpu.memory_space<semaphore_mem>>)
        %dma_wait3A_102 = arith.constant 0 : i32
        %dma_wait3A_103 = tpu.memref_slice %arg5[%arg0, %mul3A_0, %dma_wait3A_102] : memref<2x10000x128xf32, #tpu.memory_space<hbm>> -> memref<1x400x128xf32, #tpu.memory_space<hbm>>
        %dma_wait3A_104 = tpu.memref_squeeze %dma_wait3A_103 : memref<1x400x128xf32, #tpu.memory_space<hbm>> -> memref<400x128xf32, #tpu.memory_space<hbm>>
        %dma_wait3A_105 = arith.constant 0 : i32
        %dma_wait3A_106 = tpu.memref_slice %arg15[%mul3A_0, %dma_wait3A_105] : memref<10240x128xf32, #tpu.memory_space<vmem_shared>> -> memref<400x128xf32, #tpu.memory_space<vmem_shared>>
        tpu.wait_dma2 semaphore(%run_scoped3A : memref<!tpu.dma_semaphore, #tpu.memory_space<semaphore_mem>>) src(%dma_wait3A_106 : memref<400x128xf32, #tpu.memory_space<vmem_shared>>) dst(%dma_wait3A_104 : memref<400x128xf32, #tpu.memory_space<hbm>>)
        tpu.yield
      }) : () -> ()
    } else {
    }
    return
  }
}

#map = affine_map<(d0, d1) -> (0, 0)>
#map1 = affine_map<(d0, d1) -> (0)>
#map2 = affine_map<(d0, d1) -> (0, 0, 0)>
module attributes {stable_mosaic.version = 14 : i64} {
  func.func @sage_agg(%arg0: i32, %arg1: i32, %arg2: memref<20000x128xf32, #tpu.memory_space<hbm>>, %arg3: memref<160000xi32, #tpu.memory_space<hbm>>, %arg4: memref<160000xi32, #tpu.memory_space<hbm>>, %arg5: memref<2x10000x128xf32, #tpu.memory_space<hbm>>, %arg6: memref<80xi32, #tpu.memory_space<vmem>>, %arg7: memref<80xi32, #tpu.memory_space<vmem>>, %arg8: memref<80xi32, #tpu.memory_space<vmem>>, %arg9: memref<80xi32, #tpu.memory_space<vmem>>, %arg10: memref<80xi32, #tpu.memory_space<vmem>>, %arg11: memref<80xi32, #tpu.memory_space<vmem>>, %arg12: memref<80x128xf32, #tpu.memory_space<vmem>>, %arg13: memref<80x128xf32, #tpu.memory_space<vmem>>, %arg14: memref<16x128xf32, #tpu.memory_space<vmem>>, %arg15: memref<10240x128xf32, #tpu.memory_space<vmem_shared>>, %arg16: memref<!tpu.dma_semaphore, #tpu.memory_space<semaphore_mem>>) attributes {dimension_semantics = [#tpu.dimension_semantics<core_parallel>, #tpu.dimension_semantics<subcore_parallel>], iteration_bounds = array<i64: 2, 16>, scalar_prefetch = 0 : i64, scratch_operands = 11 : i64, tpu.core_type = #tpu.core_type<sc_vector_subcore>, window_params = [{transform_indices = #map}, {transform_indices = #map1}, {transform_indices = #map1}, {transform_indices = #map2}]} {
    %mul3A = arith.constant 640 : i32
    %mul3A_0 = arith.muli %arg1, %mul3A : i32
    %broadcast_in_dim3A = arith.constant 0.000000e+00 : f32
    %broadcast_in_dim3A_1 = vector.broadcast %broadcast_in_dim3A : f32 to vector<16xf32>
    %scan3A = arith.constant 0 : i32
    %scan3A_2 = arith.constant 0 : i32
    %scan3A_3 = arith.constant 16 : i32
    %scan3A_4 = arith.addi %scan3A_2, %scan3A_3 : i32
    %scan3A_5 = arith.constant 1 : i32
    scf.for %scan3A_97 = %scan3A_2 to %scan3A_4 step %scan3A_5  : i32 {
      %swap3A_98 = arith.index_cast %scan3A_97 : i32 to index
      %swap3A_99 = arith.constant 0 : index
      %swap3A_100 = tpu.vector_load %arg14[%swap3A_98, %swap3A_99] {strides = array<i32>} : memref<16x128xf32, #tpu.memory_space<vmem>>, vector<1x16xf32>,
      %swap3A_101 = vector.shape_cast %swap3A_100 : vector<1x16xf32> to vector<16xf32>
      %swap3A_102 = vector.shape_cast %broadcast_in_dim3A_1 : vector<16xf32> to vector<1x16xf32>
      tpu.vector_store %arg14[%swap3A_98, %swap3A_99], %swap3A_102 {strides = array<i32>} : memref<16x128xf32, #tpu.memory_space<vmem>>, vector<1x16xf32>,
      %swap3A_103 = arith.index_cast %scan3A_97 : i32 to index
      %swap3A_104 = arith.constant 16 : index
      %swap3A_105 = tpu.vector_load %arg14[%swap3A_103, %swap3A_104] {strides = array<i32>} : memref<16x128xf32, #tpu.memory_space<vmem>>, vector<1x16xf32>,
      %swap3A_106 = vector.shape_cast %swap3A_105 : vector<1x16xf32> to vector<16xf32>
      %swap3A_107 = vector.shape_cast %broadcast_in_dim3A_1 : vector<16xf32> to vector<1x16xf32>
      tpu.vector_store %arg14[%swap3A_103, %swap3A_104], %swap3A_107 {strides = array<i32>} : memref<16x128xf32, #tpu.memory_space<vmem>>, vector<1x16xf32>,
      %swap3A_108 = arith.index_cast %scan3A_97 : i32 to index
      %swap3A_109 = arith.constant 32 : index
      %swap3A_110 = tpu.vector_load %arg14[%swap3A_108, %swap3A_109] {strides = array<i32>} : memref<16x128xf32, #tpu.memory_space<vmem>>, vector<1x16xf32>,
      %swap3A_111 = vector.shape_cast %swap3A_110 : vector<1x16xf32> to vector<16xf32>
      %swap3A_112 = vector.shape_cast %broadcast_in_dim3A_1 : vector<16xf32> to vector<1x16xf32>
      tpu.vector_store %arg14[%swap3A_108, %swap3A_109], %swap3A_112 {strides = array<i32>} : memref<16x128xf32, #tpu.memory_space<vmem>>, vector<1x16xf32>,
      %swap3A_113 = arith.index_cast %scan3A_97 : i32 to index
      %swap3A_114 = arith.constant 48 : index
      %swap3A_115 = tpu.vector_load %arg14[%swap3A_113, %swap3A_114] {strides = array<i32>} : memref<16x128xf32, #tpu.memory_space<vmem>>, vector<1x16xf32>,
      %swap3A_116 = vector.shape_cast %swap3A_115 : vector<1x16xf32> to vector<16xf32>
      %swap3A_117 = vector.shape_cast %broadcast_in_dim3A_1 : vector<16xf32> to vector<1x16xf32>
      tpu.vector_store %arg14[%swap3A_113, %swap3A_114], %swap3A_117 {strides = array<i32>} : memref<16x128xf32, #tpu.memory_space<vmem>>, vector<1x16xf32>,
      %swap3A_118 = arith.index_cast %scan3A_97 : i32 to index
      %swap3A_119 = arith.constant 64 : index
      %swap3A_120 = tpu.vector_load %arg14[%swap3A_118, %swap3A_119] {strides = array<i32>} : memref<16x128xf32, #tpu.memory_space<vmem>>, vector<1x16xf32>,
      %swap3A_121 = vector.shape_cast %swap3A_120 : vector<1x16xf32> to vector<16xf32>
      %swap3A_122 = vector.shape_cast %broadcast_in_dim3A_1 : vector<16xf32> to vector<1x16xf32>
      tpu.vector_store %arg14[%swap3A_118, %swap3A_119], %swap3A_122 {strides = array<i32>} : memref<16x128xf32, #tpu.memory_space<vmem>>, vector<1x16xf32>,
      %swap3A_123 = arith.index_cast %scan3A_97 : i32 to index
      %swap3A_124 = arith.constant 80 : index
      %swap3A_125 = tpu.vector_load %arg14[%swap3A_123, %swap3A_124] {strides = array<i32>} : memref<16x128xf32, #tpu.memory_space<vmem>>, vector<1x16xf32>,
      %swap3A_126 = vector.shape_cast %swap3A_125 : vector<1x16xf32> to vector<16xf32>
      %swap3A_127 = vector.shape_cast %broadcast_in_dim3A_1 : vector<16xf32> to vector<1x16xf32>
      tpu.vector_store %arg14[%swap3A_123, %swap3A_124], %swap3A_127 {strides = array<i32>} : memref<16x128xf32, #tpu.memory_space<vmem>>, vector<1x16xf32>,
      %swap3A_128 = arith.index_cast %scan3A_97 : i32 to index
      %swap3A_129 = arith.constant 96 : index
      %swap3A_130 = tpu.vector_load %arg14[%swap3A_128, %swap3A_129] {strides = array<i32>} : memref<16x128xf32, #tpu.memory_space<vmem>>, vector<1x16xf32>,
      %swap3A_131 = vector.shape_cast %swap3A_130 : vector<1x16xf32> to vector<16xf32>
      %swap3A_132 = vector.shape_cast %broadcast_in_dim3A_1 : vector<16xf32> to vector<1x16xf32>
      tpu.vector_store %arg14[%swap3A_128, %swap3A_129], %swap3A_132 {strides = array<i32>} : memref<16x128xf32, #tpu.memory_space<vmem>>, vector<1x16xf32>,
      %swap3A_133 = arith.index_cast %scan3A_97 : i32 to index
      %swap3A_134 = arith.constant 112 : index
      %swap3A_135 = tpu.vector_load %arg14[%swap3A_133, %swap3A_134] {strides = array<i32>} : memref<16x128xf32, #tpu.memory_space<vmem>>, vector<1x16xf32>,
      %swap3A_136 = vector.shape_cast %swap3A_135 : vector<1x16xf32> to vector<16xf32>
      %swap3A_137 = vector.shape_cast %broadcast_in_dim3A_1 : vector<16xf32> to vector<1x16xf32>
      tpu.vector_store %arg14[%swap3A_133, %swap3A_134], %swap3A_137 {strides = array<i32>} : memref<16x128xf32, #tpu.memory_space<vmem>>, vector<1x16xf32>,
    }
    %scan3A_6 = arith.constant 16 : i32
    %eq3A = arith.constant 15 : i32
    %eq3A_7 = arith.cmpi eq, %arg1, %eq3A : i32
    %jit3A = arith.constant 25 : i32
    %jit3A_8 = arith.constant 40 : i32
    %select_n3A = arith.select %eq3A_7, %jit3A, %jit3A_8 : i32
    %while3A = arith.constant 0 : i32
    %while3A_9 = arith.constant 0 : i32
    %while3A_10 = arith.subi %select_n3A, %while3A_9 : i32
    %while3A_11 = arith.addi %while3A_9, %while3A_10 : i32
    %while3A_12 = arith.constant 1 : i32
    %while3A_13 = arith.divsi %while3A_10, %while3A_12 : i32
    %while3A_14 = arith.muli %while3A_13, %while3A_12 : i32
    %while3A_15 = arith.addi %while3A_9, %while3A_14 : i32
    %while3A_16 = arith.constant 1 : i32
    scf.for %while3A_97 = %while3A_9 to %while3A_15 step %while3A_16  : i32 {
      %mul3A_98 = arith.constant 16 : i32
      %mul3A_99 = arith.muli %while3A_97, %mul3A_98 : i32
      %add3A_100 = arith.addi %mul3A_0, %mul3A_99 : i32
      "tpu.region"() ({
        %run_scoped3A = tpu.sem_alloc : memref<!tpu.dma_semaphore, #tpu.memory_space<semaphore_mem>>
        %dma_start3A_101 = arith.constant 0 : i32
        %dma_start3A_102 = tpu.memref_slice %arg15[%add3A_100, %dma_start3A_101] : memref<10240x128xf32, #tpu.memory_space<vmem_shared>> -> memref<16x128xf32, #tpu.memory_space<vmem_shared>>
        %dma_start3A_103 = arith.constant 0 : i32
        %dma_start3A_104 = tpu.memref_slice %arg15[%add3A_100, %dma_start3A_103] : memref<10240x128xf32, #tpu.memory_space<vmem_shared>> -> memref<16x128xf32, #tpu.memory_space<vmem_shared>>
        tpu.enqueue_dma source(%arg14 : memref<16x128xf32, #tpu.memory_space<vmem>>) target(%dma_start3A_104 : memref<16x128xf32, #tpu.memory_space<vmem_shared>>) target_semaphore(%run_scoped3A : memref<!tpu.dma_semaphore, #tpu.memory_space<semaphore_mem>>)
        %dma_wait3A_105 = arith.constant 0 : i32
        %dma_wait3A_106 = tpu.memref_slice %arg15[%add3A_100, %dma_wait3A_105] : memref<10240x128xf32, #tpu.memory_space<vmem_shared>> -> memref<16x128xf32, #tpu.memory_space<vmem_shared>>
        %dma_wait3A_107 = arith.constant 0 : i32
        %dma_wait3A_108 = tpu.memref_slice %arg15[%add3A_100, %dma_wait3A_107] : memref<10240x128xf32, #tpu.memory_space<vmem_shared>> -> memref<16x128xf32, #tpu.memory_space<vmem_shared>>
        tpu.wait_dma2 semaphore(%run_scoped3A : memref<!tpu.dma_semaphore, #tpu.memory_space<semaphore_mem>>) src(%arg14 : memref<16x128xf32, #tpu.memory_space<vmem>>) dst(%dma_wait3A_108 : memref<16x128xf32, #tpu.memory_space<vmem_shared>>)
        tpu.yield
      }) : () -> ()
    }
    %while3A_17 = arith.constant 1 : i32
    scf.for %while3A_97 = %while3A_15 to %while3A_11 step %while3A_17  : i32 {
      %mul3A_98 = arith.constant 16 : i32
      %mul3A_99 = arith.muli %while3A_97, %mul3A_98 : i32
      %add3A_100 = arith.addi %mul3A_0, %mul3A_99 : i32
      "tpu.region"() ({
        %run_scoped3A = tpu.sem_alloc : memref<!tpu.dma_semaphore, #tpu.memory_space<semaphore_mem>>
        %dma_start3A_101 = arith.constant 0 : i32
        %dma_start3A_102 = tpu.memref_slice %arg15[%add3A_100, %dma_start3A_101] : memref<10240x128xf32, #tpu.memory_space<vmem_shared>> -> memref<16x128xf32, #tpu.memory_space<vmem_shared>>
        %dma_start3A_103 = arith.constant 0 : i32
        %dma_start3A_104 = tpu.memref_slice %arg15[%add3A_100, %dma_start3A_103] : memref<10240x128xf32, #tpu.memory_space<vmem_shared>> -> memref<16x128xf32, #tpu.memory_space<vmem_shared>>
        tpu.enqueue_dma source(%arg14 : memref<16x128xf32, #tpu.memory_space<vmem>>) target(%dma_start3A_104 : memref<16x128xf32, #tpu.memory_space<vmem_shared>>) target_semaphore(%run_scoped3A : memref<!tpu.dma_semaphore, #tpu.memory_space<semaphore_mem>>)
        %dma_wait3A_105 = arith.constant 0 : i32
        %dma_wait3A_106 = tpu.memref_slice %arg15[%add3A_100, %dma_wait3A_105] : memref<10240x128xf32, #tpu.memory_space<vmem_shared>> -> memref<16x128xf32, #tpu.memory_space<vmem_shared>>
        %dma_wait3A_107 = arith.constant 0 : i32
        %dma_wait3A_108 = tpu.memref_slice %arg15[%add3A_100, %dma_wait3A_107] : memref<10240x128xf32, #tpu.memory_space<vmem_shared>> -> memref<16x128xf32, #tpu.memory_space<vmem_shared>>
        tpu.wait_dma2 semaphore(%run_scoped3A : memref<!tpu.dma_semaphore, #tpu.memory_space<semaphore_mem>>) src(%arg14 : memref<16x128xf32, #tpu.memory_space<vmem>>) dst(%dma_wait3A_108 : memref<16x128xf32, #tpu.memory_space<vmem_shared>>)
        tpu.yield
      }) : () -> ()
    }
    %barrier3A = arith.constant 0 : index
    tpu.barrier barrier_id(%barrier3A)
    %mul3A_18 = arith.constant 10000 : i32
    %mul3A_19 = arith.muli %arg1, %mul3A_18 : i32
    %add3A = arith.constant 0 : i32
    %add3A_20 = arith.addi %mul3A_19, %add3A : i32
    "tpu.region"() ({
      %run_scoped3A = tpu.sem_alloc : memref<!tpu.dma_semaphore, #tpu.memory_space<semaphore_mem>>
      %dma_start3A_97 = tpu.memref_slice %arg3[%add3A_20] : memref<160000xi32, #tpu.memory_space<hbm>> -> memref<80xi32, #tpu.memory_space<hbm>>
      %dma_start3A_98 = tpu.memref_slice %arg3[%add3A_20] : memref<160000xi32, #tpu.memory_space<hbm>> -> memref<80xi32, #tpu.memory_space<hbm>>
      tpu.enqueue_dma source(%dma_start3A_98 : memref<80xi32, #tpu.memory_space<hbm>>) target(%arg6 : memref<80xi32, #tpu.memory_space<vmem>>) target_semaphore(%run_scoped3A : memref<!tpu.dma_semaphore, #tpu.memory_space<semaphore_mem>>)
      %dma_wait3A_99 = tpu.memref_slice %arg3[%add3A_20] : memref<160000xi32, #tpu.memory_space<hbm>> -> memref<80xi32, #tpu.memory_space<hbm>>
      %dma_wait3A_100 = tpu.memref_slice %arg3[%add3A_20] : memref<160000xi32, #tpu.memory_space<hbm>> -> memref<80xi32, #tpu.memory_space<hbm>>
      tpu.wait_dma2 semaphore(%run_scoped3A : memref<!tpu.dma_semaphore, #tpu.memory_space<semaphore_mem>>) src(%dma_wait3A_100 : memref<80xi32, #tpu.memory_space<hbm>>) dst(%arg6 : memref<80xi32, #tpu.memory_space<vmem>>)
      tpu.yield
    }) : () -> ()
    "tpu.region"() ({
      %run_scoped3A = tpu.sem_alloc : memref<!tpu.dma_semaphore, #tpu.memory_space<semaphore_mem>>
      %dma_start3A_97 = tpu.memref_slice %arg4[%add3A_20] : memref<160000xi32, #tpu.memory_space<hbm>> -> memref<80xi32, #tpu.memory_space<hbm>>
      %dma_start3A_98 = tpu.memref_slice %arg4[%add3A_20] : memref<160000xi32, #tpu.memory_space<hbm>> -> memref<80xi32, #tpu.memory_space<hbm>>
      tpu.enqueue_dma source(%dma_start3A_98 : memref<80xi32, #tpu.memory_space<hbm>>) target(%arg10 : memref<80xi32, #tpu.memory_space<vmem>>) target_semaphore(%run_scoped3A : memref<!tpu.dma_semaphore, #tpu.memory_space<semaphore_mem>>)
      %dma_wait3A_99 = tpu.memref_slice %arg4[%add3A_20] : memref<160000xi32, #tpu.memory_space<hbm>> -> memref<80xi32, #tpu.memory_space<hbm>>
      %dma_wait3A_100 = tpu.memref_slice %arg4[%add3A_20] : memref<160000xi32, #tpu.memory_space<hbm>> -> memref<80xi32, #tpu.memory_space<hbm>>
      tpu.wait_dma2 semaphore(%run_scoped3A : memref<!tpu.dma_semaphore, #tpu.memory_space<semaphore_mem>>) src(%dma_wait3A_100 : memref<80xi32, #tpu.memory_space<hbm>>) dst(%arg10 : memref<80xi32, #tpu.memory_space<vmem>>)
      tpu.yield
    }) : () -> ()
    %get3A = arith.constant 0 : index
    %get3A_21 = tpu.vector_load %arg6[%get3A] {strides = array<i32>} : memref<80xi32, #tpu.memory_space<vmem>>, vector<16xi32>,
    %get3A_22 = vector.shape_cast %get3A_21 : vector<16xi32> to vector<16xi32>
    %mul3A_23 = arith.constant 2 : i32
    %mul3A_24 = vector.broadcast %mul3A_23 : i32 to vector<16xi32>
    %mul3A_25 = arith.muli %get3A_22, %mul3A_24 : vector<16xi32>
    %add3A_26 = vector.broadcast %arg0 : i32 to vector<16xi32>
    %add3A_27 = arith.addi %mul3A_25, %add3A_26 : vector<16xi32>
    %swap3A = arith.constant 0 : index
    %swap3A_28 = tpu.vector_load %arg8[%swap3A] {strides = array<i32>} : memref<80xi32, #tpu.memory_space<vmem>>, vector<16xi32>,
    %swap3A_29 = vector.shape_cast %swap3A_28 : vector<16xi32> to vector<16xi32>
    %swap3A_30 = vector.shape_cast %add3A_27 : vector<16xi32> to vector<16xi32>
    tpu.vector_store %arg8[%swap3A], %swap3A_30 {strides = array<i32>} : memref<80xi32, #tpu.memory_space<vmem>>, vector<16xi32>,
    %get3A_31 = arith.constant 16 : index
    %get3A_32 = tpu.vector_load %arg6[%get3A_31] {strides = array<i32>} : memref<80xi32, #tpu.memory_space<vmem>>, vector<16xi32>,
    %get3A_33 = vector.shape_cast %get3A_32 : vector<16xi32> to vector<16xi32>
    %mul3A_34 = arith.constant 2 : i32
    %mul3A_35 = vector.broadcast %mul3A_34 : i32 to vector<16xi32>
    %mul3A_36 = arith.muli %get3A_33, %mul3A_35 : vector<16xi32>
    %add3A_37 = vector.broadcast %arg0 : i32 to vector<16xi32>
    %add3A_38 = arith.addi %mul3A_36, %add3A_37 : vector<16xi32>
    %swap3A_39 = arith.constant 16 : index
    %swap3A_40 = tpu.vector_load %arg8[%swap3A_39] {strides = array<i32>} : memref<80xi32, #tpu.memory_space<vmem>>, vector<16xi32>,
    %swap3A_41 = vector.shape_cast %swap3A_40 : vector<16xi32> to vector<16xi32>
    %swap3A_42 = vector.shape_cast %add3A_38 : vector<16xi32> to vector<16xi32>
    tpu.vector_store %arg8[%swap3A_39], %swap3A_42 {strides = array<i32>} : memref<80xi32, #tpu.memory_space<vmem>>, vector<16xi32>,
    %get3A_43 = arith.constant 32 : index
    %get3A_44 = tpu.vector_load %arg6[%get3A_43] {strides = array<i32>} : memref<80xi32, #tpu.memory_space<vmem>>, vector<16xi32>,
    %get3A_45 = vector.shape_cast %get3A_44 : vector<16xi32> to vector<16xi32>
    %mul3A_46 = arith.constant 2 : i32
    %mul3A_47 = vector.broadcast %mul3A_46 : i32 to vector<16xi32>
    %mul3A_48 = arith.muli %get3A_45, %mul3A_47 : vector<16xi32>
    %add3A_49 = vector.broadcast %arg0 : i32 to vector<16xi32>
    %add3A_50 = arith.addi %mul3A_48, %add3A_49 : vector<16xi32>
    %swap3A_51 = arith.constant 32 : index
    %swap3A_52 = tpu.vector_load %arg8[%swap3A_51] {strides = array<i32>} : memref<80xi32, #tpu.memory_space<vmem>>, vector<16xi32>,
    %swap3A_53 = vector.shape_cast %swap3A_52 : vector<16xi32> to vector<16xi32>
    %swap3A_54 = vector.shape_cast %add3A_50 : vector<16xi32> to vector<16xi32>
    tpu.vector_store %arg8[%swap3A_51], %swap3A_54 {strides = array<i32>} : memref<80xi32, #tpu.memory_space<vmem>>, vector<16xi32>,
    %get3A_55 = arith.constant 48 : index
    %get3A_56 = tpu.vector_load %arg6[%get3A_55] {strides = array<i32>} : memref<80xi32, #tpu.memory_space<vmem>>, vector<16xi32>,
    %get3A_57 = vector.shape_cast %get3A_56 : vector<16xi32> to vector<16xi32>
    %mul3A_58 = arith.constant 2 : i32
    %mul3A_59 = vector.broadcast %mul3A_58 : i32 to vector<16xi32>
    %mul3A_60 = arith.muli %get3A_57, %mul3A_59 : vector<16xi32>
    %add3A_61 = vector.broadcast %arg0 : i32 to vector<16xi32>
    %add3A_62 = arith.addi %mul3A_60, %add3A_61 : vector<16xi32>
    %swap3A_63 = arith.constant 48 : index
    %swap3A_64 = tpu.vector_load %arg8[%swap3A_63] {strides = array<i32>} : memref<80xi32, #tpu.memory_space<vmem>>, vector<16xi32>,
    %swap3A_65 = vector.shape_cast %swap3A_64 : vector<16xi32> to vector<16xi32>
    %swap3A_66 = vector.shape_cast %add3A_62 : vector<16xi32> to vector<16xi32>
    tpu.vector_store %arg8[%swap3A_63], %swap3A_66 {strides = array<i32>} : memref<80xi32, #tpu.memory_space<vmem>>, vector<16xi32>,
    %get3A_67 = arith.constant 64 : index
    %get3A_68 = tpu.vector_load %arg6[%get3A_67] {strides = array<i32>} : memref<80xi32, #tpu.memory_space<vmem>>, vector<16xi32>,
    %get3A_69 = vector.shape_cast %get3A_68 : vector<16xi32> to vector<16xi32>
    %mul3A_70 = arith.constant 2 : i32
    %mul3A_71 = vector.broadcast %mul3A_70 : i32 to vector<16xi32>
    %mul3A_72 = arith.muli %get3A_69, %mul3A_71 : vector<16xi32>
    %add3A_73 = vector.broadcast %arg0 : i32 to vector<16xi32>
    %add3A_74 = arith.addi %mul3A_72, %add3A_73 : vector<16xi32>
    %swap3A_75 = arith.constant 64 : index
    %swap3A_76 = tpu.vector_load %arg8[%swap3A_75] {strides = array<i32>} : memref<80xi32, #tpu.memory_space<vmem>>, vector<16xi32>,
    %swap3A_77 = vector.shape_cast %swap3A_76 : vector<16xi32> to vector<16xi32>
    %swap3A_78 = vector.shape_cast %add3A_74 : vector<16xi32> to vector<16xi32>
    tpu.vector_store %arg8[%swap3A_75], %swap3A_78 {strides = array<i32>} : memref<80xi32, #tpu.memory_space<vmem>>, vector<16xi32>,
    %dma_start3A = arith.constant 0 : i32
    %dma_start3A_79 = arith.constant 0 : i32
    %dma_start3A_80 = tpu.memref_slice %arg2[%dma_start3A, %dma_start3A_79] : memref<20000x128xf32, #tpu.memory_space<hbm>> -> memref<20000x128xf32, #tpu.memory_space<hbm>>
    tpu.enqueue_indirect_dma source(%dma_start3A_80 : memref<20000x128xf32, #tpu.memory_space<hbm>>) target(%arg12 : memref<80x128xf32, #tpu.memory_space<vmem>>) offsets(%arg8 : memref<80xi32, #tpu.memory_space<vmem>>) semaphore(%arg16 : memref<!tpu.dma_semaphore, #tpu.memory_space<semaphore_mem>>)
    %scan3A_81 = arith.constant 0 : i32
    %scan3A_82 = arith.constant 0 : i32
    %scan3A_83 = arith.constant 62 : i32
    %scan3A_84 = arith.addi %scan3A_82, %scan3A_83 : i32
    %scan3A_85 = arith.constant 1 : i32
    scf.for %scan3A_97 = %scan3A_82 to %scan3A_84 step %scan3A_85  : i32 {
      %mul3A_98 = arith.constant 2 : i32
      %mul3A_99 = arith.muli %mul3A_98, %scan3A_97 : i32
      %add3A_100 = arith.constant 0 : i32
      %add3A_101 = arith.addi %mul3A_99, %add3A_100 : i32
      %add3A_102 = arith.constant 1 : i32
      %add3A_103 = arith.addi %add3A_101, %add3A_102 : i32
      %mul3A_104 = arith.constant 80 : i32
      %mul3A_105 = arith.muli %add3A_103, %mul3A_104 : i32
      %add3A_106 = arith.addi %mul3A_19, %mul3A_105 : i32
      "tpu.region"() ({
        %run_scoped3A = tpu.sem_alloc : memref<!tpu.dma_semaphore, #tpu.memory_space<semaphore_mem>>
        %dma_start3A_248 = tpu.memref_slice %arg3[%add3A_106] : memref<160000xi32, #tpu.memory_space<hbm>> -> memref<80xi32, #tpu.memory_space<hbm>>
        %dma_start3A_249 = tpu.memref_slice %arg3[%add3A_106] : memref<160000xi32, #tpu.memory_space<hbm>> -> memref<80xi32, #tpu.memory_space<hbm>>
        tpu.enqueue_dma source(%dma_start3A_249 : memref<80xi32, #tpu.memory_space<hbm>>) target(%arg7 : memref<80xi32, #tpu.memory_space<vmem>>) target_semaphore(%run_scoped3A : memref<!tpu.dma_semaphore, #tpu.memory_space<semaphore_mem>>)
        %dma_wait3A_250 = tpu.memref_slice %arg3[%add3A_106] : memref<160000xi32, #tpu.memory_space<hbm>> -> memref<80xi32, #tpu.memory_space<hbm>>
        %dma_wait3A_251 = tpu.memref_slice %arg3[%add3A_106] : memref<160000xi32, #tpu.memory_space<hbm>> -> memref<80xi32, #tpu.memory_space<hbm>>
        tpu.wait_dma2 semaphore(%run_scoped3A : memref<!tpu.dma_semaphore, #tpu.memory_space<semaphore_mem>>) src(%dma_wait3A_251 : memref<80xi32, #tpu.memory_space<hbm>>) dst(%arg7 : memref<80xi32, #tpu.memory_space<vmem>>)
        tpu.yield
      }) : () -> ()
      "tpu.region"() ({
        %run_scoped3A = tpu.sem_alloc : memref<!tpu.dma_semaphore, #tpu.memory_space<semaphore_mem>>
        %dma_start3A_248 = tpu.memref_slice %arg4[%add3A_106] : memref<160000xi32, #tpu.memory_space<hbm>> -> memref<80xi32, #tpu.memory_space<hbm>>
        %dma_start3A_249 = tpu.memref_slice %arg4[%add3A_106] : memref<160000xi32, #tpu.memory_space<hbm>> -> memref<80xi32, #tpu.memory_space<hbm>>
        tpu.enqueue_dma source(%dma_start3A_249 : memref<80xi32, #tpu.memory_space<hbm>>) target(%arg11 : memref<80xi32, #tpu.memory_space<vmem>>) target_semaphore(%run_scoped3A : memref<!tpu.dma_semaphore, #tpu.memory_space<semaphore_mem>>)
        %dma_wait3A_250 = tpu.memref_slice %arg4[%add3A_106] : memref<160000xi32, #tpu.memory_space<hbm>> -> memref<80xi32, #tpu.memory_space<hbm>>
        %dma_wait3A_251 = tpu.memref_slice %arg4[%add3A_106] : memref<160000xi32, #tpu.memory_space<hbm>> -> memref<80xi32, #tpu.memory_space<hbm>>
        tpu.wait_dma2 semaphore(%run_scoped3A : memref<!tpu.dma_semaphore, #tpu.memory_space<semaphore_mem>>) src(%dma_wait3A_251 : memref<80xi32, #tpu.memory_space<hbm>>) dst(%arg11 : memref<80xi32, #tpu.memory_space<vmem>>)
        tpu.yield
      }) : () -> ()
      %get3A_107 = arith.constant 0 : index
      %get3A_108 = tpu.vector_load %arg7[%get3A_107] {strides = array<i32>} : memref<80xi32, #tpu.memory_space<vmem>>, vector<16xi32>,
      %get3A_109 = vector.shape_cast %get3A_108 : vector<16xi32> to vector<16xi32>
      %mul3A_110 = arith.constant 2 : i32
      %mul3A_111 = vector.broadcast %mul3A_110 : i32 to vector<16xi32>
      %mul3A_112 = arith.muli %get3A_109, %mul3A_111 : vector<16xi32>
      %add3A_113 = vector.broadcast %arg0 : i32 to vector<16xi32>
      %add3A_114 = arith.addi %mul3A_112, %add3A_113 : vector<16xi32>
      %swap3A_115 = arith.constant 0 : index
      %swap3A_116 = tpu.vector_load %arg9[%swap3A_115] {strides = array<i32>} : memref<80xi32, #tpu.memory_space<vmem>>, vector<16xi32>,
      %swap3A_117 = vector.shape_cast %swap3A_116 : vector<16xi32> to vector<16xi32>
      %swap3A_118 = vector.shape_cast %add3A_114 : vector<16xi32> to vector<16xi32>
      tpu.vector_store %arg9[%swap3A_115], %swap3A_118 {strides = array<i32>} : memref<80xi32, #tpu.memory_space<vmem>>, vector<16xi32>,
      %get3A_119 = arith.constant 16 : index
      %get3A_120 = tpu.vector_load %arg7[%get3A_119] {strides = array<i32>} : memref<80xi32, #tpu.memory_space<vmem>>, vector<16xi32>,
      %get3A_121 = vector.shape_cast %get3A_120 : vector<16xi32> to vector<16xi32>
      %mul3A_122 = arith.constant 2 : i32
      %mul3A_123 = vector.broadcast %mul3A_122 : i32 to vector<16xi32>
      %mul3A_124 = arith.muli %get3A_121, %mul3A_123 : vector<16xi32>
      %add3A_125 = vector.broadcast %arg0 : i32 to vector<16xi32>
      %add3A_126 = arith.addi %mul3A_124, %add3A_125 : vector<16xi32>
      %swap3A_127 = arith.constant 16 : index
      %swap3A_128 = tpu.vector_load %arg9[%swap3A_127] {strides = array<i32>} : memref<80xi32, #tpu.memory_space<vmem>>, vector<16xi32>,
      %swap3A_129 = vector.shape_cast %swap3A_128 : vector<16xi32> to vector<16xi32>
      %swap3A_130 = vector.shape_cast %add3A_126 : vector<16xi32> to vector<16xi32>
      tpu.vector_store %arg9[%swap3A_127], %swap3A_130 {strides = array<i32>} : memref<80xi32, #tpu.memory_space<vmem>>, vector<16xi32>,
      %get3A_131 = arith.constant 32 : index
      %get3A_132 = tpu.vector_load %arg7[%get3A_131] {strides = array<i32>} : memref<80xi32, #tpu.memory_space<vmem>>, vector<16xi32>,
      %get3A_133 = vector.shape_cast %get3A_132 : vector<16xi32> to vector<16xi32>
      %mul3A_134 = arith.constant 2 : i32
      %mul3A_135 = vector.broadcast %mul3A_134 : i32 to vector<16xi32>
      %mul3A_136 = arith.muli %get3A_133, %mul3A_135 : vector<16xi32>
      %add3A_137 = vector.broadcast %arg0 : i32 to vector<16xi32>
      %add3A_138 = arith.addi %mul3A_136, %add3A_137 : vector<16xi32>
      %swap3A_139 = arith.constant 32 : index
      %swap3A_140 = tpu.vector_load %arg9[%swap3A_139] {strides = array<i32>} : memref<80xi32, #tpu.memory_space<vmem>>, vector<16xi32>,
      %swap3A_141 = vector.shape_cast %swap3A_140 : vector<16xi32> to vector<16xi32>
      %swap3A_142 = vector.shape_cast %add3A_138 : vector<16xi32> to vector<16xi32>
      tpu.vector_store %arg9[%swap3A_139], %swap3A_142 {strides = array<i32>} : memref<80xi32, #tpu.memory_space<vmem>>, vector<16xi32>,
      %get3A_143 = arith.constant 48 : index
      %get3A_144 = tpu.vector_load %arg7[%get3A_143] {strides = array<i32>} : memref<80xi32, #tpu.memory_space<vmem>>, vector<16xi32>,
      %get3A_145 = vector.shape_cast %get3A_144 : vector<16xi32> to vector<16xi32>
      %mul3A_146 = arith.constant 2 : i32
      %mul3A_147 = vector.broadcast %mul3A_146 : i32 to vector<16xi32>
      %mul3A_148 = arith.muli %get3A_145, %mul3A_147 : vector<16xi32>
      %add3A_149 = vector.broadcast %arg0 : i32 to vector<16xi32>
      %add3A_150 = arith.addi %mul3A_148, %add3A_149 : vector<16xi32>
      %swap3A_151 = arith.constant 48 : index
      %swap3A_152 = tpu.vector_load %arg9[%swap3A_151] {strides = array<i32>} : memref<80xi32, #tpu.memory_space<vmem>>, vector<16xi32>,
      %swap3A_153 = vector.shape_cast %swap3A_152 : vector<16xi32> to vector<16xi32>
      %swap3A_154 = vector.shape_cast %add3A_150 : vector<16xi32> to vector<16xi32>
      tpu.vector_store %arg9[%swap3A_151], %swap3A_154 {strides = array<i32>} : memref<80xi32, #tpu.memory_space<vmem>>, vector<16xi32>,
      %get3A_155 = arith.constant 64 : index
      %get3A_156 = tpu.vector_load %arg7[%get3A_155] {strides = array<i32>} : memref<80xi32, #tpu.memory_space<vmem>>, vector<16xi32>,
      %get3A_157 = vector.shape_cast %get3A_156 : vector<16xi32> to vector<16xi32>
      %mul3A_158 = arith.constant 2 : i32
      %mul3A_159 = vector.broadcast %mul3A_158 : i32 to vector<16xi32>
      %mul3A_160 = arith.muli %get3A_157, %mul3A_159 : vector<16xi32>
      %add3A_161 = vector.broadcast %arg0 : i32 to vector<16xi32>
      %add3A_162 = arith.addi %mul3A_160, %add3A_161 : vector<16xi32>
      %swap3A_163 = arith.constant 64 : index
      %swap3A_164 = tpu.vector_load %arg9[%swap3A_163] {strides = array<i32>} : memref<80xi32, #tpu.memory_space<vmem>>, vector<16xi32>,
      %swap3A_165 = vector.shape_cast %swap3A_164 : vector<16xi32> to vector<16xi32>
      %swap3A_166 = vector.shape_cast %add3A_162 : vector<16xi32> to vector<16xi32>
      tpu.vector_store %arg9[%swap3A_163], %swap3A_166 {strides = array<i32>} : memref<80xi32, #tpu.memory_space<vmem>>, vector<16xi32>,
      %dma_wait3A_167 = arith.constant 0 : i32
      %dma_wait3A_168 = arith.constant 0 : i32
      %dma_wait3A_169 = tpu.memref_slice %arg2[%dma_wait3A_167, %dma_wait3A_168] : memref<20000x128xf32, #tpu.memory_space<hbm>> -> memref<20000x128xf32, #tpu.memory_space<hbm>>
      tpu.wait_indirect_dma semaphore(%arg16 : memref<!tpu.dma_semaphore, #tpu.memory_space<semaphore_mem>>) src(%dma_wait3A_169 : memref<20000x128xf32, #tpu.memory_space<hbm>>) dst(%arg12 : memref<80x128xf32, #tpu.memory_space<vmem>>)
      %dma_start3A_170 = arith.constant 0 : i32
      %dma_start3A_171 = arith.constant 0 : i32
      %dma_start3A_172 = tpu.memref_slice %arg2[%dma_start3A_170, %dma_start3A_171] : memref<20000x128xf32, #tpu.memory_space<hbm>> -> memref<20000x128xf32, #tpu.memory_space<hbm>>
      tpu.enqueue_indirect_dma source(%dma_start3A_172 : memref<20000x128xf32, #tpu.memory_space<hbm>>) target(%arg13 : memref<80x128xf32, #tpu.memory_space<vmem>>) offsets(%arg9 : memref<80xi32, #tpu.memory_space<vmem>>) semaphore(%arg16 : memref<!tpu.dma_semaphore, #tpu.memory_space<semaphore_mem>>)
      "tpu.region"() ({
        %run_scoped3A = tpu.sem_alloc : memref<!tpu.dma_semaphore, #tpu.memory_space<semaphore_mem>>
        %dma_start3A_248 = arith.constant 0 : i32
        %dma_start3A_249 = arith.constant 0 : i32
        %dma_start3A_250 = tpu.memref_slice %arg15[%dma_start3A_248, %dma_start3A_249] : memref<10240x128xf32, #tpu.memory_space<vmem_shared>> -> memref<10240x128xf32, #tpu.memory_space<vmem_shared>>
        tpu.enqueue_indirect_dma source(%arg12 : memref<80x128xf32, #tpu.memory_space<vmem>>) target(%dma_start3A_250 : memref<10240x128xf32, #tpu.memory_space<vmem_shared>>) offsets(%arg10 : memref<80xi32, #tpu.memory_space<vmem>>) semaphore(%run_scoped3A : memref<!tpu.dma_semaphore, #tpu.memory_space<semaphore_mem>>) {add = true}
        %dma_wait3A_251 = arith.constant 0 : i32
        %dma_wait3A_252 = arith.constant 0 : i32
        %dma_wait3A_253 = tpu.memref_slice %arg15[%dma_wait3A_251, %dma_wait3A_252] : memref<10240x128xf32, #tpu.memory_space<vmem_shared>> -> memref<10240x128xf32, #tpu.memory_space<vmem_shared>>
        tpu.wait_indirect_dma semaphore(%run_scoped3A : memref<!tpu.dma_semaphore, #tpu.memory_space<semaphore_mem>>) src(%arg12 : memref<80x128xf32, #tpu.memory_space<vmem>>) dst(%dma_wait3A_253 : memref<10240x128xf32, #tpu.memory_space<vmem_shared>>)
        tpu.yield
      }) : () -> ()
      %mul3A_173 = arith.constant 2 : i32
      %mul3A_174 = arith.muli %mul3A_173, %scan3A_97 : i32
      %add3A_175 = arith.constant 1 : i32
      %add3A_176 = arith.addi %mul3A_174, %add3A_175 : i32
      %add3A_177 = arith.constant 1 : i32
      %add3A_178 = arith.addi %add3A_176, %add3A_177 : i32
      %mul3A_179 = arith.constant 80 : i32
      %mul3A_180 = arith.muli %add3A_178, %mul3A_179 : i32
      %add3A_181 = arith.addi %mul3A_19, %mul3A_180 : i32
      "tpu.region"() ({
        %run_scoped3A = tpu.sem_alloc : memref<!tpu.dma_semaphore, #tpu.memory_space<semaphore_mem>>
        %dma_start3A_248 = tpu.memref_slice %arg3[%add3A_181] : memref<160000xi32, #tpu.memory_space<hbm>> -> memref<80xi32, #tpu.memory_space<hbm>>
        %dma_start3A_249 = tpu.memref_slice %arg3[%add3A_181] : memref<160000xi32, #tpu.memory_space<hbm>> -> memref<80xi32, #tpu.memory_space<hbm>>
        tpu.enqueue_dma source(%dma_start3A_249 : memref<80xi32, #tpu.memory_space<hbm>>) target(%arg6 : memref<80xi32, #tpu.memory_space<vmem>>) target_semaphore(%run_scoped3A : memref<!tpu.dma_semaphore, #tpu.memory_space<semaphore_mem>>)
        %dma_wait3A_250 = tpu.memref_slice %arg3[%add3A_181] : memref<160000xi32, #tpu.memory_space<hbm>> -> memref<80xi32, #tpu.memory_space<hbm>>
        %dma_wait3A_251 = tpu.memref_slice %arg3[%add3A_181] : memref<160000xi32, #tpu.memory_space<hbm>> -> memref<80xi32, #tpu.memory_space<hbm>>
        tpu.wait_dma2 semaphore(%run_scoped3A : memref<!tpu.dma_semaphore, #tpu.memory_space<semaphore_mem>>) src(%dma_wait3A_251 : memref<80xi32, #tpu.memory_space<hbm>>) dst(%arg6 : memref<80xi32, #tpu.memory_space<vmem>>)
        tpu.yield
      }) : () -> ()
      "tpu.region"() ({
        %run_scoped3A = tpu.sem_alloc : memref<!tpu.dma_semaphore, #tpu.memory_space<semaphore_mem>>
        %dma_start3A_248 = tpu.memref_slice %arg4[%add3A_181] : memref<160000xi32, #tpu.memory_space<hbm>> -> memref<80xi32, #tpu.memory_space<hbm>>
        %dma_start3A_249 = tpu.memref_slice %arg4[%add3A_181] : memref<160000xi32, #tpu.memory_space<hbm>> -> memref<80xi32, #tpu.memory_space<hbm>>
        tpu.enqueue_dma source(%dma_start3A_249 : memref<80xi32, #tpu.memory_space<hbm>>) target(%arg10 : memref<80xi32, #tpu.memory_space<vmem>>) target_semaphore(%run_scoped3A : memref<!tpu.dma_semaphore, #tpu.memory_space<semaphore_mem>>)
        %dma_wait3A_250 = tpu.memref_slice %arg4[%add3A_181] : memref<160000xi32, #tpu.memory_space<hbm>> -> memref<80xi32, #tpu.memory_space<hbm>>
        %dma_wait3A_251 = tpu.memref_slice %arg4[%add3A_181] : memref<160000xi32, #tpu.memory_space<hbm>> -> memref<80xi32, #tpu.memory_space<hbm>>
        tpu.wait_dma2 semaphore(%run_scoped3A : memref<!tpu.dma_semaphore, #tpu.memory_space<semaphore_mem>>) src(%dma_wait3A_251 : memref<80xi32, #tpu.memory_space<hbm>>) dst(%arg10 : memref<80xi32, #tpu.memory_space<vmem>>)
        tpu.yield
      }) : () -> ()
      %get3A_182 = arith.constant 0 : index
      %get3A_183 = tpu.vector_load %arg6[%get3A_182] {strides = array<i32>} : memref<80xi32, #tpu.memory_space<vmem>>, vector<16xi32>,
      %get3A_184 = vector.shape_cast %get3A_183 : vector<16xi32> to vector<16xi32>
      %mul3A_185 = arith.constant 2 : i32
      %mul3A_186 = vector.broadcast %mul3A_185 : i32 to vector<16xi32>
      %mul3A_187 = arith.muli %get3A_184, %mul3A_186 : vector<16xi32>
      %add3A_188 = vector.broadcast %arg0 : i32 to vector<16xi32>
      %add3A_189 = arith.addi %mul3A_187, %add3A_188 : vector<16xi32>
      %swap3A_190 = arith.constant 0 : index
      %swap3A_191 = tpu.vector_load %arg8[%swap3A_190] {strides = array<i32>} : memref<80xi32, #tpu.memory_space<vmem>>, vector<16xi32>,
      %swap3A_192 = vector.shape_cast %swap3A_191 : vector<16xi32> to vector<16xi32>
      %swap3A_193 = vector.shape_cast %add3A_189 : vector<16xi32> to vector<16xi32>
      tpu.vector_store %arg8[%swap3A_190], %swap3A_193 {strides = array<i32>} : memref<80xi32, #tpu.memory_space<vmem>>, vector<16xi32>,
      %get3A_194 = arith.constant 16 : index
      %get3A_195 = tpu.vector_load %arg6[%get3A_194] {strides = array<i32>} : memref<80xi32, #tpu.memory_space<vmem>>, vector<16xi32>,
      %get3A_196 = vector.shape_cast %get3A_195 : vector<16xi32> to vector<16xi32>
      %mul3A_197 = arith.constant 2 : i32
      %mul3A_198 = vector.broadcast %mul3A_197 : i32 to vector<16xi32>
      %mul3A_199 = arith.muli %get3A_196, %mul3A_198 : vector<16xi32>
      %add3A_200 = vector.broadcast %arg0 : i32 to vector<16xi32>
      %add3A_201 = arith.addi %mul3A_199, %add3A_200 : vector<16xi32>
      %swap3A_202 = arith.constant 16 : index
      %swap3A_203 = tpu.vector_load %arg8[%swap3A_202] {strides = array<i32>} : memref<80xi32, #tpu.memory_space<vmem>>, vector<16xi32>,
      %swap3A_204 = vector.shape_cast %swap3A_203 : vector<16xi32> to vector<16xi32>
      %swap3A_205 = vector.shape_cast %add3A_201 : vector<16xi32> to vector<16xi32>
      tpu.vector_store %arg8[%swap3A_202], %swap3A_205 {strides = array<i32>} : memref<80xi32, #tpu.memory_space<vmem>>, vector<16xi32>,
      %get3A_206 = arith.constant 32 : index
      %get3A_207 = tpu.vector_load %arg6[%get3A_206] {strides = array<i32>} : memref<80xi32, #tpu.memory_space<vmem>>, vector<16xi32>,
      %get3A_208 = vector.shape_cast %get3A_207 : vector<16xi32> to vector<16xi32>
      %mul3A_209 = arith.constant 2 : i32
      %mul3A_210 = vector.broadcast %mul3A_209 : i32 to vector<16xi32>
      %mul3A_211 = arith.muli %get3A_208, %mul3A_210 : vector<16xi32>
      %add3A_212 = vector.broadcast %arg0 : i32 to vector<16xi32>
      %add3A_213 = arith.addi %mul3A_211, %add3A_212 : vector<16xi32>
      %swap3A_214 = arith.constant 32 : index
      %swap3A_215 = tpu.vector_load %arg8[%swap3A_214] {strides = array<i32>} : memref<80xi32, #tpu.memory_space<vmem>>, vector<16xi32>,
      %swap3A_216 = vector.shape_cast %swap3A_215 : vector<16xi32> to vector<16xi32>
      %swap3A_217 = vector.shape_cast %add3A_213 : vector<16xi32> to vector<16xi32>
      tpu.vector_store %arg8[%swap3A_214], %swap3A_217 {strides = array<i32>} : memref<80xi32, #tpu.memory_space<vmem>>, vector<16xi32>,
      %get3A_218 = arith.constant 48 : index
      %get3A_219 = tpu.vector_load %arg6[%get3A_218] {strides = array<i32>} : memref<80xi32, #tpu.memory_space<vmem>>, vector<16xi32>,
      %get3A_220 = vector.shape_cast %get3A_219 : vector<16xi32> to vector<16xi32>
      %mul3A_221 = arith.constant 2 : i32
      %mul3A_222 = vector.broadcast %mul3A_221 : i32 to vector<16xi32>
      %mul3A_223 = arith.muli %get3A_220, %mul3A_222 : vector<16xi32>
      %add3A_224 = vector.broadcast %arg0 : i32 to vector<16xi32>
      %add3A_225 = arith.addi %mul3A_223, %add3A_224 : vector<16xi32>
      %swap3A_226 = arith.constant 48 : index
      %swap3A_227 = tpu.vector_load %arg8[%swap3A_226] {strides = array<i32>} : memref<80xi32, #tpu.memory_space<vmem>>, vector<16xi32>,
      %swap3A_228 = vector.shape_cast %swap3A_227 : vector<16xi32> to vector<16xi32>
      %swap3A_229 = vector.shape_cast %add3A_225 : vector<16xi32> to vector<16xi32>
      tpu.vector_store %arg8[%swap3A_226], %swap3A_229 {strides = array<i32>} : memref<80xi32, #tpu.memory_space<vmem>>, vector<16xi32>,
      %get3A_230 = arith.constant 64 : index
      %get3A_231 = tpu.vector_load %arg6[%get3A_230] {strides = array<i32>} : memref<80xi32, #tpu.memory_space<vmem>>, vector<16xi32>,
      %get3A_232 = vector.shape_cast %get3A_231 : vector<16xi32> to vector<16xi32>
      %mul3A_233 = arith.constant 2 : i32
      %mul3A_234 = vector.broadcast %mul3A_233 : i32 to vector<16xi32>
      %mul3A_235 = arith.muli %get3A_232, %mul3A_234 : vector<16xi32>
      %add3A_236 = vector.broadcast %arg0 : i32 to vector<16xi32>
      %add3A_237 = arith.addi %mul3A_235, %add3A_236 : vector<16xi32>
      %swap3A_238 = arith.constant 64 : index
      %swap3A_239 = tpu.vector_load %arg8[%swap3A_238] {strides = array<i32>} : memref<80xi32, #tpu.memory_space<vmem>>, vector<16xi32>,
      %swap3A_240 = vector.shape_cast %swap3A_239 : vector<16xi32> to vector<16xi32>
      %swap3A_241 = vector.shape_cast %add3A_237 : vector<16xi32> to vector<16xi32>
      tpu.vector_store %arg8[%swap3A_238], %swap3A_241 {strides = array<i32>} : memref<80xi32, #tpu.memory_space<vmem>>, vector<16xi32>,
      %dma_wait3A_242 = arith.constant 0 : i32
      %dma_wait3A_243 = arith.constant 0 : i32
      %dma_wait3A_244 = tpu.memref_slice %arg2[%dma_wait3A_242, %dma_wait3A_243] : memref<20000x128xf32, #tpu.memory_space<hbm>> -> memref<20000x128xf32, #tpu.memory_space<hbm>>
      tpu.wait_indirect_dma semaphore(%arg16 : memref<!tpu.dma_semaphore, #tpu.memory_space<semaphore_mem>>) src(%dma_wait3A_244 : memref<20000x128xf32, #tpu.memory_space<hbm>>) dst(%arg13 : memref<80x128xf32, #tpu.memory_space<vmem>>)
      %dma_start3A_245 = arith.constant 0 : i32
      %dma_start3A_246 = arith.constant 0 : i32
      %dma_start3A_247 = tpu.memref_slice %arg2[%dma_start3A_245, %dma_start3A_246] : memref<20000x128xf32, #tpu.memory_space<hbm>> -> memref<20000x128xf32, #tpu.memory_space<hbm>>
      tpu.enqueue_indirect_dma source(%dma_start3A_247 : memref<20000x128xf32, #tpu.memory_space<hbm>>) target(%arg12 : memref<80x128xf32, #tpu.memory_space<vmem>>) offsets(%arg8 : memref<80xi32, #tpu.memory_space<vmem>>) semaphore(%arg16 : memref<!tpu.dma_semaphore, #tpu.memory_space<semaphore_mem>>)
      "tpu.region"() ({
        %run_scoped3A = tpu.sem_alloc : memref<!tpu.dma_semaphore, #tpu.memory_space<semaphore_mem>>
        %dma_start3A_248 = arith.constant 0 : i32
        %dma_start3A_249 = arith.constant 0 : i32
        %dma_start3A_250 = tpu.memref_slice %arg15[%dma_start3A_248, %dma_start3A_249] : memref<10240x128xf32, #tpu.memory_space<vmem_shared>> -> memref<10240x128xf32, #tpu.memory_space<vmem_shared>>
        tpu.enqueue_indirect_dma source(%arg13 : memref<80x128xf32, #tpu.memory_space<vmem>>) target(%dma_start3A_250 : memref<10240x128xf32, #tpu.memory_space<vmem_shared>>) offsets(%arg11 : memref<80xi32, #tpu.memory_space<vmem>>) semaphore(%run_scoped3A : memref<!tpu.dma_semaphore, #tpu.memory_space<semaphore_mem>>) {add = true}
        %dma_wait3A_251 = arith.constant 0 : i32
        %dma_wait3A_252 = arith.constant 0 : i32
        %dma_wait3A_253 = tpu.memref_slice %arg15[%dma_wait3A_251, %dma_wait3A_252] : memref<10240x128xf32, #tpu.memory_space<vmem_shared>> -> memref<10240x128xf32, #tpu.memory_space<vmem_shared>>
        tpu.wait_indirect_dma semaphore(%run_scoped3A : memref<!tpu.dma_semaphore, #tpu.memory_space<semaphore_mem>>) src(%arg13 : memref<80x128xf32, #tpu.memory_space<vmem>>) dst(%dma_wait3A_253 : memref<10240x128xf32, #tpu.memory_space<vmem_shared>>)
        tpu.yield
      }) : () -> ()
    }
    %scan3A_86 = arith.constant 62 : i32
    %dma_wait3A = arith.constant 0 : i32
    %dma_wait3A_87 = arith.constant 0 : i32
    %dma_wait3A_88 = tpu.memref_slice %arg2[%dma_wait3A, %dma_wait3A_87] : memref<20000x128xf32, #tpu.memory_space<hbm>> -> memref<20000x128xf32, #tpu.memory_space<hbm>>
    tpu.wait_indirect_dma semaphore(%arg16 : memref<!tpu.dma_semaphore, #tpu.memory_space<semaphore_mem>>) src(%dma_wait3A_88 : memref<20000x128xf32, #tpu.memory_space<hbm>>) dst(%arg12 : memref<80x128xf32, #tpu.memory_space<vmem>>)
    "tpu.region"() ({
      %run_scoped3A = tpu.sem_alloc : memref<!tpu.dma_semaphore, #tpu.memory_space<semaphore_mem>>
      %dma_start3A_97 = arith.constant 0 : i32
      %dma_start3A_98 = arith.constant 0 : i32
      %dma_start3A_99 = tpu.memref_slice %arg15[%dma_start3A_97, %dma_start3A_98] : memref<10240x128xf32, #tpu.memory_space<vmem_shared>> -> memref<10240x128xf32, #tpu.memory_space<vmem_shared>>
      tpu.enqueue_indirect_dma source(%arg12 : memref<80x128xf32, #tpu.memory_space<vmem>>) target(%dma_start3A_99 : memref<10240x128xf32, #tpu.memory_space<vmem_shared>>) offsets(%arg10 : memref<80xi32, #tpu.memory_space<vmem>>) semaphore(%run_scoped3A : memref<!tpu.dma_semaphore, #tpu.memory_space<semaphore_mem>>) {add = true}
      %dma_wait3A_100 = arith.constant 0 : i32
      %dma_wait3A_101 = arith.constant 0 : i32
      %dma_wait3A_102 = tpu.memref_slice %arg15[%dma_wait3A_100, %dma_wait3A_101] : memref<10240x128xf32, #tpu.memory_space<vmem_shared>> -> memref<10240x128xf32, #tpu.memory_space<vmem_shared>>
      tpu.wait_indirect_dma semaphore(%run_scoped3A : memref<!tpu.dma_semaphore, #tpu.memory_space<semaphore_mem>>) src(%arg12 : memref<80x128xf32, #tpu.memory_space<vmem>>) dst(%dma_wait3A_102 : memref<10240x128xf32, #tpu.memory_space<vmem_shared>>)
      tpu.yield
    }) : () -> ()
    %barrier3A_89 = arith.constant 0 : index
    tpu.barrier barrier_id(%barrier3A_89)
    %lt3A = arith.constant 15 : i32
    %lt3A_90 = arith.cmpi slt, %arg1, %lt3A : i32
    %convert_element_type3A = arith.extui %lt3A_90 : i1 to i32
    %cond3A = arith.constant 0 : i32
    %cond3A_91 = arith.cmpi ne, %convert_element_type3A, %cond3A : i32
    scf.if %cond3A_91 {
      "tpu.region"() ({
        %run_scoped3A = tpu.sem_alloc : memref<!tpu.dma_semaphore, #tpu.memory_space<semaphore_mem>>
        %dma_start3A_97 = arith.constant 0 : i32
        %dma_start3A_98 = tpu.memref_slice %arg5[%arg0, %mul3A_0, %dma_start3A_97] : memref<2x10000x128xf32, #tpu.memory_space<hbm>> -> memref<1x640x128xf32, #tpu.memory_space<hbm>>
        %dma_start3A_99 = tpu.memref_squeeze %dma_start3A_98 : memref<1x640x128xf32, #tpu.memory_space<hbm>> -> memref<640x128xf32, #tpu.memory_space<hbm>>
        %dma_start3A_100 = arith.constant 0 : i32
        %dma_start3A_101 = tpu.memref_slice %arg15[%mul3A_0, %dma_start3A_100] : memref<10240x128xf32, #tpu.memory_space<vmem_shared>> -> memref<640x128xf32, #tpu.memory_space<vmem_shared>>
        tpu.enqueue_dma source(%dma_start3A_101 : memref<640x128xf32, #tpu.memory_space<vmem_shared>>) target(%dma_start3A_99 : memref<640x128xf32, #tpu.memory_space<hbm>>) target_semaphore(%run_scoped3A : memref<!tpu.dma_semaphore, #tpu.memory_space<semaphore_mem>>)
        %dma_wait3A_102 = arith.constant 0 : i32
        %dma_wait3A_103 = tpu.memref_slice %arg5[%arg0, %mul3A_0, %dma_wait3A_102] : memref<2x10000x128xf32, #tpu.memory_space<hbm>> -> memref<1x640x128xf32, #tpu.memory_space<hbm>>
        %dma_wait3A_104 = tpu.memref_squeeze %dma_wait3A_103 : memref<1x640x128xf32, #tpu.memory_space<hbm>> -> memref<640x128xf32, #tpu.memory_space<hbm>>
        %dma_wait3A_105 = arith.constant 0 : i32
        %dma_wait3A_106 = tpu.memref_slice %arg15[%mul3A_0, %dma_wait3A_105] : memref<10240x128xf32, #tpu.memory_space<vmem_shared>> -> memref<640x128xf32, #tpu.memory_space<vmem_shared>>
        tpu.wait_dma2 semaphore(%run_scoped3A : memref<!tpu.dma_semaphore, #tpu.memory_space<semaphore_mem>>) src(%dma_wait3A_106 : memref<640x128xf32, #tpu.memory_space<vmem_shared>>) dst(%dma_wait3A_104 : memref<640x128xf32, #tpu.memory_space<hbm>>)
        tpu.yield
      }) : () -> ()
    } else {
    }
    %eq3A_92 = arith.constant 15 : i32
    %eq3A_93 = arith.cmpi eq, %arg1, %eq3A_92 : i32
    %convert_element_type3A_94 = arith.extui %eq3A_93 : i1 to i32
    %cond3A_95 = arith.constant 0 : i32
    %cond3A_96 = arith.cmpi ne, %convert_element_type3A_94, %cond3A_95 : i32
    scf.if %cond3A_96 {
      "tpu.region"() ({
        %run_scoped3A = tpu.sem_alloc : memref<!tpu.dma_semaphore, #tpu.memory_space<semaphore_mem>>
        %dma_start3A_97 = arith.constant 0 : i32
        %dma_start3A_98 = tpu.memref_slice %arg5[%arg0, %mul3A_0, %dma_start3A_97] : memref<2x10000x128xf32, #tpu.memory_space<hbm>> -> memref<1x400x128xf32, #tpu.memory_space<hbm>>
        %dma_start3A_99 = tpu.memref_squeeze %dma_start3A_98 : memref<1x400x128xf32, #tpu.memory_space<hbm>> -> memref<400x128xf32, #tpu.memory_space<hbm>>
        %dma_start3A_100 = arith.constant 0 : i32
        %dma_start3A_101 = tpu.memref_slice %arg15[%mul3A_0, %dma_start3A_100] : memref<10240x128xf32, #tpu.memory_space<vmem_shared>> -> memref<400x128xf32, #tpu.memory_space<vmem_shared>>
        tpu.enqueue_dma source(%dma_start3A_101 : memref<400x128xf32, #tpu.memory_space<vmem_shared>>) target(%dma_start3A_99 : memref<400x128xf32, #tpu.memory_space<hbm>>) target_semaphore(%run_scoped3A : memref<!tpu.dma_semaphore, #tpu.memory_space<semaphore_mem>>)
        %dma_wait3A_102 = arith.constant 0 : i32
        %dma_wait3A_103 = tpu.memref_slice %arg5[%arg0, %mul3A_0, %dma_wait3A_102] : memref<2x10000x128xf32, #tpu.memory_space<hbm>> -> memref<1x400x128xf32, #tpu.memory_space<hbm>>
        %dma_wait3A_104 = tpu.memref_squeeze %dma_wait3A_103 : memref<1x400x128xf32, #tpu.memory_space<hbm>> -> memref<400x128xf32, #tpu.memory_space<hbm>>
        %dma_wait3A_105 = arith.constant 0 : i32
        %dma_wait3A_106 = tpu.memref_slice %arg15[%mul3A_0, %dma_wait3A_105] : memref<10240x128xf32, #tpu.memory_space<vmem_shared>> -> memref<400x128xf32, #tpu.memory_space<vmem_shared>>
        tpu.wait_dma2 semaphore(%run_scoped3A : memref<!tpu.dma_semaphore, #tpu.memory_space<semaphore_mem>>) src(%dma_wait3A_106 : memref<400x128xf32, #tpu.memory_space<vmem_shared>>) dst(%dma_wait3A_104 : memref<400x128xf32, #tpu.memory_space<hbm>>)
        tpu.yield
      }) : () -> ()
    } else {
    }
    return
  }
}

module attributes {stable_mosaic.version = 14 : i64} {
  func.func @_tc1_body(%arg0: i32, %arg1: memref<2000x256xf32, #tpu.memory_space<vmem>>, %arg2: memref<2000x128xf32, #tpu.memory_space<vmem>>, %arg3: memref<2000x128xf32, #tpu.memory_space<vmem>>, %arg4: memref<2000x128xf32, #tpu.memory_space<vmem>>, %arg5: memref<2000x128xf32, #tpu.memory_space<vmem>>, %arg6: memref<128x512xf32, #tpu.memory_space<vmem>>, %arg7: memref<128x512xf32, #tpu.memory_space<vmem>>, %arg8: memref<256x512xf32, #tpu.memory_space<vmem>>, %arg9: memref<512x256xf32, #tpu.memory_space<vmem>>, %arg10: memref<1x512xf32, #tpu.memory_space<vmem>>, %arg11: memref<2000x512xbf16, #tpu.memory_space<vmem>>, %arg12: memref<2000x256xf32, #tpu.memory_space<vmem>>) attributes {dimension_semantics = [#tpu.dimension_semantics<arbitrary>], iteration_bounds = array<i64: 5>, scalar_prefetch = 0 : i64, scratch_operands = 0 : i64, tpu.core_type = #tpu.core_type<tc>, window_params = [{transform_indices = @transform_0, window_bounds = array<i64: 2000, 256>}, {transform_indices = @transform_1, window_bounds = array<i64: 2000, 128>}, {transform_indices = @transform_2, window_bounds = array<i64: 2000, 128>}, {transform_indices = @transform_3, window_bounds = array<i64: 2000, 128>}, {transform_indices = @transform_4, window_bounds = array<i64: 2000, 128>}, {pipeline_mode = #tpu.pipeline_mode<synchronous>, transform_indices = @transform_5, window_bounds = array<i64: 128, 512>}, {pipeline_mode = #tpu.pipeline_mode<synchronous>, transform_indices = @transform_6, window_bounds = array<i64: 128, 512>}, {pipeline_mode = #tpu.pipeline_mode<synchronous>, transform_indices = @transform_7, window_bounds = array<i64: 256, 512>}, {pipeline_mode = #tpu.pipeline_mode<synchronous>, transform_indices = @transform_8, window_bounds = array<i64: 512, 256>}, {pipeline_mode = #tpu.pipeline_mode<synchronous>, transform_indices = @transform_9, window_bounds = array<i64: 1, 512>}, {transform_indices = @transform_10, window_bounds = array<i64: 2000, 512>}, {transform_indices = @transform_11, window_bounds = array<i64: 2000, 256>}]} {
    %get3A = arith.constant 0 : index
    %get3A_0 = arith.constant 0 : index
    %get3A_1 = vector.load %arg4[%get3A, %get3A_0] : memref<2000x128xf32, #tpu.memory_space<vmem>>, vector<2000x1xf32>
    %get3A_2 = arith.constant 0 : index
    %get3A_3 = arith.constant 0 : index
    %get3A_4 = vector.load %arg5[%get3A_2, %get3A_3] : memref<2000x128xf32, #tpu.memory_space<vmem>>, vector<2000x1xf32>
    %add3A = arith.addf %get3A_1, %get3A_4 : vector<2000x1xf32>
    %max3A = arith.constant 1.000000e+00 : f32
    %max3A_5 = vector.broadcast %max3A : f32 to vector<2000x1xf32>
    %max3A_6 = arith.maximumf %add3A, %max3A_5 : vector<2000x1xf32>
    %div3A = arith.constant 1.000000e+00 : f32
    %div3A_7 = vector.broadcast %div3A : f32 to vector<2000x1xf32>
    %div3A_8 = arith.divf %div3A_7, %max3A_6 : vector<2000x1xf32>
    %get3A_9 = arith.constant 0 : index
    %get3A_10 = arith.constant 0 : index
    %get3A_11 = vector.load %arg2[%get3A_9, %get3A_10] : memref<2000x128xf32, #tpu.memory_space<vmem>>, vector<2000x128xf32>
    %mul3A = vector.broadcast %div3A_8 : vector<2000x1xf32> to vector<2000x128xf32>
    %mul3A_12 = arith.mulf %get3A_11, %mul3A : vector<2000x128xf32>
    %get3A_13 = arith.constant 0 : index
    %get3A_14 = arith.constant 0 : index
    %get3A_15 = vector.load %arg6[%get3A_13, %get3A_14] : memref<128x512xf32, #tpu.memory_space<vmem>>, vector<128x512xf32>
    %convert_element_type3A = arith.truncf %mul3A_12 : vector<2000x128xf32> to vector<2000x128xbf16>
    %convert_element_type3A_16 = arith.truncf %get3A_15 : vector<128x512xf32> to vector<128x512xbf16>
    %dot_general3A = arith.constant dense<0.000000e+00> : vector<2000x512xf32>
    %dot_general3A_17 = tpu.matmul %convert_element_type3A, %convert_element_type3A_16, %dot_general3A {dimension_numbers = #tpu.dot_dimension_numbers<[1], [0], [0], [1], [0, 0, 1, 1], [], []>, transpose_lhs_hint = false} : vector<2000x128xbf16>, vector<128x512xbf16>, vector<2000x512xf32> -> vector<2000x512xf32>
    %get3A_18 = arith.constant 0 : index
    %get3A_19 = arith.constant 0 : index
    %get3A_20 = vector.load %arg3[%get3A_18, %get3A_19] : memref<2000x128xf32, #tpu.memory_space<vmem>>, vector<2000x128xf32>
    %mul3A_21 = vector.broadcast %div3A_8 : vector<2000x1xf32> to vector<2000x128xf32>
    %mul3A_22 = arith.mulf %get3A_20, %mul3A_21 : vector<2000x128xf32>
    %get3A_23 = arith.constant 0 : index
    %get3A_24 = arith.constant 0 : index
    %get3A_25 = vector.load %arg7[%get3A_23, %get3A_24] : memref<128x512xf32, #tpu.memory_space<vmem>>, vector<128x512xf32>
    %convert_element_type3A_26 = arith.truncf %mul3A_22 : vector<2000x128xf32> to vector<2000x128xbf16>
    %convert_element_type3A_27 = arith.truncf %get3A_25 : vector<128x512xf32> to vector<128x512xbf16>
    %dot_general3A_28 = arith.constant dense<0.000000e+00> : vector<2000x512xf32>
    %dot_general3A_29 = tpu.matmul %convert_element_type3A_26, %convert_element_type3A_27, %dot_general3A_28 {dimension_numbers = #tpu.dot_dimension_numbers<[1], [0], [0], [1], [0, 0, 1, 1], [], []>, transpose_lhs_hint = false} : vector<2000x128xbf16>, vector<128x512xbf16>, vector<2000x512xf32> -> vector<2000x512xf32>
    %add3A_30 = arith.addf %dot_general3A_17, %dot_general3A_29 : vector<2000x512xf32>
    %get3A_31 = arith.constant 0 : index
    %get3A_32 = arith.constant 0 : index
    %get3A_33 = vector.load %arg1[%get3A_31, %get3A_32] : memref<2000x256xf32, #tpu.memory_space<vmem>>, vector<2000x256xf32>
    %get3A_34 = arith.constant 0 : index
    %get3A_35 = arith.constant 0 : index
    %get3A_36 = vector.load %arg8[%get3A_34, %get3A_35] : memref<256x512xf32, #tpu.memory_space<vmem>>, vector<256x512xf32>
    %convert_element_type3A_37 = arith.truncf %get3A_33 : vector<2000x256xf32> to vector<2000x256xbf16>
    %convert_element_type3A_38 = arith.truncf %get3A_36 : vector<256x512xf32> to vector<256x512xbf16>
    %dot_general3A_39 = arith.constant dense<0.000000e+00> : vector<2000x512xf32>
    %dot_general3A_40 = tpu.matmul %convert_element_type3A_37, %convert_element_type3A_38, %dot_general3A_39 {dimension_numbers = #tpu.dot_dimension_numbers<[1], [0], [0], [1], [0, 0, 1, 1], [], []>, transpose_lhs_hint = false} : vector<2000x256xbf16>, vector<256x512xbf16>, vector<2000x512xf32> -> vector<2000x512xf32>
    %add3A_41 = arith.addf %add3A_30, %dot_general3A_40 : vector<2000x512xf32>
    %get3A_42 = arith.constant 0 : index
    %get3A_43 = arith.constant 0 : index
    %get3A_44 = vector.load %arg10[%get3A_42, %get3A_43] : memref<1x512xf32, #tpu.memory_space<vmem>>, vector<1x512xf32>
    %add3A_45 = vector.broadcast %get3A_44 : vector<1x512xf32> to vector<2000x512xf32>
    %add3A_46 = arith.addf %add3A_41, %add3A_45 : vector<2000x512xf32>
    %max3A_47 = arith.constant 0.000000e+00 : f32
    %max3A_48 = vector.broadcast %max3A_47 : f32 to vector<2000x512xf32>
    %max3A_49 = arith.maximumf %add3A_46, %max3A_48 : vector<2000x512xf32>
    %convert_element_type3A_50 = arith.truncf %max3A_49 : vector<2000x512xf32> to vector<2000x512xbf16>
    %swap3A = arith.constant 0 : index
    %swap3A_51 = arith.constant 0 : index
    %swap3A_52 = vector.load %arg11[%swap3A, %swap3A_51] : memref<2000x512xbf16, #tpu.memory_space<vmem>>, vector<2000x512xbf16>
    tpu.vector_store %arg11[%swap3A, %swap3A_51], %convert_element_type3A_50 {strides = array<i32>} : memref<2000x512xbf16, #tpu.memory_space<vmem>>, vector<2000x512xbf16>,
    %get3A_53 = arith.constant 0 : index
    %get3A_54 = arith.constant 0 : index
    %get3A_55 = vector.load %arg9[%get3A_53, %get3A_54] : memref<512x256xf32, #tpu.memory_space<vmem>>, vector<512x256xf32>
    %convert_element_type3A_56 = arith.truncf %max3A_49 : vector<2000x512xf32> to vector<2000x512xbf16>
    %convert_element_type3A_57 = arith.truncf %get3A_55 : vector<512x256xf32> to vector<512x256xbf16>
    %dot_general3A_58 = arith.constant dense<0.000000e+00> : vector<2000x256xf32>
    %dot_general3A_59 = tpu.matmul %convert_element_type3A_56, %convert_element_type3A_57, %dot_general3A_58 {dimension_numbers = #tpu.dot_dimension_numbers<[1], [0], [0], [1], [0, 0, 1, 1], [], []>, transpose_lhs_hint = false} : vector<2000x512xbf16>, vector<512x256xbf16>, vector<2000x256xf32> -> vector<2000x256xf32>
    %swap3A_60 = arith.constant 0 : index
    %swap3A_61 = arith.constant 0 : index
    %swap3A_62 = vector.load %arg12[%swap3A_60, %swap3A_61] : memref<2000x256xf32, #tpu.memory_space<vmem>>, vector<2000x256xf32>
    tpu.vector_store %arg12[%swap3A_60, %swap3A_61], %dot_general3A_59 {strides = array<i32>} : memref<2000x256xf32, #tpu.memory_space<vmem>>, vector<2000x256xf32>,
    return
  }
  func.func @transform_0(%arg0: i32) -> (i32, i32) {
    %c0_i32 = arith.constant 0 : i32
    %c0_i32_0 = arith.constant 0 : i32
    return %arg0, %c0_i32 : i32, i32
  }
  func.func @transform_1(%arg0: i32) -> (i32, i32) {
    %c0_i32 = arith.constant 0 : i32
    %c0_i32_0 = arith.constant 0 : i32
    return %arg0, %c0_i32 : i32, i32
  }
  func.func @transform_2(%arg0: i32) -> (i32, i32) {
    %c0_i32 = arith.constant 0 : i32
    %c0_i32_0 = arith.constant 0 : i32
    return %arg0, %c0_i32 : i32, i32
  }
  func.func @transform_3(%arg0: i32) -> (i32, i32) {
    %c0_i32 = arith.constant 0 : i32
    %c0_i32_0 = arith.constant 0 : i32
    return %arg0, %c0_i32 : i32, i32
  }
  func.func @transform_4(%arg0: i32) -> (i32, i32) {
    %c0_i32 = arith.constant 0 : i32
    %c0_i32_0 = arith.constant 0 : i32
    return %arg0, %c0_i32 : i32, i32
  }
  func.func @transform_5(%arg0: i32) -> (i32, i32) {
    %c0_i32 = arith.constant 0 : i32
    %c0_i32_0 = arith.constant 0 : i32
    %c0_i32_1 = arith.constant 0 : i32
    return %c0_i32, %c0_i32_0 : i32, i32
  }
  func.func @transform_6(%arg0: i32) -> (i32, i32) {
    %c0_i32 = arith.constant 0 : i32
    %c0_i32_0 = arith.constant 0 : i32
    %c0_i32_1 = arith.constant 0 : i32
    return %c0_i32, %c0_i32_0 : i32, i32
  }
  func.func @transform_7(%arg0: i32) -> (i32, i32) {
    %c0_i32 = arith.constant 0 : i32
    %c0_i32_0 = arith.constant 0 : i32
    %c0_i32_1 = arith.constant 0 : i32
    return %c0_i32, %c0_i32_0 : i32, i32
  }
  func.func @transform_8(%arg0: i32) -> (i32, i32) {
    %c0_i32 = arith.constant 0 : i32
    %c0_i32_0 = arith.constant 0 : i32
    %c0_i32_1 = arith.constant 0 : i32
    return %c0_i32, %c0_i32_0 : i32, i32
  }
  func.func @transform_9(%arg0: i32) -> (i32, i32) {
    %c0_i32 = arith.constant 0 : i32
    %c0_i32_0 = arith.constant 0 : i32
    %c0_i32_1 = arith.constant 0 : i32
    return %c0_i32, %c0_i32_0 : i32, i32
  }
  func.func @transform_10(%arg0: i32) -> (i32, i32) {
    %c0_i32 = arith.constant 0 : i32
    %c0_i32_0 = arith.constant 0 : i32
    return %arg0, %c0_i32 : i32, i32
  }
  func.func @transform_11(%arg0: i32) -> (i32, i32) {
    %c0_i32 = arith.constant 0 : i32
    %c0_i32_0 = arith.constant 0 : i32
    return %arg0, %c0_i32 : i32, i32
  }
}

module attributes {stable_mosaic.version = 14 : i64} {
  func.func @_tc2_body(%arg0: i32, %arg1: memref<2000x512xbf16, #tpu.memory_space<vmem>>, %arg2: memref<2000x128xf32, #tpu.memory_space<vmem>>, %arg3: memref<2000x128xf32, #tpu.memory_space<vmem>>, %arg4: memref<2000x128xf32, #tpu.memory_space<vmem>>, %arg5: memref<2000x128xf32, #tpu.memory_space<vmem>>, %arg6: memref<512x256xf32, #tpu.memory_space<vmem>>, %arg7: memref<1x256xf32, #tpu.memory_space<vmem>>, %arg8: memref<2000x256xf32, #tpu.memory_space<vmem>>) attributes {dimension_semantics = [#tpu.dimension_semantics<arbitrary>], iteration_bounds = array<i64: 5>, scalar_prefetch = 0 : i64, scratch_operands = 0 : i64, tpu.core_type = #tpu.core_type<tc>, window_params = [{transform_indices = @transform_0, window_bounds = array<i64: 2000, 512>}, {transform_indices = @transform_1, window_bounds = array<i64: 2000, 128>}, {transform_indices = @transform_2, window_bounds = array<i64: 2000, 128>}, {transform_indices = @transform_3, window_bounds = array<i64: 2000, 128>}, {transform_indices = @transform_4, window_bounds = array<i64: 2000, 128>}, {pipeline_mode = #tpu.pipeline_mode<synchronous>, transform_indices = @transform_5, window_bounds = array<i64: 512, 256>}, {pipeline_mode = #tpu.pipeline_mode<synchronous>, transform_indices = @transform_6, window_bounds = array<i64: 1, 256>}, {transform_indices = @transform_7, window_bounds = array<i64: 2000, 256>}]} {
    %get3A = arith.constant 0 : index
    %get3A_0 = arith.constant 0 : index
    %get3A_1 = vector.load %arg4[%get3A, %get3A_0] : memref<2000x128xf32, #tpu.memory_space<vmem>>, vector<2000x1xf32>
    %get3A_2 = arith.constant 0 : index
    %get3A_3 = arith.constant 0 : index
    %get3A_4 = vector.load %arg5[%get3A_2, %get3A_3] : memref<2000x128xf32, #tpu.memory_space<vmem>>, vector<2000x1xf32>
    %add3A = arith.addf %get3A_1, %get3A_4 : vector<2000x1xf32>
    %max3A = arith.constant 1.000000e+00 : f32
    %max3A_5 = vector.broadcast %max3A : f32 to vector<2000x1xf32>
    %max3A_6 = arith.maximumf %add3A, %max3A_5 : vector<2000x1xf32>
    %div3A = arith.constant 1.000000e+00 : f32
    %div3A_7 = vector.broadcast %div3A : f32 to vector<2000x1xf32>
    %div3A_8 = arith.divf %div3A_7, %max3A_6 : vector<2000x1xf32>
    %get3A_9 = arith.constant 0 : index
    %get3A_10 = arith.constant 0 : index
    %get3A_11 = vector.load %arg2[%get3A_9, %get3A_10] : memref<2000x128xf32, #tpu.memory_space<vmem>>, vector<2000x128xf32>
    %mul3A = vector.broadcast %div3A_8 : vector<2000x1xf32> to vector<2000x128xf32>
    %mul3A_12 = arith.mulf %get3A_11, %mul3A : vector<2000x128xf32>
    %get3A_13 = arith.constant 0 : index
    %get3A_14 = arith.constant 0 : index
    %get3A_15 = vector.load %arg3[%get3A_13, %get3A_14] : memref<2000x128xf32, #tpu.memory_space<vmem>>, vector<2000x128xf32>
    %mul3A_16 = vector.broadcast %div3A_8 : vector<2000x1xf32> to vector<2000x128xf32>
    %mul3A_17 = arith.mulf %get3A_15, %mul3A_16 : vector<2000x128xf32>
    %concatenate3A = tpu.concatenate %mul3A_12, %mul3A_17 in 1 : vector<2000x128xf32>, vector<2000x128xf32> -> vector<2000x256xf32>
    %get3A_18 = arith.constant 0 : index
    %get3A_19 = arith.constant 0 : index
    %get3A_20 = vector.load %arg1[%get3A_18, %get3A_19] : memref<2000x512xbf16, #tpu.memory_space<vmem>>, vector<2000x512xbf16>
    %get3A_21 = arith.constant 0 : index
    %get3A_22 = arith.constant 0 : index
    %get3A_23 = vector.load %arg6[%get3A_21, %get3A_22] : memref<512x256xf32, #tpu.memory_space<vmem>>, vector<512x256xf32>
    %convert_element_type3A = arith.truncf %get3A_23 : vector<512x256xf32> to vector<512x256xbf16>
    %dot_general3A = arith.constant dense<0.000000e+00> : vector<2000x256xf32>
    %dot_general3A_24 = tpu.matmul %get3A_20, %convert_element_type3A, %dot_general3A {dimension_numbers = #tpu.dot_dimension_numbers<[1], [0], [0], [1], [0, 0, 1, 1], [], []>, transpose_lhs_hint = false} : vector<2000x512xbf16>, vector<512x256xbf16>, vector<2000x256xf32> -> vector<2000x256xf32>
    %add3A_25 = arith.addf %concatenate3A, %dot_general3A_24 : vector<2000x256xf32>
    %get3A_26 = arith.constant 0 : index
    %get3A_27 = arith.constant 0 : index
    %get3A_28 = vector.load %arg7[%get3A_26, %get3A_27] : memref<1x256xf32, #tpu.memory_space<vmem>>, vector<1x256xf32>
    %add3A_29 = vector.broadcast %get3A_28 : vector<1x256xf32> to vector<2000x256xf32>
    %add3A_30 = arith.addf %add3A_25, %add3A_29 : vector<2000x256xf32>
    %max3A_31 = arith.constant 0.000000e+00 : f32
    %max3A_32 = vector.broadcast %max3A_31 : f32 to vector<2000x256xf32>
    %max3A_33 = arith.maximumf %add3A_30, %max3A_32 : vector<2000x256xf32>
    %swap3A = arith.constant 0 : index
    %swap3A_34 = arith.constant 0 : index
    %swap3A_35 = vector.load %arg8[%swap3A, %swap3A_34] : memref<2000x256xf32, #tpu.memory_space<vmem>>, vector<2000x256xf32>
    tpu.vector_store %arg8[%swap3A, %swap3A_34], %max3A_33 {strides = array<i32>} : memref<2000x256xf32, #tpu.memory_space<vmem>>, vector<2000x256xf32>,
    return
  }
  func.func @transform_0(%arg0: i32) -> (i32, i32) {
    %c0_i32 = arith.constant 0 : i32
    %c0_i32_0 = arith.constant 0 : i32
    return %arg0, %c0_i32 : i32, i32
  }
  func.func @transform_1(%arg0: i32) -> (i32, i32) {
    %c0_i32 = arith.constant 0 : i32
    %c0_i32_0 = arith.constant 0 : i32
    return %arg0, %c0_i32 : i32, i32
  }
  func.func @transform_2(%arg0: i32) -> (i32, i32) {
    %c0_i32 = arith.constant 0 : i32
    %c0_i32_0 = arith.constant 0 : i32
    return %arg0, %c0_i32 : i32, i32
  }
  func.func @transform_3(%arg0: i32) -> (i32, i32) {
    %c0_i32 = arith.constant 0 : i32
    %c0_i32_0 = arith.constant 0 : i32
    return %arg0, %c0_i32 : i32, i32
  }
  func.func @transform_4(%arg0: i32) -> (i32, i32) {
    %c0_i32 = arith.constant 0 : i32
    %c0_i32_0 = arith.constant 0 : i32
    return %arg0, %c0_i32 : i32, i32
  }
  func.func @transform_5(%arg0: i32) -> (i32, i32) {
    %c0_i32 = arith.constant 0 : i32
    %c0_i32_0 = arith.constant 0 : i32
    %c0_i32_1 = arith.constant 0 : i32
    return %c0_i32, %c0_i32_0 : i32, i32
  }
  func.func @transform_6(%arg0: i32) -> (i32, i32) {
    %c0_i32 = arith.constant 0 : i32
    %c0_i32_0 = arith.constant 0 : i32
    %c0_i32_1 = arith.constant 0 : i32
    return %c0_i32, %c0_i32_0 : i32, i32
  }
  func.func @transform_7(%arg0: i32) -> (i32, i32) {
    %c0_i32 = arith.constant 0 : i32
    %c0_i32_0 = arith.constant 0 : i32
    return %arg0, %c0_i32 : i32, i32
  }
}

</mosaic_0001>

<sc_bundles>
// kernel: sage_agg.4.cloned.1.call-start
scs
__scs_entry_jumppad:
0x0: {  	(pc) =	sbr.rel $0x88, $3  }
0x1: {  	(tag) =	ssettag $0x0;
	lr =	simm.s32 $0x1  }
0x2: {  	[smem:$0x3F99] =	sst lr;
	_ =	strace $0xD0000000  }
0x3: {  	_ = 	snop  }
0x4: {  	_ = 	snop  }
0x5: {  	_ = 	snop  }
0x6: {  	_ = 	snop  }
0x7: {  	_ = 	snop  }
__scs_overlays_trampoline_lowered:
0x8: {  	[smem:$0x3FA8] =	sst s0  }
0x9: {  	[smem:$0x3FA9] =	sst s1  }
0xa: {  	[smem:$0x3FAA] =	sst s2  }
0xb: {  	[smem:$0x3FAB] =	sst s3  }
0xc: {  	[smem:$0x3FAC] =	sst s4  }
0xd: {  	[smem:$0x3FAD] =	sst s5  }
0xe: {  	[smem:$0x3FAE] =	sst s6  }
0xf: {  	[smem:$0x3FAF] =	sst s7  }
0x10: {  	[smem:$0x3FB0] =	sst s8  }
0x11: {  	[smem:$0x3FB1] =	sst s9;
	s0 =	simm.s32 @!p0 $0x0  }
0x12: {  	s1 =	sld [smem:$0x3F97];
	s0 =	simm.s32 @p0 $0x1  }
0x13: {  	[smem:$0x3FB2] =	sst s0;
	s0 =	simm.s32 @!p1 $0x0  }
0x14: {  	s2 =	sld [smem:$0x3F96];
	s0 =	simm.s32 @p1 $0x1  }
0x15: {  	[smem:$0x3FB3] =	sst s0;
	s0 =	simm.s32 @!p2 $0x0  }
0x16: {  	s3 =	sld [smem:$0x3FDB];
	s0 =	simm.s32 @p2 $0x1  }
0x17: {  	s4 =	simm.s32 $0x1BF5;
	[smem:$0x3FB5] =	sst s0  }
0x18: {  	s0 =	sld [smem:$0x3F98];
	_ =	swait.ge [sflag:s4], $0x0  }
0x19: {  	s7 =	sld [smem:$0x3F99]  }
0x1a: {  	s8 =	sadd.s32 $0xFFFFE003, lr  }
0x1b: {  	s9 =	sadd.s32 $0xFFFFFEF7, lr;
	s5 =	simm.s32 $0xFFFFFFFF;
	p2 =	slt.u32 s8, $0xFFFFF086  }
0x1c: {  	p1 =	slt.u32 s9, $0xF7A;
	s5 =	simm.s32 @!p2 $0x0  }
0x1d: {  	s5 =	simm.s32 @p1 $0x1;
	p0 =	seq.s32 s7, s2  }
0x1e: {  	s7 =	smul.u32 @!p0 $0xF7A, s2;
	p2 =	seq.s32 @!p0 s5, $0x0  }
0x1f: {  	s9 =	smul.u32 $0xF7A, s1;
	s8 =	simm.s32 @!p0 $0x1BF5;
	p2 =	por !p2, p0  }
0x20: {  	[sflag:s8] =	ssyncset.s32 @!p0 $0xFFFFF086;
	s6 =	sadd.s32 @!p0 s3, s7;
	s7 =	simm.s32 @!p0 $0x108  }
0x21: {  	s3 =	sadd.s32 s3, s9;
	s6 =	sadd.s32 @!p0 $0x88, s6;
	s7 =	simm.s32 @p2 $0x1082  }
0x22: {  	[simem:s7], [sflag:s8] =	dma.local @!p0 [hbm:s6], $0xF7A  }
0x23: {  	s9 =	sor.u32 $0xD0000000, s2;
	s6 =	simm.s32 $0x108;
	_ =	swait.ge @!p0 [sflag:s8], $0x0  }
0x24: {  	s3 =	sadd.s32 $0x88, s3;
	s6 =	simm.s32 @!p1 $0x1082;
	[sflag:s4] =	ssyncset.s32 $0xFFFFF086  }
0x25: {  	[simem:s6], [sflag:s4] =	dma.local [hbm:s3], $0xF7A  }
0x26: {  	[smem:$0x3F99] =	sst s1;
	(tag) =	ssettag s2;
	_ =	strace s9  }
0x27: {  	s1 =	sld [smem:$0x3FA9]  }
0x28: {  	s2 =	sld [smem:$0x3FAA]  }
0x29: {  	s4 =	sld [smem:$0x3FAC]  }
0x2a: {  	p0 =	seq.s32 s5, $0x0;
	s5 =	sld [smem:$0x3FAD]  }
0x2b: {  	s6 =	sld [smem:$0x3FAE]  }
0x2c: {  	s7 =	sld [smem:$0x3FAF]  }
0x2d: {  	s3 =	simm.s32 $0x108;
	s8 =	sld [smem:$0x3FB0]  }
0x2e: {  	s3 =	simm.s32 @!p0 $0x1082;
	s9 =	sld [smem:$0x3FB1]  }
0x2f: {  	lr =	sadd.s32 s0, s3;
	s0 =	sld [smem:$0x3FA8]  }
0x30: {  	s3 =	sld [smem:$0x3FAB]  }
0x31: {  	[smem:$0x3FB4] =	sst s10  }
0x32: {  	s10 =	sld [smem:$0x3FB2];
	_ =	sdelay $0x3  }
0x33: {  	p0 =	seq.s32 s10, $0x1;
	s10 =	sld [smem:$0x3FB4];
	_ =	sdelay $0x3  }
0x34: {  	[smem:$0x3FB4] =	sst s10  }
0x35: {  	s10 =	sld [smem:$0x3FB3];
	_ =	sdelay $0x3  }
0x36: {  	p1 =	seq.s32 s10, $0x1;
	s10 =	sld [smem:$0x3FB4];
	_ =	sdelay $0x3  }
0x37: {  	[smem:$0x3FB4] =	sst s10  }
0x38: {  	s10 =	sld [smem:$0x3FB5]  }
0x39: {  	_ = 	snop;
	(pc) =	sbr.ind lr, $3  }
0x3a: {  	_ = 	snop  }
0x3b: {  	_ = 	snop  }
0x3c: {  	p2 =	seq.s32 s10, $0x1;
	s10 =	sld [smem:$0x3FB4]  }
0x3d: {  	_ =	shalt  }
0x3e: {  	_ =	shalt  }
0x3f: {  	_ =	shalt  }
0x40: {  	_ =	shalt  }
0x41: {  	_ =	shalt  }
0x42: {  	_ =	shalt  }
0x43: {  	_ =	shalt  }
0x44: {  	_ =	shalt  }
0x45: {  	_ =	shalt  }
0x46: {  	_ =	shalt  }
0x47: {  	_ =	shalt  }
0x48: {  	_ =	shalt  }
0x49: {  	_ =	shalt  }
0x4a: {  	_ =	shalt  }
0x4b: {  	_ =	shalt  }
0x4c: {  	_ =	shalt  }
0x4d: {  	_ =	shalt  }
0x4e: {  	_ =	shalt  }
0x4f: {  	_ =	shalt  }
0x50: {  	_ =	shalt  }
0x51: {  	_ =	shalt  }
0x52: {  	_ =	shalt  }
0x53: {  	_ =	shalt  }
0x54: {  	_ =	shalt  }
0x55: {  	_ =	shalt  }
0x56: {  	_ =	shalt  }
0x57: {  	_ =	shalt  }
0x58: {  	_ =	shalt  }
0x59: {  	_ =	shalt  }
0x5a: {  	_ =	shalt  }
0x5b: {  	_ =	shalt  }
0x5c: {  	_ =	shalt  }
0x5d: {  	_ =	shalt  }
0x5e: {  	_ =	shalt  }
0x5f: {  	_ =	shalt  }
0x60: {  	_ =	shalt  }
0x61: {  	_ =	shalt  }
0x62: {  	_ =	shalt  }
0x63: {  	_ =	shalt  }
0x64: {  	_ =	shalt  }
0x65: {  	_ =	shalt  }
0x66: {  	_ =	shalt  }
0x67: {  	_ =	shalt  }
0x68: {  	_ =	shalt  }
0x69: {  	_ =	shalt  }
0x6a: {  	_ =	shalt  }
0x6b: {  	_ =	shalt  }
0x6c: {  	_ =	shalt  }
0x6d: {  	_ =	shalt  }
0x6e: {  	_ =	shalt  }
0x6f: {  	_ =	shalt  }
0x70: {  	_ =	shalt  }
0x71: {  	_ =	shalt  }
0x72: {  	_ =	shalt  }
0x73: {  	_ =	shalt  }
0x74: {  	_ =	shalt  }
0x75: {  	_ =	shalt  }
0x76: {  	_ =	shalt  }
0x77: {  	_ =	shalt  }
0x78: {  	_ =	shalt  }
0x79: {  	_ =	shalt  }
0x7a: {  	_ =	shalt  }
0x7b: {  	_ =	shalt  }
0x7c: {  	_ =	shalt  }
0x7d: {  	_ =	shalt  }
0x7e: {  	_ =	shalt  }
0x7f: {  	_ =	shalt  }
0x80: {  	_ =	shalt  }
0x81: {  	_ =	shalt  }
0x82: {  	_ =	shalt  }
0x83: {  	_ =	shalt  }
0x84: {  	_ =	shalt  }
0x85: {  	_ =	shalt  }
0x86: {  	_ =	shalt  }
0x87: {  	_ =	shalt  }
.Lfunc_end0:
.L_simem_size_0:
called_computation.1_lowered:
.L_overlay_start_0:
0x88: {  	s2 =	sld [smem:$0x3FD9]  }
0x89: {  	s3 =	sld [smem:$0x3FFE];
	_ =	sdelay $0x1  }
0x8a: {  	s1 =	srdreg.scid  }
0x8b: {  	s0 =	sand.u32 $0x1, s1  }
0x8c: {  	s17 =	sshll.u32 s0, $0xA;
	s2 =	sadd.s32 s3, s2  }
0x8d: {  	s2 =	sadd.s32 s2, s17  }
0x8e: {  	[smem:$0x3FC0] =	sst s2  }
0x8f: {  	_ = 	snop  }
0x90: {  	s2 =	sld [smem:$0x3FD0];
	(tm) =	ssettm $0x1  }
0x91: {  	s18 =	sld [smem:$0x3FFB];
	_ =	sdelay $0x3  }
0x92: {  	_ =	strace s18  }
0x93: {  	s3 =	sld [smem:$0x3FFC];
	_ =	sdelay $0x3  }
0x94: {  	_ =	strace s3  }
0x95: {  	s3 =	sld [smem:$0x3FFD];
	_ =	sdelay $0x3  }
0x96: {  	_ =	strace s3  }
0x97: {  	_ =	strace $0x8FFFFFFF  }
0x98: {  	s19 =	sld [smem:$0x3FDB];
	_ =	sdelay $0x1  }
0x99: {  	s4 =	simm.s32 $_scs_section_size  }
0x9a: {  	s5 =	simm.s32 $_size__tile_overlayer_lowered;
	s6 =	simm.s32 $_tile_overlayer_lowered  }
0x9b: {  	s22 =	simm.s32 $0x1BFF;
	s21 =	sshll.u32 s6, $0x1;
	s3 =	sadd.s32 s4, s19  }
0x9c: {  	s7 =	simm.s32 $0x0;
	s20 =	sshll.u32 s5, $0x1;
	s5 =	sadd.s32 s21, s3  }
0x9d: {  	[timem:s7], [sflag:s22] =	dma.local [hbm:s5], s20  }
0x9e: {  	_ =	swait.ge [sflag:s22], s20  }
0x9f: {  	s4 =	ssub.s32 $0x0, s20;
	[sflag:s22] =	ssyncset.done $0x0  }
0xa0: {  	[sflag:s22] =	ssyncadd.s32 s4;
	_ =	sdelay $0x1  }
0xa1: {  	s23 =	simm.s32 $0x1B8B  }
0xa2: {  	_ =	swait.ge [sflag:s23], $0x1  }
0xa3: {  	[sflag:s23] =	ssyncset.done $0x0  }
0xa4: {  	s25 =	simm.s32 $0x1B8E;
	s24 =	sld [smem:$0x3FFE];
	[sflag:s23] =	ssyncadd.s32 $0xFFFFFFFF  }
0xa5: {  	s26 =	simm.s32 $execute0_lowered;
	[smem:$0x3FD2] =	sst s25  }
0xa6: {  	s5 =	sshll.u32 s26, $0x1;
	_ =	strace $0x80000046;
	[dreg:$0x1] =	wrdreg $0xFFFFFFFF  }
0xa7: {  	s28 =	simm.s32 $_size_execute0_lowered;
	s3 =	sadd.s32 s3, s5;
	[dreg:$0x0] =	wrdreg $0x0  }
0xa8: {  	s5 =	sshll.u32 s28, $0x1;
	[dreg:$0x2] =	wrdreg s3  }
0xa9: {  	[dreg:$0x3] =	wrdreg s5  }
0xaa: {  	[dreg:$0x4] =	wrdreg $0xC0  }
0xab: {  	_ =	task [dreg:s7], $0x5FFFF  }
0xac: {  	[dreg:$0x1] =	wrdreg $0xFFFFFFFF  }
0xad: {  	[dreg:$0x0] =	wrdreg $0x60  }
0xae: {  	[dreg:$0x2] =	wrdreg s2  }
0xaf: {  	[dreg:$0x3] =	wrdreg s24  }
0xb0: {  	[dreg:$0x4] =	wrdreg $0x5B000  }
0xb1: {  	[dreg:$0x5] =	wrdreg $0xA  }
0xb2: {  	_ =	task.clear_ibuf [dreg:s7], $0x6FFFF;
	_ =	strace $0x90000046  }
0xb3: {  	s29 =	simm.s32 $0xA;
	_ =	strace $0x80000048  }
0xb4: {  	_ =	swait.ge [sflag:s29], $0x1  }
0xb5: {  	[sflag:s29] =	ssyncadd.s32 $0xFFFFFFFF  }
0xb6: {  	_ =	strace $0x90000048  }
0xb7: {  	_ =	sfence  }
0xb8: {  	s30 =	sld [smem:$0x0];
	_ =	sdelay $0x2  }
0xb9: {  	s31 =	sshll.u32 s1, $0xD;
	s1 =	sshrl.u32 s1, $0x2  }
0xba: {  	s3 =	sand.u32 $0x4000, s31;
	s1 =	sadd.s32 s1, s30  }
0xbb: {  	s0 =	sor.u32 s3, s0;
	s1 =	sshll.u32 s1, $0x11  }
0xbc: {  	s0 =	sor.u32 s1, s0  }
0xbd: {  	s0 =	sadd.s32 $0x8F2B, s0  }
0xbe: {  	[sflag:s0] =	ssyncadd.remote.s32 $0x1  }
0xbf: {  	_ =	sfence.sel $0xFFFF  }
0xc0: {  	[dreg:$0x0] =	wrdreg $0xFFFFFFFF;
	(pc) =	sbr.abs _section_cstart, $3  }
0xc1: {  	[dreg:$0x1] =	wrdreg $0xFFFFFFFF  }
0xc2: {  	_ =	task.clear_ibuf [dreg:s7], $0x2FFFF;
	_ =	strace $0x9FFFFFFF  }
0xc3: {  	(tm) =	ssettm $0x7FFFFFFF  }
tec
execute0_lowered:
.L_overlay_start_1:
0x0: {  	(tag) =	ssettag $0x1  }
0x1: {  	s1 =	rddreg [dreg:$0x0]  }
0x2: {  	s5 =	rddreg [dreg:$0x1]  }
0x3: {  	s2 =	rddreg [dreg:$0x2]  }
0x4: {  	s0 =	rddreg [dreg:$0x3]  }
0x5: {  	s4 =	simm.s32 $0x0;
	s6 =	srdreg.scid;
	s3 =	stileid.u32  }
0x6: {  	s16 =	simm.s32 $0x200;
	s17 =	simm.s32 $0x50;
	s18 =	simm.s32 $0x100  }
0x7: {  	s19 =	simm.s32 $0x300;
	s20 =	simm.s32 $0x80;
	s21 =	simm.s32 $0x280  }
0x8: {  	s22 =	simm.s32 $0x1;
	s23 =	simm.s32 $0x180;
	s26 =	simm.s32 $0x0  }
0x9: {  	[smem:$0x7FF] =	sst s4;
	s24 =	sand.u32 $0x1, s6;
	s7 =	smul.u32 $0x50000, s3  }
0xa: {  	s13 =	sadd.s32 $0x6800, s5;
	s12 =	sadd.s32 $0x1800, s5;
	s9 =	smul.u32 $0x2710, s3  }
0xb: {  	s10 =	sadd.s32 $0xB800, s5;
	p0 =	seq.s32 s3, $0xF;
	s28 =	smul.u32 $0x14000, s3  }
0xc: {  	s5 =	simm.s32 $0x19;
	s31 =	smul.u32 $0x4E2, s3;
	s25 =	sadd.s32 $0x12C000, s2  }
0xd: {  	_ =	strace $0x80000047;
	s6 =	ssub.s32 $0x2, s24;
	s14 =	smul.u32 $0x138800, s24  }
0xe: {  	s5 =	simm.s32 @!p0 $0x28;
	v0 =	vmov s24;
	s24 =	simm.s32 $0x2B00;
	s25 =	sshrl.u32 @p0 s25, $0x3  }
0xf: {  	s8 =	sshrl.u32 s6, $0x1;
	s29 =	sshrl.u32 s7, $0x2;
	s9 =	sshrl.u32 s9, $0x3  }
0x10: {  	s11 =	ssub.s32 s6, s8;
	s6 =	sadd.s32 s29, s2;
	s7 =	sadd.s32 s13, s9  }
0x11: {  	s15 =	sadd.s32 s28, s14;
	s8 =	sadd.s32 s12, s9;
	s14 =	sshrl.u32 s14, $0x3  }
0x12: {  	s12 =	sadd.s32 s31, s12;
	s13 =	sadd.s32 s31, s13;
	s30 =	sshrl.u32 s15, $0x3  }
0x13: {  	s11 =	smax.u32 s11, $0x1;
	s9 =	sadd.s32 s10, s30;
	s10 =	sadd.s32 s10, s14  }
0x14: {  	v1 =	vimm.f32 $0.0e+00;
	s15 =	simm.s32 $0x2;
	s14 =	simm.s32 $0x5300;
	s10 =	sadd.s32 $0x25800, s10  }
.LBB2_1:
0x15: {  	s28 =	simm.s32 $0x0;
	s29 =	simm.s32 $0x200  }
.LBB2_2:
0x16: {  	p1 =	sne.s32 s29, $0x1E00;
	[tilespmem:s28+$0x5370] =	vst v1  }
0x17: {  	[tilespmem:s28+$0x5300] =	vst v1  }
0x18: {  	[tilespmem:s28+$0x5310] =	vst v1  }
.Ltmp0:
0x19: {  	[tilespmem:s28+$0x5320] =	vst v1;
	(pc) =	sbr.rel @p1 .LBB2_2-.Ltmp0, $4  }
0x1a: {  	[tilespmem:s28+$0x5330] =	vst v1  }
0x1b: {  	[tilespmem:s28+$0x5340] =	vst v1  }
0x1c: {  	[tilespmem:s28+$0x5350] =	vst v1  }
0x1d: {  	[tilespmem:s28+$0x5360] =	vst v1;
	s28 =	sshra.s32 s29, $0x2;
	s29 =	sadd.s32 $0x200, s29  }
0x1e: {  	[tilespmem:s28+$0x5370] =	vst v1  }
0x1f: {  	[tilespmem:s28+$0x5300] =	vst v1  }
0x20: {  	[tilespmem:s28+$0x5310] =	vst v1  }
0x21: {  	[tilespmem:s28+$0x5320] =	vst v1  }
0x22: {  	[tilespmem:s28+$0x5330] =	vst v1  }
0x23: {  	[tilespmem:s28+$0x5340] =	vst v1;
	p1 =	sne.s32 s5, $0x1  }
.Ltmp1:
0x24: {  	[tilespmem:s28+$0x5350] =	vst v1;
	(pc) =	sbr.rel @!p1 .LBB2_5-.Ltmp1, $4  }
0x25: {  	[tilespmem:s28+$0x5360] =	vst v1  }
0x26: {  	[spmem:s6] =	stream.linear.scatter [tilespmem:s14], [sflag:$0x2], $0x800, $0x38;
	[tilespmem:$0x19B00] =	vst v63  }
0x27: {  	_ =	swait.ge [sflag:s15], $0x800  }
0x28: {  	s28 =	sadd.s32 $0xFFFFFFFF, s5;
	s29 =	smov.u32 s6;
	[sflag:s15] =	ssyncset.done $0x0  }
.LBB2_4:
0x29: {  	p1 =	sne.s32 s28, $0x1;
	[sflag:s15] =	ssyncadd.s32 $0xFFFFF800;
	s29 =	sadd.s32 $0x800, s29  }
.Ltmp2:
0x2a: {  	s28 =	sadd.s32 $0xFFFFFFFF, s28;
	(pc) =	sbr.rel @p1 .LBB2_4-.Ltmp2, $4  }
0x2b: {  	_ = 	snop  }
0x2c: {  	[spmem:s29] =	stream.linear.scatter [tilespmem:s14], [sflag:$0x2], $0x800, $0x38;
	[tilespmem:$0x19B00] =	vst v63  }
0x2d: {  	_ =	swait.ge [sflag:s15], $0x800  }
0x2e: {  	[sflag:s15] =	ssyncset.done $0x0  }
.LBB2_5:
0x2f: {  	[sflag:s15] =	ssyncadd.s32 $0xFFFFF800  }
0x30: {  	[bflag:$0x0] =	sbarrier.arrive $0xFFFF  }
0x31: {  	[tilespmem:s4], [sflag:$0x2] =	stream.linear.gather [hbm4b:s7+s4], $0x50, $0x38;
	[tilespmem:$0x19B00] =	vst v63  }
0x32: {  	_ =	swait.ge [sflag:s15], $0x50  }
0x33: {  	[sflag:s15] =	ssyncset.done $0x0  }
0x34: {  	[sflag:s15] =	ssyncadd.s32 $0xFFFFFFB0  }
0x35: {  	[tilespmem:s16], [sflag:$0x2] =	stream.linear.gather [hbm4b:s8+s4], $0x50, $0x38;
	[tilespmem:$0x19B00] =	vst v63  }
0x36: {  	_ =	swait.ge [sflag:s15], $0x50  }
0x37: {  	[sflag:s15] =	ssyncset.done $0x0  }
0x38: {  	[sflag:s15] =	ssyncadd.s32 $0xFFFFFFB0  }
0x39: {  	v2 =	vld [tilespmem:$0x0]  }
0x3a: {  	v3 =	vld [tilespmem:$0x10]  }
0x3b: {  	v4 =	vld [tilespmem:$0x20]  }
0x3c: {  	v5 =	vld [tilespmem:$0x30]  }
0x3d: {  	v6 =	vld [tilespmem:$0x40]  }
0x3e: {  	v2 =	vshll.u32 v2, $0x1  }
0x3f: {  	v3 =	vshll.u32 v3, $0x1;
	v2 =	vor.u32 v0, v2  }
0x40: {  	[tilespmem:$0x100] =	vst v2;
	v2 =	vor.u32 v0, v3;
	v3 =	vshll.u32 v4, $0x1  }
0x41: {  	[tilespmem:$0x110] =	vst v2;
	v2 =	vor.u32 v0, v3;
	v3 =	vshll.u32 v5, $0x1  }
0x42: {  	[tilespmem:$0x120] =	vst v2;
	v2 =	vor.u32 v0, v3;
	v3 =	vshll.u32 v6, $0x1  }
0x43: {  	[tilespmem:$0x130] =	vst v2;
	v2 =	vor.u32 v0, v3  }
0x44: {  	s28 =	sadd.s32 $0xFFFFFB28, s13;
	[tilespmem:$0x140] =	vst v2  }
0x45: {  	[tilespmem:s19], [sflag:$0x1] =	stream.indirect.gather [hbm4b:s1+s17], $0x80, s18, s17, $0xb8;
	[tilespmem:$0x19B00] =	vst v63  }
0x46: {  	s29 =	sadd.s32 $0x4E2, s28  }
0x47: {  	[tilespmem:s20], [sflag:$0x2] =	stream.linear.gather [hbm4b:s29+s4], $0x50, $0x38;
	[tilespmem:$0x19B00] =	vst v63  }
0x48: {  	_ =	swait.ge [sflag:s15], $0x50  }
0x49: {  	s31 =	sadd.s32 $0xFFFFFB28, s12;
	[sflag:s15] =	ssyncset.done $0x0  }
0x4a: {  	s30 =	sadd.s32 $0x4E2, s31;
	[sflag:s15] =	ssyncadd.s32 $0xFFFFFFB0  }
0x4b: {  	[tilespmem:s21], [sflag:$0x2] =	stream.linear.gather [hbm4b:s30+s4], $0x50, $0x38;
	[tilespmem:$0x19B00] =	vst v63  }
0x4c: {  	_ =	swait.ge [sflag:s15], $0x50  }
0x4d: {  	[sflag:s15] =	ssyncset.done $0x0  }
0x4e: {  	[sflag:s15] =	ssyncadd.s32 $0xFFFFFFB0  }
0x4f: {  	v2 =	vld [tilespmem:$0xB0]  }
0x50: {  	v3 =	vld [tilespmem:$0x90]  }
0x51: {  	v56 =	vld [tilespmem:$0x80]  }
0x52: {  	v57 =	vld [tilespmem:$0xA0]  }
0x53: {  	v58 =	vld [tilespmem:$0xC0]  }
0x54: {  	v2 =	vshll.u32 v2, $0x1  }
0x55: {  	v3 =	vshll.u32 v3, $0x1;
	v2 =	vor.u32 v0, v2  }
0x56: {  	v4 =	vshll.u32 v56, $0x1;
	v3 =	vor.u32 v0, v3;
	[tilespmem:$0x1B0] =	vst v2  }
0x57: {  	v2 =	vor.u32 v0, v4;
	[tilespmem:$0x190] =	vst v3;
	v3 =	vshll.u32 v57, $0x1  }
0x58: {  	[tilespmem:$0x180] =	vst v2;
	v2 =	vor.u32 v0, v3;
	v3 =	vshll.u32 v58, $0x1  }
0x59: {  	[tilespmem:$0x1A0] =	vst v2;
	v2 =	vor.u32 v0, v3  }
0x5a: {  	[tilespmem:$0x1C0] =	vst v2  }
0x5b: {  	_ =	swait.ge [sflag:s22], $0x2800  }
0x5c: {  	[sflag:s22] =	ssyncset.done $0x0  }
0x5d: {  	[sflag:s22] =	ssyncadd.s32 $0xFFFFD800  }
0x5e: {  	[tilespmem:s24], [sflag:$0x1] =	stream.indirect.gather [hbm4b:s1+s17], $0x80, s23, s17, $0xb8;
	[tilespmem:$0x19B00] =	vst v63  }
0x5f: {  	_ = 	snop  }
0x60: {  	[spmem:s2] =	stream.indirect.scatter.add.f32 [tilespmem:s19], [sflag:$0x2], $0x80, s16, s17, $0xb8;
	[tilespmem:$0x19B00] =	vst v63  }
0x61: {  	_ =	swait.ge [sflag:s15], $0x2800  }
0x62: {  	[sflag:s15] =	ssyncset.done $0x0  }
0x63: {  	s28 =	sadd.s32 $0x4EC, s28;
	[sflag:s15] =	ssyncadd.s32 $0xFFFFD800  }
0x64: {  	[tilespmem:s4], [sflag:$0x2] =	stream.linear.gather [hbm4b:s28+s4], $0x50, $0x38;
	[tilespmem:$0x19B00] =	vst v63  }
0x65: {  	_ =	swait.ge [sflag:s15], $0x50  }
0x66: {  	[sflag:s15] =	ssyncset.done $0x0  }
0x67: {  	s28 =	sadd.s32 $0x4EC, s31;
	[sflag:s15] =	ssyncadd.s32 $0xFFFFFFB0  }
0x68: {  	[tilespmem:s16], [sflag:$0x2] =	stream.linear.gather [hbm4b:s28+s4], $0x50, $0x38;
	[tilespmem:$0x19B00] =	vst v63  }
0x69: {  	_ =	swait.ge [sflag:s15], $0x50  }
0x6a: {  	[sflag:s15] =	ssyncset.done $0x0  }
0x6b: {  	[sflag:s15] =	ssyncadd.s32 $0xFFFFFFB0  }
0x6c: {  	v2 =	vld [tilespmem:$0x0]  }
0x6d: {  	v3 =	vld [tilespmem:$0x40]  }
0x6e: {  	v60 =	vld [tilespmem:$0x10]  }
0x6f: {  	v59 =	vld [tilespmem:$0x30]  }
0x70: {  	v61 =	vld [tilespmem:$0x20]  }
0x71: {  	v2 =	vshll.u32 v2, $0x1  }
0x72: {  	v3 =	vshll.u32 v3, $0x1;
	v2 =	vor.u32 v0, v2  }
0x73: {  	v62 =	vshll.u32 v60, $0x1;
	v3 =	vor.u32 v0, v3;
	[tilespmem:$0x100] =	vst v2  }
0x74: {  	v2 =	vshll.u32 v59, $0x1;
	[tilespmem:$0x140] =	vst v3;
	v3 =	vor.u32 v0, v62  }
0x75: {  	v63 =	vshll.u32 v61, $0x1;
	v2 =	vor.u32 v0, v2;
	[tilespmem:$0x110] =	vst v3  }
0x76: {  	s28 =	simm.s32 $0xFFFFFB3C;
	[tilespmem:$0x130] =	vst v2;
	v2 =	vor.u32 v0, v63  }
.LBB2_6:
0x77: {  	p1 =	sne.s32 s28, $0xFFFFFFEC;
	[tilespmem:$0x120] =	vst v2;
	s30 =	smov.u32 s28;
	s28 =	sadd.s32 $0x14, s28  }
0x78: {  	_ =	swait.ge [sflag:s22], $0x2800  }
0x79: {  	[sflag:s22] =	ssyncset.done $0x0  }
0x7a: {  	[sflag:s22] =	ssyncadd.s32 $0xFFFFD800  }
0x7b: {  	[tilespmem:s19], [sflag:$0x1] =	stream.indirect.gather [hbm4b:s1+s17], $0x80, s18, s17, $0xb8;
	[tilespmem:$0x19B00] =	vst v63  }
0x7c: {  	_ = 	snop  }
0x7d: {  	[spmem:s2] =	stream.indirect.scatter.add.f32 [tilespmem:s24], [sflag:$0x2], $0x80, s21, s17, $0xb8;
	[tilespmem:$0x19B00] =	vst v63  }
0x7e: {  	s29 =	sadd.s32 s30, s13;
	_ =	swait.ge [sflag:s15], $0x2800  }
0x7f: {  	s31 =	sadd.s32 $0x4E2, s29;
	[sflag:s15] =	ssyncset.done $0x0  }
0x80: {  	[sflag:s15] =	ssyncadd.s32 $0xFFFFD800  }
0x81: {  	[tilespmem:s20], [sflag:$0x2] =	stream.linear.gather [hbm4b:s31+s4], $0x50, $0x38;
	[tilespmem:$0x19B00] =	vst v63  }
0x82: {  	_ =	swait.ge [sflag:s15], $0x50  }
0x83: {  	s30 =	sadd.s32 s30, s12;
	[sflag:s15] =	ssyncset.done $0x0  }
0x84: {  	s31 =	sadd.s32 $0x4E2, s30;
	[sflag:s15] =	ssyncadd.s32 $0xFFFFFFB0  }
0x85: {  	[tilespmem:s21], [sflag:$0x2] =	stream.linear.gather [hbm4b:s31+s4], $0x50, $0x38;
	[tilespmem:$0x19B00] =	vst v63  }
0x86: {  	_ =	swait.ge [sflag:s15], $0x50  }
0x87: {  	[sflag:s15] =	ssyncset.done $0x0  }
0x88: {  	[sflag:s15] =	ssyncadd.s32 $0xFFFFFFB0  }
0x89: {  	v2 =	vld [tilespmem:$0xB0]  }
0x8a: {  	v3 =	vld [tilespmem:$0x90]  }
0x8b: {  	v4 =	vld [tilespmem:$0x80]  }
0x8c: {  	v5 =	vld [tilespmem:$0xA0]  }
0x8d: {  	v6 =	vld [tilespmem:$0xC0]  }
0x8e: {  	v2 =	vshll.u32 v2, $0x1  }
0x8f: {  	v3 =	vshll.u32 v3, $0x1;
	v2 =	vor.u32 v0, v2  }
0x90: {  	v4 =	vshll.u32 v4, $0x1;
	v3 =	vor.u32 v0, v3;
	[tilespmem:$0x1B0] =	vst v2  }
0x91: {  	v2 =	vor.u32 v0, v4;
	[tilespmem:$0x190] =	vst v3;
	v3 =	vshll.u32 v5, $0x1  }
0x92: {  	[tilespmem:$0x180] =	vst v2;
	v2 =	vor.u32 v0, v3;
	v3 =	vshll.u32 v6, $0x1  }
0x93: {  	[tilespmem:$0x1A0] =	vst v2;
	v2 =	vor.u32 v0, v3  }
0x94: {  	[tilespmem:$0x1C0] =	vst v2  }
0x95: {  	_ =	swait.ge [sflag:s22], $0x2800  }
0x96: {  	[sflag:s22] =	ssyncset.done $0x0  }
0x97: {  	[sflag:s22] =	ssyncadd.s32 $0xFFFFD800  }
0x98: {  	[tilespmem:s24], [sflag:$0x1] =	stream.indirect.gather [hbm4b:s1+s17], $0x80, s23, s17, $0xb8;
	[tilespmem:$0x19B00] =	vst v63  }
0x99: {  	_ = 	snop  }
0x9a: {  	[spmem:s2] =	stream.indirect.scatter.add.f32 [tilespmem:s19], [sflag:$0x2], $0x80, s16, s17, $0xb8;
	[tilespmem:$0x19B00] =	vst v63  }
0x9b: {  	_ =	swait.ge [sflag:s15], $0x2800  }
0x9c: {  	[sflag:s15] =	ssyncset.done $0x0  }
0x9d: {  	s29 =	sadd.s32 $0x4EC, s29;
	[sflag:s15] =	ssyncadd.s32 $0xFFFFD800  }
0x9e: {  	[tilespmem:s4], [sflag:$0x2] =	stream.linear.gather [hbm4b:s29+s4], $0x50, $0x38;
	[tilespmem:$0x19B00] =	vst v63  }
0x9f: {  	_ =	swait.ge [sflag:s15], $0x50  }
0xa0: {  	[sflag:s15] =	ssyncset.done $0x0  }
0xa1: {  	s29 =	sadd.s32 $0x4EC, s30;
	[sflag:s15] =	ssyncadd.s32 $0xFFFFFFB0  }
0xa2: {  	[tilespmem:s16], [sflag:$0x2] =	stream.linear.gather [hbm4b:s29+s4], $0x50, $0x38;
	[tilespmem:$0x19B00] =	vst v63  }
0xa3: {  	_ =	swait.ge [sflag:s15], $0x50  }
0xa4: {  	[sflag:s15] =	ssyncset.done $0x0  }
0xa5: {  	[sflag:s15] =	ssyncadd.s32 $0xFFFFFFB0  }
0xa6: {  	v2 =	vld [tilespmem:$0x0]  }
0xa7: {  	v3 =	vld [tilespmem:$0x40]  }
0xa8: {  	v4 =	vld [tilespmem:$0x30]  }
0xa9: {  	v5 =	vld [tilespmem:$0x10]  }
0xaa: {  	v6 =	vld [tilespmem:$0x20]  }
0xab: {  	v2 =	vshll.u32 v2, $0x1  }
.Ltmp3:
0xac: {  	v2 =	vor.u32 v0, v2;
	v3 =	vshll.u32 v3, $0x1;
	(pc) =	sbr.rel @p1 .LBB2_6-.Ltmp3, $4  }
0xad: {  	[tilespmem:$0x100] =	vst v2;
	v2 =	vshll.u32 v4, $0x1;
	v3 =	vor.u32 v0, v3  }
0xae: {  	v4 =	vshll.u32 v5, $0x1;
	v2 =	vor.u32 v0, v2;
	[tilespmem:$0x140] =	vst v3  }
0xaf: {  	v3 =	vor.u32 v0, v4;
	v4 =	vshll.u32 v6, $0x1;
	[tilespmem:$0x130] =	vst v2  }
0xb0: {  	[tilespmem:$0x110] =	vst v3;
	v2 =	vor.u32 v0, v4  }
0xb1: {  	[tilespmem:$0x120] =	vst v2  }
0xb2: {  	_ =	swait.ge [sflag:s22], $0x2800  }
0xb3: {  	[sflag:s22] =	ssyncset.done $0x0  }
0xb4: {  	[sflag:s22] =	ssyncadd.s32 $0xFFFFD800  }
0xb5: {  	[tilespmem:s19], [sflag:$0x1] =	stream.indirect.gather [hbm4b:s1+s17], $0x80, s18, s17, $0xb8;
	[tilespmem:$0x19B00] =	vst v63  }
0xb6: {  	_ = 	snop  }
0xb7: {  	[spmem:s2] =	stream.indirect.scatter.add.f32 [tilespmem:s24], [sflag:$0x2], $0x80, s21, s17, $0xb8;
	[tilespmem:$0x19B00] =	vst v63  }
0xb8: {  	_ =	swait.ge [sflag:s15], $0x2800  }
0xb9: {  	[sflag:s15] =	ssyncset.done $0x0  }
0xba: {  	[sflag:s15] =	ssyncadd.s32 $0xFFFFD800  }
0xbb: {  	_ =	swait.ge [sflag:s22], $0x2800  }
0xbc: {  	[sflag:s22] =	ssyncset.done $0x0  }
0xbd: {  	[sflag:s22] =	ssyncadd.s32 $0xFFFFD800  }
0xbe: {  	[spmem:s2] =	stream.indirect.scatter.add.f32 [tilespmem:s19], [sflag:$0x2], $0x80, s16, s17, $0xb8;
	[tilespmem:$0x19B00] =	vst v63  }
0xbf: {  	_ =	swait.ge [sflag:s15], $0x2800  }
0xc0: {  	[sflag:s15] =	ssyncset.done $0x0  }
0xc1: {  	[sflag:s15] =	ssyncadd.s32 $0xFFFFD800  }
0xc2: {  	s28 =	simm.s32 @p0 $0x1FC2;
	[bflag:$0x0] =	sbarrier.arrive $0xFFFF  }
0xc3: {  	[hbm:s10], [sflag:s28] =	dma.local @p0 [spmem:s25], $0x1900  }
0xc4: {  	s28 =	simm.s32 @p0 $0x2  }
0xc5: {  	s26 =	sadd.s32 $0x1, s26;
	_ =	swait.ge @p0 [sflag:s28], $0x1900  }
0xc6: {  	s29 =	sshll.u32 @!p0 s3, $0x6;
	p1 =	sne.s32 s26, s11;
	[sflag:s28] =	ssyncset.done @p0 $0x0  }
0xc7: {  	[sflag:s28] =	ssyncadd.s32 @p0 $0xFFFFE700;
	s28 =	sor.u32 @!p0 $0x1C02, s29;
	s29 =	sshrl.u32 @!p0 s6, $0x3  }
0xc8: {  	[hbm:s9], [sflag:s28] =	dma.local @!p0 [spmem:s29], $0x2800  }
.Ltmp4:
0xc9: {  	_ = 	snop;
	(pc) =	sbr.rel @p1 .LBB2_1-.Ltmp4, $4  }
0xca: {  	s28 =	simm.s32 @!p0 $0x2  }
0xcb: {  	_ =	swait.ge @!p0 [sflag:s28], $0x2800  }
0xcc: {  	[sflag:s28] =	ssyncset.done @!p0 $0x0  }
0xcd: {  	[sflag:s28] =	ssyncadd.s32 @!p0 $0xFFFFD800  }
0xce: {  	_ =	sfence.sel $0x180000  }
0xcf: {  	[bflag:$0x0] =	sbarrier.arrive $0xFFFF  }
0xd0: {  	p0 =	sne.s32 s3, $0x0;
	_ =	strace $0x90000047  }
0xd1: {  	s0 =	sadd.s32 @!p0 $0x100000, s0;
	[bflag:$0x2] =	sbarrier.arrive $0xFFFF  }
0xd2: {  	[sflag:s0] =	ssyncadd.tile.s32 @!p0 $0x1;
	_ =	shalt  }
.Lfunc_end2:
_tile_overlayer_lowered:
.L_overlay_start_2:
0xd3: {  	(tag) =	ssettag $0x2  }
0xd4: {  	s0 =	rddreg [dreg:$0x0];
	s2 =	stileid.u32  }
0xd5: {  	s1 =	rddreg [dreg:$0x1];
	p0 =	sne.s32 s2, $0x0  }
0xd6: {  	s3 =	rddreg [dreg:$0x2];
	[bflag:$0x3] =	sbarrier.arrive $0xFFFF;
	s2 =	simm.s32 @!p0 $0x1C02  }
0xd7: {  	[timem:s3], [sflag:s2] =	dma.local @!p0 [hbm:s0], s1  }
0xd8: {  	s0 =	simm.s32 @!p0 $0x2  }
0xd9: {  	_ =	swait.ge @!p0 [sflag:s0], s1  }
0xda: {  	s1 =	ssub.s32 @!p0 $0x0, s1;
	[sflag:s0] =	ssyncset.done @!p0 $0x0  }
0xdb: {  	[sflag:s0] =	ssyncadd.s32 @!p0 s1  }
0xdc: {  	[bflag:$0x3] =	sbarrier.arrive $0xFFFF  }
0xdd: {  	_ =	shalt  }

// kernel: sage_agg.7.cloned.1.call-start
scs
__scs_entry_jumppad:
0x0: {  	(pc) =	sbr.rel $0x88, $3  }
0x1: {  	(tag) =	ssettag $0x0;
	lr =	simm.s32 $0x1  }
0x2: {  	[smem:$0x3F99] =	sst lr;
	_ =	strace $0xD0000000  }
0x3: {  	_ = 	snop  }
0x4: {  	_ = 	snop  }
0x5: {  	_ = 	snop  }
0x6: {  	_ = 	snop  }
0x7: {  	_ = 	snop  }
__scs_overlays_trampoline_lowered:
0x8: {  	[smem:$0x3FA8] =	sst s0  }
0x9: {  	[smem:$0x3FA9] =	sst s1  }
0xa: {  	[smem:$0x3FAA] =	sst s2  }
0xb: {  	[smem:$0x3FAB] =	sst s3  }
0xc: {  	[smem:$0x3FAC] =	sst s4  }
0xd: {  	[smem:$0x3FAD] =	sst s5  }
0xe: {  	[smem:$0x3FAE] =	sst s6  }
0xf: {  	[smem:$0x3FAF] =	sst s7  }
0x10: {  	[smem:$0x3FB0] =	sst s8  }
0x11: {  	[smem:$0x3FB1] =	sst s9;
	s0 =	simm.s32 @!p0 $0x0  }
0x12: {  	s1 =	sld [smem:$0x3F97];
	s0 =	simm.s32 @p0 $0x1  }
0x13: {  	[smem:$0x3FB2] =	sst s0;
	s0 =	simm.s32 @!p1 $0x0  }
0x14: {  	s2 =	sld [smem:$0x3F96];
	s0 =	simm.s32 @p1 $0x1  }
0x15: {  	[smem:$0x3FB3] =	sst s0;
	s0 =	simm.s32 @!p2 $0x0  }
0x16: {  	s3 =	sld [smem:$0x3FDB];
	s0 =	simm.s32 @p2 $0x1  }
0x17: {  	s4 =	simm.s32 $0x1BF5;
	[smem:$0x3FB5] =	sst s0  }
0x18: {  	s0 =	sld [smem:$0x3F98];
	_ =	swait.ge [sflag:s4], $0x0  }
0x19: {  	s7 =	sld [smem:$0x3F99]  }
0x1a: {  	s8 =	sadd.s32 $0xFFFFE003, lr  }
0x1b: {  	s9 =	sadd.s32 $0xFFFFFEF7, lr;
	s5 =	simm.s32 $0xFFFFFFFF;
	p2 =	slt.u32 s8, $0xFFFFF086  }
0x1c: {  	p1 =	slt.u32 s9, $0xF7A;
	s5 =	simm.s32 @!p2 $0x0  }
0x1d: {  	s5 =	simm.s32 @p1 $0x1;
	p0 =	seq.s32 s7, s2  }
0x1e: {  	s7 =	smul.u32 @!p0 $0xF7A, s2;
	p2 =	seq.s32 @!p0 s5, $0x0  }
0x1f: {  	s9 =	smul.u32 $0xF7A, s1;
	s8 =	simm.s32 @!p0 $0x1BF5;
	p2 =	por !p2, p0  }
0x20: {  	[sflag:s8] =	ssyncset.s32 @!p0 $0xFFFFF086;
	s6 =	sadd.s32 @!p0 s3, s7;
	s7 =	simm.s32 @!p0 $0x108  }
0x21: {  	s3 =	sadd.s32 s3, s9;
	s6 =	sadd.s32 @!p0 $0x88, s6;
	s7 =	simm.s32 @p2 $0x1082  }
0x22: {  	[simem:s7], [sflag:s8] =	dma.local @!p0 [hbm:s6], $0xF7A  }
0x23: {  	s9 =	sor.u32 $0xD0000000, s2;
	s6 =	simm.s32 $0x108;
	_ =	swait.ge @!p0 [sflag:s8], $0x0  }
0x24: {  	s3 =	sadd.s32 $0x88, s3;
	s6 =	simm.s32 @!p1 $0x1082;
	[sflag:s4] =	ssyncset.s32 $0xFFFFF086  }
0x25: {  	[simem:s6], [sflag:s4] =	dma.local [hbm:s3], $0xF7A  }
0x26: {  	[smem:$0x3F99] =	sst s1;
	(tag) =	ssettag s2;
	_ =	strace s9  }
0x27: {  	s1 =	sld [smem:$0x3FA9]  }
0x28: {  	s2 =	sld [smem:$0x3FAA]  }
0x29: {  	s4 =	sld [smem:$0x3FAC]  }
0x2a: {  	p0 =	seq.s32 s5, $0x0;
	s5 =	sld [smem:$0x3FAD]  }
0x2b: {  	s6 =	sld [smem:$0x3FAE]  }
0x2c: {  	s7 =	sld [smem:$0x3FAF]  }
0x2d: {  	s3 =	simm.s32 $0x108;
	s8 =	sld [smem:$0x3FB0]  }
0x2e: {  	s3 =	simm.s32 @!p0 $0x1082;
	s9 =	sld [smem:$0x3FB1]  }
0x2f: {  	lr =	sadd.s32 s0, s3;
	s0 =	sld [smem:$0x3FA8]  }
0x30: {  	s3 =	sld [smem:$0x3FAB]  }
0x31: {  	[smem:$0x3FB4] =	sst s10  }
0x32: {  	s10 =	sld [smem:$0x3FB2];
	_ =	sdelay $0x3  }
0x33: {  	p0 =	seq.s32 s10, $0x1;
	s10 =	sld [smem:$0x3FB4];
	_ =	sdelay $0x3  }
0x34: {  	[smem:$0x3FB4] =	sst s10  }
0x35: {  	s10 =	sld [smem:$0x3FB3];
	_ =	sdelay $0x3  }
0x36: {  	p1 =	seq.s32 s10, $0x1;
	s10 =	sld [smem:$0x3FB4];
	_ =	sdelay $0x3  }
0x37: {  	[smem:$0x3FB4] =	sst s10  }
0x38: {  	s10 =	sld [smem:$0x3FB5]  }
0x39: {  	_ = 	snop;
	(pc) =	sbr.ind lr, $3  }
0x3a: {  	_ = 	snop  }
0x3b: {  	_ = 	snop  }
0x3c: {  	p2 =	seq.s32 s10, $0x1;
	s10 =	sld [smem:$0x3FB4]  }
0x3d: {  	_ =	shalt  }
0x3e: {  	_ =	shalt  }
0x3f: {  	_ =	shalt  }
0x40: {  	_ =	shalt  }
0x41: {  	_ =	shalt  }
0x42: {  	_ =	shalt  }
0x43: {  	_ =	shalt  }
0x44: {  	_ =	shalt  }
0x45: {  	_ =	shalt  }
0x46: {  	_ =	shalt  }
0x47: {  	_ =	shalt  }
0x48: {  	_ =	shalt  }
0x49: {  	_ =	shalt  }
0x4a: {  	_ =	shalt  }
0x4b: {  	_ =	shalt  }
0x4c: {  	_ =	shalt  }
0x4d: {  	_ =	shalt  }
0x4e: {  	_ =	shalt  }
0x4f: {  	_ =	shalt  }
0x50: {  	_ =	shalt  }
0x51: {  	_ =	shalt  }
0x52: {  	_ =	shalt  }
0x53: {  	_ =	shalt  }
0x54: {  	_ =	shalt  }
0x55: {  	_ =	shalt  }
0x56: {  	_ =	shalt  }
0x57: {  	_ =	shalt  }
0x58: {  	_ =	shalt  }
0x59: {  	_ =	shalt  }
0x5a: {  	_ =	shalt  }
0x5b: {  	_ =	shalt  }
0x5c: {  	_ =	shalt  }
0x5d: {  	_ =	shalt  }
0x5e: {  	_ =	shalt  }
0x5f: {  	_ =	shalt  }
0x60: {  	_ =	shalt  }
0x61: {  	_ =	shalt  }
0x62: {  	_ =	shalt  }
0x63: {  	_ =	shalt  }
0x64: {  	_ =	shalt  }
0x65: {  	_ =	shalt  }
0x66: {  	_ =	shalt  }
0x67: {  	_ =	shalt  }
0x68: {  	_ =	shalt  }
0x69: {  	_ =	shalt  }
0x6a: {  	_ =	shalt  }
0x6b: {  	_ =	shalt  }
0x6c: {  	_ =	shalt  }
0x6d: {  	_ =	shalt  }
0x6e: {  	_ =	shalt  }
0x6f: {  	_ =	shalt  }
0x70: {  	_ =	shalt  }
0x71: {  	_ =	shalt  }
0x72: {  	_ =	shalt  }
0x73: {  	_ =	shalt  }
0x74: {  	_ =	shalt  }
0x75: {  	_ =	shalt  }
0x76: {  	_ =	shalt  }
0x77: {  	_ =	shalt  }
0x78: {  	_ =	shalt  }
0x79: {  	_ =	shalt  }
0x7a: {  	_ =	shalt  }
0x7b: {  	_ =	shalt  }
0x7c: {  	_ =	shalt  }
0x7d: {  	_ =	shalt  }
0x7e: {  	_ =	shalt  }
0x7f: {  	_ =	shalt  }
0x80: {  	_ =	shalt  }
0x81: {  	_ =	shalt  }
0x82: {  	_ =	shalt  }
0x83: {  	_ =	shalt  }
0x84: {  	_ =	shalt  }
0x85: {  	_ =	shalt  }
0x86: {  	_ =	shalt  }
0x87: {  	_ =	shalt  }
.Lfunc_end0:
.L_simem_size_0:
called_computation.2_lowered:
.L_overlay_start_0:
0x88: {  	s2 =	sld [smem:$0x3FD9]  }
0x89: {  	s3 =	sld [smem:$0x3FFE];
	_ =	sdelay $0x1  }
0x8a: {  	s1 =	srdreg.scid  }
0x8b: {  	s0 =	sand.u32 $0x1, s1  }
0x8c: {  	s17 =	sshll.u32 s0, $0xA;
	s2 =	sadd.s32 s3, s2  }
0x8d: {  	s2 =	sadd.s32 s2, s17  }
0x8e: {  	[smem:$0x3FC0] =	sst s2  }
0x8f: {  	_ = 	snop  }
0x90: {  	s2 =	sld [smem:$0x3FD0];
	(tm) =	ssettm $0x1  }
0x91: {  	s18 =	sld [smem:$0x3FFB];
	_ =	sdelay $0x3  }
0x92: {  	_ =	strace s18  }
0x93: {  	s3 =	sld [smem:$0x3FFC];
	_ =	sdelay $0x3  }
0x94: {  	_ =	strace s3  }
0x95: {  	s3 =	sld [smem:$0x3FFD];
	_ =	sdelay $0x3  }
0x96: {  	_ =	strace s3  }
0x97: {  	_ =	strace $0x8FFFFFFF  }
0x98: {  	s19 =	sld [smem:$0x3FDB];
	_ =	sdelay $0x1  }
0x99: {  	s4 =	simm.s32 $_scs_section_size  }
0x9a: {  	s5 =	simm.s32 $_size__tile_overlayer_lowered;
	s6 =	simm.s32 $_tile_overlayer_lowered  }
0x9b: {  	s22 =	simm.s32 $0x1BFF;
	s21 =	sshll.u32 s6, $0x1;
	s3 =	sadd.s32 s4, s19  }
0x9c: {  	s7 =	simm.s32 $0x0;
	s20 =	sshll.u32 s5, $0x1;
	s5 =	sadd.s32 s21, s3  }
0x9d: {  	[timem:s7], [sflag:s22] =	dma.local [hbm:s5], s20  }
0x9e: {  	_ =	swait.ge [sflag:s22], s20  }
0x9f: {  	s4 =	ssub.s32 $0x0, s20;
	[sflag:s22] =	ssyncset.done $0x0  }
0xa0: {  	[sflag:s22] =	ssyncadd.s32 s4;
	_ =	sdelay $0x1  }
0xa1: {  	s23 =	simm.s32 $0x1B8B  }
0xa2: {  	_ =	swait.ge [sflag:s23], $0x1  }
0xa3: {  	[sflag:s23] =	ssyncset.done $0x0  }
0xa4: {  	s25 =	simm.s32 $0x1B8E;
	s24 =	sld [smem:$0x3FFE];
	[sflag:s23] =	ssyncadd.s32 $0xFFFFFFFF  }
0xa5: {  	s26 =	simm.s32 $execute0_lowered;
	[smem:$0x3FD2] =	sst s25  }
0xa6: {  	s5 =	sshll.u32 s26, $0x1;
	_ =	strace $0x8000004C;
	[dreg:$0x1] =	wrdreg $0xFFFFFFFF  }
0xa7: {  	s28 =	simm.s32 $_size_execute0_lowered;
	s3 =	sadd.s32 s3, s5;
	[dreg:$0x0] =	wrdreg $0x0  }
0xa8: {  	s5 =	sshll.u32 s28, $0x1;
	[dreg:$0x2] =	wrdreg s3  }
0xa9: {  	[dreg:$0x3] =	wrdreg s5  }
0xaa: {  	[dreg:$0x4] =	wrdreg $0xC0  }
0xab: {  	_ =	task [dreg:s7], $0x5FFFF  }
0xac: {  	[dreg:$0x1] =	wrdreg $0xFFFFFFFF  }
0xad: {  	[dreg:$0x0] =	wrdreg $0x60  }
0xae: {  	[dreg:$0x2] =	wrdreg s24  }
0xaf: {  	[dreg:$0x3] =	wrdreg s2  }
0xb0: {  	[dreg:$0x4] =	wrdreg $0x5B000  }
0xb1: {  	[dreg:$0x5] =	wrdreg $0x9  }
0xb2: {  	_ =	task.clear_ibuf [dreg:s7], $0x6FFFF;
	_ =	strace $0x9000004C  }
0xb3: {  	s29 =	simm.s32 $0x9;
	_ =	strace $0x8000004E  }
0xb4: {  	_ =	swait.ge [sflag:s29], $0x1  }
0xb5: {  	[sflag:s29] =	ssyncadd.s32 $0xFFFFFFFF  }
0xb6: {  	_ =	strace $0x9000004E  }
0xb7: {  	_ =	sfence  }
0xb8: {  	s30 =	sld [smem:$0x0];
	_ =	sdelay $0x2  }
0xb9: {  	s31 =	sshll.u32 s1, $0xD;
	s1 =	sshrl.u32 s1, $0x2  }
0xba: {  	s3 =	sand.u32 $0x4000, s31;
	s1 =	sadd.s32 s1, s30  }
0xbb: {  	s0 =	sor.u32 s3, s0;
	s1 =	sshll.u32 s1, $0x11  }
0xbc: {  	s0 =	sor.u32 s1, s0  }
0xbd: {  	s0 =	sadd.s32 $0x8F2B, s0  }
0xbe: {  	[sflag:s0] =	ssyncadd.remote.s32 $0x1  }
0xbf: {  	_ =	sfence.sel $0xFFFF  }
0xc0: {  	[dreg:$0x0] =	wrdreg $0xFFFFFFFF;
	(pc) =	sbr.abs _section_cstart, $3  }
0xc1: {  	[dreg:$0x1] =	wrdreg $0xFFFFFFFF  }
0xc2: {  	_ =	task.clear_ibuf [dreg:s7], $0x2FFFF;
	_ =	strace $0x9FFFFFFF  }
0xc3: {  	(tm) =	ssettm $0x7FFFFFFF  }
tec
execute0_lowered:
.L_overlay_start_1:
0x0: {  	(tag) =	ssettag $0x1  }
0x1: {  	s5 =	rddreg [dreg:$0x0]  }
0x2: {  	s10 =	rddreg [dreg:$0x1]  }
0x3: {  	s1 =	rddreg [dreg:$0x2]  }
0x4: {  	s0 =	rddreg [dreg:$0x3]  }
0x5: {  	s3 =	simm.s32 $0x0;
	s4 =	srdreg.scid;
	s2 =	stileid.u32  }
0x6: {  	s16 =	simm.s32 $0x200;
	s17 =	simm.s32 $0x50;
	s18 =	simm.s32 $0x100  }
0x7: {  	s19 =	simm.s32 $0x300;
	s20 =	simm.s32 $0x80;
	s21 =	simm.s32 $0x280  }
0x8: {  	s22 =	simm.s32 $0x1;
	s23 =	simm.s32 $0x180;
	s26 =	simm.s32 $0x0  }
0x9: {  	[smem:$0x7FF] =	sst s3;
	s24 =	sand.u32 $0x1, s4;
	s7 =	smul.u32 $0x50000, s2  }
0xa: {  	s4 =	sadd.s32 $0x59A00, s5;
	s13 =	sadd.s32 $0x6800, s5;
	s9 =	smul.u32 $0x2710, s2  }
0xb: {  	s12 =	sadd.s32 $0x1800, s5;
	p0 =	seq.s32 s2, $0xF;
	s28 =	smul.u32 $0x14000, s2  }
0xc: {  	s5 =	simm.s32 $0x19;
	s31 =	smul.u32 $0x4E2, s2;
	s25 =	sadd.s32 $0x12C000, s1  }
0xd: {  	_ =	strace $0x8000004D;
	s6 =	ssub.s32 $0x2, s24;
	s14 =	smul.u32 $0x138800, s24  }
0xe: {  	s5 =	simm.s32 @!p0 $0x28;
	v0 =	vmov s24;
	s24 =	simm.s32 $0x2B00;
	s25 =	sshrl.u32 @p0 s25, $0x3  }
0xf: {  	s8 =	sshrl.u32 s6, $0x1;
	s29 =	sshrl.u32 s7, $0x2;
	s9 =	sshrl.u32 s9, $0x3  }
0x10: {  	s11 =	ssub.s32 s6, s8;
	s6 =	sadd.s32 s29, s1;
	s7 =	sadd.s32 s13, s9  }
0x11: {  	s15 =	sadd.s32 s28, s14;
	s8 =	sadd.s32 s12, s9;
	s14 =	sshrl.u32 s14, $0x3  }
0x12: {  	s12 =	sadd.s32 s31, s12;
	s13 =	sadd.s32 s31, s13;
	s30 =	sshrl.u32 s15, $0x3  }
0x13: {  	s11 =	smax.u32 s11, $0x1;
	s9 =	sadd.s32 s10, s30;
	s10 =	sadd.s32 s10, s14  }
0x14: {  	v1 =	vimm.f32 $0.0e+00;
	s15 =	simm.s32 $0x2;
	s14 =	simm.s32 $0x5300;
	s10 =	sadd.s32 $0x25800, s10  }
.LBB2_1:
0x15: {  	s28 =	simm.s32 $0x0;
	s29 =	simm.s32 $0x200  }
.LBB2_2:
0x16: {  	p1 =	sne.s32 s29, $0x1E00;
	[tilespmem:s28+$0x5370] =	vst v1  }
0x17: {  	[tilespmem:s28+$0x5300] =	vst v1  }
0x18: {  	[tilespmem:s28+$0x5310] =	vst v1  }
.Ltmp0:
0x19: {  	[tilespmem:s28+$0x5320] =	vst v1;
	(pc) =	sbr.rel @p1 .LBB2_2-.Ltmp0, $4  }
0x1a: {  	[tilespmem:s28+$0x5330] =	vst v1  }
0x1b: {  	[tilespmem:s28+$0x5340] =	vst v1  }
0x1c: {  	[tilespmem:s28+$0x5350] =	vst v1  }
0x1d: {  	[tilespmem:s28+$0x5360] =	vst v1;
	s28 =	sshra.s32 s29, $0x2;
	s29 =	sadd.s32 $0x200, s29  }
0x1e: {  	[tilespmem:s28+$0x5370] =	vst v1  }
0x1f: {  	[tilespmem:s28+$0x5300] =	vst v1  }
0x20: {  	[tilespmem:s28+$0x5310] =	vst v1  }
0x21: {  	[tilespmem:s28+$0x5320] =	vst v1  }
0x22: {  	[tilespmem:s28+$0x5330] =	vst v1  }
0x23: {  	[tilespmem:s28+$0x5340] =	vst v1;
	p1 =	sne.s32 s5, $0x1  }
.Ltmp1:
0x24: {  	[tilespmem:s28+$0x5350] =	vst v1;
	(pc) =	sbr.rel @!p1 .LBB2_5-.Ltmp1, $4  }
0x25: {  	[tilespmem:s28+$0x5360] =	vst v1  }
0x26: {  	[spmem:s6] =	stream.linear.scatter [tilespmem:s14], [sflag:$0x2], $0x800, $0x38;
	[tilespmem:$0x19B00] =	vst v63  }
0x27: {  	_ =	swait.ge [sflag:s15], $0x800  }
0x28: {  	s28 =	sadd.s32 $0xFFFFFFFF, s5;
	s29 =	smov.u32 s6;
	[sflag:s15] =	ssyncset.done $0x0  }
.LBB2_4:
0x29: {  	p1 =	sne.s32 s28, $0x1;
	[sflag:s15] =	ssyncadd.s32 $0xFFFFF800;
	s29 =	sadd.s32 $0x800, s29  }
.Ltmp2:
0x2a: {  	s28 =	sadd.s32 $0xFFFFFFFF, s28;
	(pc) =	sbr.rel @p1 .LBB2_4-.Ltmp2, $4  }
0x2b: {  	_ = 	snop  }
0x2c: {  	[spmem:s29] =	stream.linear.scatter [tilespmem:s14], [sflag:$0x2], $0x800, $0x38;
	[tilespmem:$0x19B00] =	vst v63  }
0x2d: {  	_ =	swait.ge [sflag:s15], $0x800  }
0x2e: {  	[sflag:s15] =	ssyncset.done $0x0  }
.LBB2_5:
0x2f: {  	[sflag:s15] =	ssyncadd.s32 $0xFFFFF800  }
0x30: {  	[bflag:$0x0] =	sbarrier.arrive $0xFFFF  }
0x31: {  	[tilespmem:s3], [sflag:$0x2] =	stream.linear.gather [hbm4b:s7+s3], $0x50, $0x38;
	[tilespmem:$0x19B00] =	vst v63  }
0x32: {  	_ =	swait.ge [sflag:s15], $0x50  }
0x33: {  	[sflag:s15] =	ssyncset.done $0x0  }
0x34: {  	[sflag:s15] =	ssyncadd.s32 $0xFFFFFFB0  }
0x35: {  	[tilespmem:s16], [sflag:$0x2] =	stream.linear.gather [hbm4b:s8+s3], $0x50, $0x38;
	[tilespmem:$0x19B00] =	vst v63  }
0x36: {  	_ =	swait.ge [sflag:s15], $0x50  }
0x37: {  	[sflag:s15] =	ssyncset.done $0x0  }
0x38: {  	[sflag:s15] =	ssyncadd.s32 $0xFFFFFFB0  }
0x39: {  	v2 =	vld [tilespmem:$0x0]  }
0x3a: {  	v3 =	vld [tilespmem:$0x10]  }
0x3b: {  	v4 =	vld [tilespmem:$0x20]  }
0x3c: {  	v5 =	vld [tilespmem:$0x30]  }
0x3d: {  	v6 =	vld [tilespmem:$0x40]  }
0x3e: {  	v2 =	vshll.u32 v2, $0x1  }
0x3f: {  	v3 =	vshll.u32 v3, $0x1;
	v2 =	vor.u32 v0, v2  }
0x40: {  	[tilespmem:$0x100] =	vst v2;
	v2 =	vor.u32 v0, v3;
	v3 =	vshll.u32 v4, $0x1  }
0x41: {  	[tilespmem:$0x110] =	vst v2;
	v2 =	vor.u32 v0, v3;
	v3 =	vshll.u32 v5, $0x1  }
0x42: {  	[tilespmem:$0x120] =	vst v2;
	v2 =	vor.u32 v0, v3;
	v3 =	vshll.u32 v6, $0x1  }
0x43: {  	[tilespmem:$0x130] =	vst v2;
	v2 =	vor.u32 v0, v3  }
0x44: {  	s28 =	sadd.s32 $0xFFFFFB28, s13;
	[tilespmem:$0x140] =	vst v2  }
0x45: {  	[tilespmem:s19], [sflag:$0x1] =	stream.indirect.gather [hbm4b:s4+s17], $0x80, s18, s17, $0xb8;
	[tilespmem:$0x19B00] =	vst v63  }
0x46: {  	s29 =	sadd.s32 $0x4E2, s28  }
0x47: {  	[tilespmem:s20], [sflag:$0x2] =	stream.linear.gather [hbm4b:s29+s3], $0x50, $0x38;
	[tilespmem:$0x19B00] =	vst v63  }
0x48: {  	_ =	swait.ge [sflag:s15], $0x50  }
0x49: {  	s31 =	sadd.s32 $0xFFFFFB28, s12;
	[sflag:s15] =	ssyncset.done $0x0  }
0x4a: {  	s30 =	sadd.s32 $0x4E2, s31;
	[sflag:s15] =	ssyncadd.s32 $0xFFFFFFB0  }
0x4b: {  	[tilespmem:s21], [sflag:$0x2] =	stream.linear.gather [hbm4b:s30+s3], $0x50, $0x38;
	[tilespmem:$0x19B00] =	vst v63  }
0x4c: {  	_ =	swait.ge [sflag:s15], $0x50  }
0x4d: {  	[sflag:s15] =	ssyncset.done $0x0  }
0x4e: {  	[sflag:s15] =	ssyncadd.s32 $0xFFFFFFB0  }
0x4f: {  	v2 =	vld [tilespmem:$0xB0]  }
0x50: {  	v3 =	vld [tilespmem:$0x90]  }
0x51: {  	v56 =	vld [tilespmem:$0x80]  }
0x52: {  	v57 =	vld [tilespmem:$0xA0]  }
0x53: {  	v58 =	vld [tilespmem:$0xC0]  }
0x54: {  	v2 =	vshll.u32 v2, $0x1  }
0x55: {  	v3 =	vshll.u32 v3, $0x1;
	v2 =	vor.u32 v0, v2  }
0x56: {  	v4 =	vshll.u32 v56, $0x1;
	v3 =	vor.u32 v0, v3;
	[tilespmem:$0x1B0] =	vst v2  }
0x57: {  	v2 =	vor.u32 v0, v4;
	[tilespmem:$0x190] =	vst v3;
	v3 =	vshll.u32 v57, $0x1  }
0x58: {  	[tilespmem:$0x180] =	vst v2;
	v2 =	vor.u32 v0, v3;
	v3 =	vshll.u32 v58, $0x1  }
0x59: {  	[tilespmem:$0x1A0] =	vst v2;
	v2 =	vor.u32 v0, v3  }
0x5a: {  	[tilespmem:$0x1C0] =	vst v2  }
0x5b: {  	_ =	swait.ge [sflag:s22], $0x2800  }
0x5c: {  	[sflag:s22] =	ssyncset.done $0x0  }
0x5d: {  	[sflag:s22] =	ssyncadd.s32 $0xFFFFD800  }
0x5e: {  	[tilespmem:s24], [sflag:$0x1] =	stream.indirect.gather [hbm4b:s4+s17], $0x80, s23, s17, $0xb8;
	[tilespmem:$0x19B00] =	vst v63  }
0x5f: {  	_ = 	snop  }
0x60: {  	[spmem:s1] =	stream.indirect.scatter.add.f32 [tilespmem:s19], [sflag:$0x2], $0x80, s16, s17, $0xb8;
	[tilespmem:$0x19B00] =	vst v63  }
0x61: {  	_ =	swait.ge [sflag:s15], $0x2800  }
0x62: {  	[sflag:s15] =	ssyncset.done $0x0  }
0x63: {  	s28 =	sadd.s32 $0x4EC, s28;
	[sflag:s15] =	ssyncadd.s32 $0xFFFFD800  }
0x64: {  	[tilespmem:s3], [sflag:$0x2] =	stream.linear.gather [hbm4b:s28+s3], $0x50, $0x38;
	[tilespmem:$0x19B00] =	vst v63  }
0x65: {  	_ =	swait.ge [sflag:s15], $0x50  }
0x66: {  	[sflag:s15] =	ssyncset.done $0x0  }
0x67: {  	s28 =	sadd.s32 $0x4EC, s31;
	[sflag:s15] =	ssyncadd.s32 $0xFFFFFFB0  }
0x68: {  	[tilespmem:s16], [sflag:$0x2] =	stream.linear.gather [hbm4b:s28+s3], $0x50, $0x38;
	[tilespmem:$0x19B00] =	vst v63  }
0x69: {  	_ =	swait.ge [sflag:s15], $0x50  }
0x6a: {  	[sflag:s15] =	ssyncset.done $0x0  }
0x6b: {  	[sflag:s15] =	ssyncadd.s32 $0xFFFFFFB0  }
0x6c: {  	v2 =	vld [tilespmem:$0x0]  }
0x6d: {  	v3 =	vld [tilespmem:$0x40]  }
0x6e: {  	v60 =	vld [tilespmem:$0x10]  }
0x6f: {  	v59 =	vld [tilespmem:$0x30]  }
0x70: {  	v61 =	vld [tilespmem:$0x20]  }
0x71: {  	v2 =	vshll.u32 v2, $0x1  }
0x72: {  	v3 =	vshll.u32 v3, $0x1;
	v2 =	vor.u32 v0, v2  }
0x73: {  	v62 =	vshll.u32 v60, $0x1;
	v3 =	vor.u32 v0, v3;
	[tilespmem:$0x100] =	vst v2  }
0x74: {  	v2 =	vshll.u32 v59, $0x1;
	[tilespmem:$0x140] =	vst v3;
	v3 =	vor.u32 v0, v62  }
0x75: {  	v63 =	vshll.u32 v61, $0x1;
	v2 =	vor.u32 v0, v2;
	[tilespmem:$0x110] =	vst v3  }
0x76: {  	s28 =	simm.s32 $0xFFFFFB3C;
	[tilespmem:$0x130] =	vst v2;
	v2 =	vor.u32 v0, v63  }
.LBB2_6:
0x77: {  	p1 =	sne.s32 s28, $0xFFFFFFEC;
	[tilespmem:$0x120] =	vst v2;
	s30 =	smov.u32 s28;
	s28 =	sadd.s32 $0x14, s28  }
0x78: {  	_ =	swait.ge [sflag:s22], $0x2800  }
0x79: {  	[sflag:s22] =	ssyncset.done $0x0  }
0x7a: {  	[sflag:s22] =	ssyncadd.s32 $0xFFFFD800  }
0x7b: {  	[tilespmem:s19], [sflag:$0x1] =	stream.indirect.gather [hbm4b:s4+s17], $0x80, s18, s17, $0xb8;
	[tilespmem:$0x19B00] =	vst v63  }
0x7c: {  	_ = 	snop  }
0x7d: {  	[spmem:s1] =	stream.indirect.scatter.add.f32 [tilespmem:s24], [sflag:$0x2], $0x80, s21, s17, $0xb8;
	[tilespmem:$0x19B00] =	vst v63  }
0x7e: {  	s29 =	sadd.s32 s30, s13;
	_ =	swait.ge [sflag:s15], $0x2800  }
0x7f: {  	s31 =	sadd.s32 $0x4E2, s29;
	[sflag:s15] =	ssyncset.done $0x0  }
0x80: {  	[sflag:s15] =	ssyncadd.s32 $0xFFFFD800  }
0x81: {  	[tilespmem:s20], [sflag:$0x2] =	stream.linear.gather [hbm4b:s31+s3], $0x50, $0x38;
	[tilespmem:$0x19B00] =	vst v63  }
0x82: {  	_ =	swait.ge [sflag:s15], $0x50  }
0x83: {  	s30 =	sadd.s32 s30, s12;
	[sflag:s15] =	ssyncset.done $0x0  }
0x84: {  	s31 =	sadd.s32 $0x4E2, s30;
	[sflag:s15] =	ssyncadd.s32 $0xFFFFFFB0  }
0x85: {  	[tilespmem:s21], [sflag:$0x2] =	stream.linear.gather [hbm4b:s31+s3], $0x50, $0x38;
	[tilespmem:$0x19B00] =	vst v63  }
0x86: {  	_ =	swait.ge [sflag:s15], $0x50  }
0x87: {  	[sflag:s15] =	ssyncset.done $0x0  }
0x88: {  	[sflag:s15] =	ssyncadd.s32 $0xFFFFFFB0  }
0x89: {  	v2 =	vld [tilespmem:$0xB0]  }
0x8a: {  	v3 =	vld [tilespmem:$0x90]  }
0x8b: {  	v4 =	vld [tilespmem:$0x80]  }
0x8c: {  	v5 =	vld [tilespmem:$0xA0]  }
0x8d: {  	v6 =	vld [tilespmem:$0xC0]  }
0x8e: {  	v2 =	vshll.u32 v2, $0x1  }
0x8f: {  	v3 =	vshll.u32 v3, $0x1;
	v2 =	vor.u32 v0, v2  }
0x90: {  	v4 =	vshll.u32 v4, $0x1;
	v3 =	vor.u32 v0, v3;
	[tilespmem:$0x1B0] =	vst v2  }
0x91: {  	v2 =	vor.u32 v0, v4;
	[tilespmem:$0x190] =	vst v3;
	v3 =	vshll.u32 v5, $0x1  }
0x92: {  	[tilespmem:$0x180] =	vst v2;
	v2 =	vor.u32 v0, v3;
	v3 =	vshll.u32 v6, $0x1  }
0x93: {  	[tilespmem:$0x1A0] =	vst v2;
	v2 =	vor.u32 v0, v3  }
0x94: {  	[tilespmem:$0x1C0] =	vst v2  }
0x95: {  	_ =	swait.ge [sflag:s22], $0x2800  }
0x96: {  	[sflag:s22] =	ssyncset.done $0x0  }
0x97: {  	[sflag:s22] =	ssyncadd.s32 $0xFFFFD800  }
0x98: {  	[tilespmem:s24], [sflag:$0x1] =	stream.indirect.gather [hbm4b:s4+s17], $0x80, s23, s17, $0xb8;
	[tilespmem:$0x19B00] =	vst v63  }
0x99: {  	_ = 	snop  }
0x9a: {  	[spmem:s1] =	stream.indirect.scatter.add.f32 [tilespmem:s19], [sflag:$0x2], $0x80, s16, s17, $0xb8;
	[tilespmem:$0x19B00] =	vst v63  }
0x9b: {  	_ =	swait.ge [sflag:s15], $0x2800  }
0x9c: {  	[sflag:s15] =	ssyncset.done $0x0  }
0x9d: {  	s29 =	sadd.s32 $0x4EC, s29;
	[sflag:s15] =	ssyncadd.s32 $0xFFFFD800  }
0x9e: {  	[tilespmem:s3], [sflag:$0x2] =	stream.linear.gather [hbm4b:s29+s3], $0x50, $0x38;
	[tilespmem:$0x19B00] =	vst v63  }
0x9f: {  	_ =	swait.ge [sflag:s15], $0x50  }
0xa0: {  	[sflag:s15] =	ssyncset.done $0x0  }
0xa1: {  	s29 =	sadd.s32 $0x4EC, s30;
	[sflag:s15] =	ssyncadd.s32 $0xFFFFFFB0  }
0xa2: {  	[tilespmem:s16], [sflag:$0x2] =	stream.linear.gather [hbm4b:s29+s3], $0x50, $0x38;
	[tilespmem:$0x19B00] =	vst v63  }
0xa3: {  	_ =	swait.ge [sflag:s15], $0x50  }
0xa4: {  	[sflag:s15] =	ssyncset.done $0x0  }
0xa5: {  	[sflag:s15] =	ssyncadd.s32 $0xFFFFFFB0  }
0xa6: {  	v2 =	vld [tilespmem:$0x0]  }
0xa7: {  	v3 =	vld [tilespmem:$0x40]  }
0xa8: {  	v4 =	vld [tilespmem:$0x30]  }
0xa9: {  	v5 =	vld [tilespmem:$0x10]  }
0xaa: {  	v6 =	vld [tilespmem:$0x20]  }
0xab: {  	v2 =	vshll.u32 v2, $0x1  }
.Ltmp3:
0xac: {  	v2 =	vor.u32 v0, v2;
	v3 =	vshll.u32 v3, $0x1;
	(pc) =	sbr.rel @p1 .LBB2_6-.Ltmp3, $4  }
0xad: {  	[tilespmem:$0x100] =	vst v2;
	v2 =	vshll.u32 v4, $0x1;
	v3 =	vor.u32 v0, v3  }
0xae: {  	v4 =	vshll.u32 v5, $0x1;
	v2 =	vor.u32 v0, v2;
	[tilespmem:$0x140] =	vst v3  }
0xaf: {  	v3 =	vor.u32 v0, v4;
	v4 =	vshll.u32 v6, $0x1;
	[tilespmem:$0x130] =	vst v2  }
0xb0: {  	[tilespmem:$0x110] =	vst v3;
	v2 =	vor.u32 v0, v4  }
0xb1: {  	[tilespmem:$0x120] =	vst v2  }
0xb2: {  	_ =	swait.ge [sflag:s22], $0x2800  }
0xb3: {  	[sflag:s22] =	ssyncset.done $0x0  }
0xb4: {  	[sflag:s22] =	ssyncadd.s32 $0xFFFFD800  }
0xb5: {  	[tilespmem:s19], [sflag:$0x1] =	stream.indirect.gather [hbm4b:s4+s17], $0x80, s18, s17, $0xb8;
	[tilespmem:$0x19B00] =	vst v63  }
0xb6: {  	_ = 	snop  }
0xb7: {  	[spmem:s1] =	stream.indirect.scatter.add.f32 [tilespmem:s24], [sflag:$0x2], $0x80, s21, s17, $0xb8;
	[tilespmem:$0x19B00] =	vst v63  }
0xb8: {  	_ =	swait.ge [sflag:s15], $0x2800  }
0xb9: {  	[sflag:s15] =	ssyncset.done $0x0  }
0xba: {  	[sflag:s15] =	ssyncadd.s32 $0xFFFFD800  }
0xbb: {  	_ =	swait.ge [sflag:s22], $0x2800  }
0xbc: {  	[sflag:s22] =	ssyncset.done $0x0  }
0xbd: {  	[sflag:s22] =	ssyncadd.s32 $0xFFFFD800  }
0xbe: {  	[spmem:s1] =	stream.indirect.scatter.add.f32 [tilespmem:s19], [sflag:$0x2], $0x80, s16, s17, $0xb8;
	[tilespmem:$0x19B00] =	vst v63  }
0xbf: {  	_ =	swait.ge [sflag:s15], $0x2800  }
0xc0: {  	[sflag:s15] =	ssyncset.done $0x0  }
0xc1: {  	[sflag:s15] =	ssyncadd.s32 $0xFFFFD800  }
0xc2: {  	s28 =	simm.s32 @p0 $0x1FC2;
	[bflag:$0x0] =	sbarrier.arrive $0xFFFF  }
0xc3: {  	[hbm:s10], [sflag:s28] =	dma.local @p0 [spmem:s25], $0x1900  }
0xc4: {  	s28 =	simm.s32 @p0 $0x2  }
0xc5: {  	s26 =	sadd.s32 $0x1, s26;
	_ =	swait.ge @p0 [sflag:s28], $0x1900  }
0xc6: {  	s29 =	sshll.u32 @!p0 s2, $0x6;
	p1 =	sne.s32 s26, s11;
	[sflag:s28] =	ssyncset.done @p0 $0x0  }
0xc7: {  	[sflag:s28] =	ssyncadd.s32 @p0 $0xFFFFE700;
	s28 =	sor.u32 @!p0 $0x1C02, s29;
	s29 =	sshrl.u32 @!p0 s6, $0x3  }
0xc8: {  	[hbm:s9], [sflag:s28] =	dma.local @!p0 [spmem:s29], $0x2800  }
.Ltmp4:
0xc9: {  	_ = 	snop;
	(pc) =	sbr.rel @p1 .LBB2_1-.Ltmp4, $4  }
0xca: {  	s28 =	simm.s32 @!p0 $0x2  }
0xcb: {  	_ =	swait.ge @!p0 [sflag:s28], $0x2800  }
0xcc: {  	[sflag:s28] =	ssyncset.done @!p0 $0x0  }
0xcd: {  	[sflag:s28] =	ssyncadd.s32 @!p0 $0xFFFFD800  }
0xce: {  	_ =	sfence.sel $0x180000  }
0xcf: {  	[bflag:$0x0] =	sbarrier.arrive $0xFFFF  }
0xd0: {  	p0 =	sne.s32 s2, $0x0;
	_ =	strace $0x9000004D  }
0xd1: {  	s0 =	sadd.s32 @!p0 $0x100000, s0;
	[bflag:$0x2] =	sbarrier.arrive $0xFFFF  }
0xd2: {  	[sflag:s0] =	ssyncadd.tile.s32 @!p0 $0x1;
	_ =	shalt  }
.Lfunc_end2:
_tile_overlayer_lowered:
.L_overlay_start_2:
0xd3: {  	(tag) =	ssettag $0x2  }
0xd4: {  	s0 =	rddreg [dreg:$0x0];
	s2 =	stileid.u32  }
0xd5: {  	s1 =	rddreg [dreg:$0x1];
	p0 =	sne.s32 s2, $0x0  }
0xd6: {  	s3 =	rddreg [dreg:$0x2];
	[bflag:$0x3] =	sbarrier.arrive $0xFFFF;
	s2 =	simm.s32 @!p0 $0x1C02  }
0xd7: {  	[timem:s3], [sflag:s2] =	dma.local @!p0 [hbm:s0], s1  }
0xd8: {  	s0 =	simm.s32 @!p0 $0x2  }
0xd9: {  	_ =	swait.ge @!p0 [sflag:s0], s1  }
0xda: {  	s1 =	ssub.s32 @!p0 $0x0, s1;
	[sflag:s0] =	ssyncset.done @!p0 $0x0  }
0xdb: {  	[sflag:s0] =	ssyncadd.s32 @!p0 s1  }
0xdc: {  	[bflag:$0x3] =	sbarrier.arrive $0xFFFF  }
0xdd: {  	_ =	shalt  }

// kernel: sage_cnt.3.cloned.1.call-start
scs
__scs_entry_jumppad:
0x0: {  	(pc) =	sbr.rel $0x88, $3  }
0x1: {  	(tag) =	ssettag $0x0;
	lr =	simm.s32 $0x1  }
0x2: {  	[smem:$0x3F99] =	sst lr;
	_ =	strace $0xD0000000  }
0x3: {  	_ = 	snop  }
0x4: {  	_ = 	snop  }
0x5: {  	_ = 	snop  }
0x6: {  	_ = 	snop  }
0x7: {  	_ = 	snop  }
__scs_overlays_trampoline_lowered:
0x8: {  	[smem:$0x3FA8] =	sst s0  }
0x9: {  	[smem:$0x3FA9] =	sst s1  }
0xa: {  	[smem:$0x3FAA] =	sst s2  }
0xb: {  	[smem:$0x3FAB] =	sst s3  }
0xc: {  	[smem:$0x3FAC] =	sst s4  }
0xd: {  	[smem:$0x3FAD] =	sst s5  }
0xe: {  	[smem:$0x3FAE] =	sst s6  }
0xf: {  	[smem:$0x3FAF] =	sst s7  }
0x10: {  	[smem:$0x3FB0] =	sst s8  }
0x11: {  	[smem:$0x3FB1] =	sst s9;
	s0 =	simm.s32 @!p0 $0x0  }
0x12: {  	s1 =	sld [smem:$0x3F97];
	s0 =	simm.s32 @p0 $0x1  }
0x13: {  	[smem:$0x3FB2] =	sst s0;
	s0 =	simm.s32 @!p1 $0x0  }
0x14: {  	s2 =	sld [smem:$0x3F96];
	s0 =	simm.s32 @p1 $0x1  }
0x15: {  	[smem:$0x3FB3] =	sst s0;
	s0 =	simm.s32 @!p2 $0x0  }
0x16: {  	s3 =	sld [smem:$0x3FDB];
	s0 =	simm.s32 @p2 $0x1  }
0x17: {  	s4 =	simm.s32 $0x1BF5;
	[smem:$0x3FB5] =	sst s0  }
0x18: {  	s0 =	sld [smem:$0x3F98];
	_ =	swait.ge [sflag:s4], $0x0  }
0x19: {  	s7 =	sld [smem:$0x3F99]  }
0x1a: {  	s8 =	sadd.s32 $0xFFFFE003, lr  }
0x1b: {  	s9 =	sadd.s32 $0xFFFFFEF7, lr;
	s5 =	simm.s32 $0xFFFFFFFF;
	p2 =	slt.u32 s8, $0xFFFFF086  }
0x1c: {  	p1 =	slt.u32 s9, $0xF7A;
	s5 =	simm.s32 @!p2 $0x0  }
0x1d: {  	s5 =	simm.s32 @p1 $0x1;
	p0 =	seq.s32 s7, s2  }
0x1e: {  	s7 =	smul.u32 @!p0 $0xF7A, s2;
	p2 =	seq.s32 @!p0 s5, $0x0  }
0x1f: {  	s9 =	smul.u32 $0xF7A, s1;
	s8 =	simm.s32 @!p0 $0x1BF5;
	p2 =	por !p2, p0  }
0x20: {  	[sflag:s8] =	ssyncset.s32 @!p0 $0xFFFFF086;
	s6 =	sadd.s32 @!p0 s3, s7;
	s7 =	simm.s32 @!p0 $0x108  }
0x21: {  	s3 =	sadd.s32 s3, s9;
	s6 =	sadd.s32 @!p0 $0x88, s6;
	s7 =	simm.s32 @p2 $0x1082  }
0x22: {  	[simem:s7], [sflag:s8] =	dma.local @!p0 [hbm:s6], $0xF7A  }
0x23: {  	s9 =	sor.u32 $0xD0000000, s2;
	s6 =	simm.s32 $0x108;
	_ =	swait.ge @!p0 [sflag:s8], $0x0  }
0x24: {  	s3 =	sadd.s32 $0x88, s3;
	s6 =	simm.s32 @!p1 $0x1082;
	[sflag:s4] =	ssyncset.s32 $0xFFFFF086  }
0x25: {  	[simem:s6], [sflag:s4] =	dma.local [hbm:s3], $0xF7A  }
0x26: {  	[smem:$0x3F99] =	sst s1;
	(tag) =	ssettag s2;
	_ =	strace s9  }
0x27: {  	s1 =	sld [smem:$0x3FA9]  }
0x28: {  	s2 =	sld [smem:$0x3FAA]  }
0x29: {  	s4 =	sld [smem:$0x3FAC]  }
0x2a: {  	p0 =	seq.s32 s5, $0x0;
	s5 =	sld [smem:$0x3FAD]  }
0x2b: {  	s6 =	sld [smem:$0x3FAE]  }
0x2c: {  	s7 =	sld [smem:$0x3FAF]  }
0x2d: {  	s3 =	simm.s32 $0x108;
	s8 =	sld [smem:$0x3FB0]  }
0x2e: {  	s3 =	simm.s32 @!p0 $0x1082;
	s9 =	sld [smem:$0x3FB1]  }
0x2f: {  	lr =	sadd.s32 s0, s3;
	s0 =	sld [smem:$0x3FA8]  }
0x30: {  	s3 =	sld [smem:$0x3FAB]  }
0x31: {  	[smem:$0x3FB4] =	sst s10  }
0x32: {  	s10 =	sld [smem:$0x3FB2];
	_ =	sdelay $0x3  }
0x33: {  	p0 =	seq.s32 s10, $0x1;
	s10 =	sld [smem:$0x3FB4];
	_ =	sdelay $0x3  }
0x34: {  	[smem:$0x3FB4] =	sst s10  }
0x35: {  	s10 =	sld [smem:$0x3FB3];
	_ =	sdelay $0x3  }
0x36: {  	p1 =	seq.s32 s10, $0x1;
	s10 =	sld [smem:$0x3FB4];
	_ =	sdelay $0x3  }
0x37: {  	[smem:$0x3FB4] =	sst s10  }
0x38: {  	s10 =	sld [smem:$0x3FB5]  }
0x39: {  	_ = 	snop;
	(pc) =	sbr.ind lr, $3  }
0x3a: {  	_ = 	snop  }
0x3b: {  	_ = 	snop  }
0x3c: {  	p2 =	seq.s32 s10, $0x1;
	s10 =	sld [smem:$0x3FB4]  }
0x3d: {  	_ =	shalt  }
0x3e: {  	_ =	shalt  }
0x3f: {  	_ =	shalt  }
0x40: {  	_ =	shalt  }
0x41: {  	_ =	shalt  }
0x42: {  	_ =	shalt  }
0x43: {  	_ =	shalt  }
0x44: {  	_ =	shalt  }
0x45: {  	_ =	shalt  }
0x46: {  	_ =	shalt  }
0x47: {  	_ =	shalt  }
0x48: {  	_ =	shalt  }
0x49: {  	_ =	shalt  }
0x4a: {  	_ =	shalt  }
0x4b: {  	_ =	shalt  }
0x4c: {  	_ =	shalt  }
0x4d: {  	_ =	shalt  }
0x4e: {  	_ =	shalt  }
0x4f: {  	_ =	shalt  }
0x50: {  	_ =	shalt  }
0x51: {  	_ =	shalt  }
0x52: {  	_ =	shalt  }
0x53: {  	_ =	shalt  }
0x54: {  	_ =	shalt  }
0x55: {  	_ =	shalt  }
0x56: {  	_ =	shalt  }
0x57: {  	_ =	shalt  }
0x58: {  	_ =	shalt  }
0x59: {  	_ =	shalt  }
0x5a: {  	_ =	shalt  }
0x5b: {  	_ =	shalt  }
0x5c: {  	_ =	shalt  }
0x5d: {  	_ =	shalt  }
0x5e: {  	_ =	shalt  }
0x5f: {  	_ =	shalt  }
0x60: {  	_ =	shalt  }
0x61: {  	_ =	shalt  }
0x62: {  	_ =	shalt  }
0x63: {  	_ =	shalt  }
0x64: {  	_ =	shalt  }
0x65: {  	_ =	shalt  }
0x66: {  	_ =	shalt  }
0x67: {  	_ =	shalt  }
0x68: {  	_ =	shalt  }
0x69: {  	_ =	shalt  }
0x6a: {  	_ =	shalt  }
0x6b: {  	_ =	shalt  }
0x6c: {  	_ =	shalt  }
0x6d: {  	_ =	shalt  }
0x6e: {  	_ =	shalt  }
0x6f: {  	_ =	shalt  }
0x70: {  	_ =	shalt  }
0x71: {  	_ =	shalt  }
0x72: {  	_ =	shalt  }
0x73: {  	_ =	shalt  }
0x74: {  	_ =	shalt  }
0x75: {  	_ =	shalt  }
0x76: {  	_ =	shalt  }
0x77: {  	_ =	shalt  }
0x78: {  	_ =	shalt  }
0x79: {  	_ =	shalt  }
0x7a: {  	_ =	shalt  }
0x7b: {  	_ =	shalt  }
0x7c: {  	_ =	shalt  }
0x7d: {  	_ =	shalt  }
0x7e: {  	_ =	shalt  }
0x7f: {  	_ =	shalt  }
0x80: {  	_ =	shalt  }
0x81: {  	_ =	shalt  }
0x82: {  	_ =	shalt  }
0x83: {  	_ =	shalt  }
0x84: {  	_ =	shalt  }
0x85: {  	_ =	shalt  }
0x86: {  	_ =	shalt  }
0x87: {  	_ =	shalt  }
.Lfunc_end0:
.L_simem_size_0:
called_computation_lowered:
.L_overlay_start_0:
0x88: {  	s2 =	sld [smem:$0x3FD9]  }
0x89: {  	s3 =	sld [smem:$0x3FFE];
	_ =	sdelay $0x1  }
0x8a: {  	s1 =	srdreg.scid  }
0x8b: {  	s0 =	sand.u32 $0x1, s1  }
0x8c: {  	s17 =	sshll.u32 s0, $0xA;
	s2 =	sadd.s32 s3, s2  }
0x8d: {  	s2 =	sadd.s32 s2, s17  }
0x8e: {  	[smem:$0x3FC0] =	sst s2  }
0x8f: {  	_ = 	snop  }
0x90: {  	(tm) =	ssettm $0x1  }
0x91: {  	s18 =	sld [smem:$0x3FFB];
	_ =	sdelay $0x3  }
0x92: {  	_ =	strace s18  }
0x93: {  	s2 =	sld [smem:$0x3FFC];
	_ =	sdelay $0x3  }
0x94: {  	_ =	strace s2  }
0x95: {  	s2 =	sld [smem:$0x3FFD];
	_ =	sdelay $0x3  }
0x96: {  	_ =	strace s2  }
0x97: {  	_ =	strace $0x8FFFFFFF  }
0x98: {  	s19 =	sld [smem:$0x3FDB];
	_ =	sdelay $0x1  }
0x99: {  	s20 =	simm.s32 $_scs_section_size  }
0x9a: {  	s4 =	simm.s32 $_size__tile_overlayer_lowered;
	s5 =	simm.s32 $_tile_overlayer_lowered  }
0x9b: {  	s6 =	simm.s32 $0x1BFF;
	s21 =	sshll.u32 s5, $0x1;
	s3 =	sadd.s32 s20, s19  }
0x9c: {  	s22 =	simm.s32 $0x0;
	s4 =	sshll.u32 s4, $0x1;
	s5 =	sadd.s32 s21, s3  }
0x9d: {  	[timem:s22], [sflag:s6] =	dma.local [hbm:s5], s4  }
0x9e: {  	_ =	swait.ge [sflag:s6], s4  }
0x9f: {  	s4 =	ssub.s32 $0x0, s4;
	[sflag:s6] =	ssyncset.done $0x0  }
0xa0: {  	[sflag:s6] =	ssyncadd.s32 s4;
	_ =	sdelay $0x1  }
0xa1: {  	s23 =	simm.s32 $0x1B8B  }
0xa2: {  	_ =	swait.ge [sflag:s23], $0x1  }
0xa3: {  	[sflag:s23] =	ssyncset.done $0x0  }
0xa4: {  	[sflag:s23] =	ssyncadd.s32 $0xFFFFFFFF  }
0xa5: {  	s4 =	sld [smem:$0x0]  }
0xa6: {  	s5 =	sand.u32 $0xFFFFFFFE, s1  }
0xa7: {  	p0 =	sne.s32 s1, s5  }
0xa8: {  	s5 =	sshll.u32 @p0 s5, $0xE  }
0xa9: {  	s5 =	sadd.s32 @p0 $0x11B8D, s5;
	s6 =	sshll.u32 @p0 s4, $0x11  }
0xaa: {  	s5 =	sor.u32 @p0 s6, s5  }
0xab: {  	[sflag:s5] =	ssyncadd.remote.s32 @p0 $0x1;
	_ =	sdelay $0x1  }
0xac: {  	s5 =	simm.s32 @p0 $0x1B8D  }
0xad: {  	_ =	swait.eq @p0 [sflag:s5], $0x1  }
0xae: {  	[sflag:s5] =	ssyncadd.s32 @p0 $0xFFFFFFFF  }
0xaf: {  	s6 =	sshll.u32 @!p0 s1, $0xE  }
0xb0: {  	s6 =	sor.u32 @!p0 $0x4000, s6;
	s5 =	simm.s32 @!p0 $0x1B8D  }
0xb1: {  	s4 =	sshll.u32 @!p0 s4, $0x11;
	s6 =	sadd.s32 @!p0 $0x11B8D, s6;
	_ =	swait.eq @!p0 [sflag:s5], $0x1  }
0xb2: {  	s4 =	sor.u32 @!p0 s4, s6;
	[sflag:s5] =	ssyncadd.s32 @!p0 $0xFFFFFFFF  }
0xb3: {  	s25 =	simm.s32 $0x1B8E;
	s24 =	sld [smem:$0x3FFE];
	[sflag:s4] =	ssyncadd.remote.s32 @!p0 $0x1  }
0xb4: {  	s26 =	simm.s32 $execute0_lowered;
	[smem:$0x3FD2] =	sst s25  }
0xb5: {  	s5 =	sshll.u32 s26, $0x1;
	_ =	strace $0x80000049;
	[dreg:$0x1] =	wrdreg $0xFFFFFFFF  }
0xb6: {  	s28 =	simm.s32 $_size_execute0_lowered;
	s3 =	sadd.s32 s3, s5;
	[dreg:$0x0] =	wrdreg $0x0  }
0xb7: {  	s5 =	sshll.u32 s28, $0x1;
	[dreg:$0x2] =	wrdreg s3  }
0xb8: {  	[dreg:$0x3] =	wrdreg s5  }
0xb9: {  	[dreg:$0x4] =	wrdreg $0xC0  }
0xba: {  	_ =	task [dreg:s22], $0x5FFFF  }
0xbb: {  	[dreg:$0x1] =	wrdreg $0xFFFFFFFF  }
0xbc: {  	[dreg:$0x0] =	wrdreg $0x60  }
0xbd: {  	[dreg:$0x2] =	wrdreg s24  }
0xbe: {  	[dreg:$0x3] =	wrdreg $0x49800  }
0xbf: {  	[dreg:$0x4] =	wrdreg $0x9  }
0xc0: {  	_ =	task.clear_ibuf [dreg:s22], $0x5FFFF;
	_ =	strace $0x90000049  }
0xc1: {  	s29 =	simm.s32 $0x9;
	_ =	strace $0x8000004B  }
0xc2: {  	_ =	swait.ge [sflag:s29], $0x1  }
0xc3: {  	[sflag:s29] =	ssyncadd.s32 $0xFFFFFFFF  }
0xc4: {  	_ =	strace $0x9000004B  }
0xc5: {  	_ =	sfence  }
0xc6: {  	s30 =	sld [smem:$0x0];
	_ =	sdelay $0x2  }
0xc7: {  	s31 =	sshll.u32 s1, $0xD;
	s1 =	sshrl.u32 s1, $0x2  }
0xc8: {  	s4 =	sand.u32 $0x4000, s31;
	s1 =	sadd.s32 s1, s30  }
0xc9: {  	s0 =	sor.u32 s4, s0;
	s1 =	sshll.u32 s1, $0x11  }
0xca: {  	s0 =	sor.u32 s1, s0  }
0xcb: {  	s0 =	sadd.s32 $0x8F2B, s0  }
0xcc: {  	[sflag:s0] =	ssyncadd.remote.s32 $0x1  }
0xcd: {  	_ =	sfence.sel $0xFFFF  }
0xce: {  	[dreg:$0x0] =	wrdreg $0xFFFFFFFF;
	(pc) =	sbr.abs _section_cstart, $3  }
0xcf: {  	[dreg:$0x1] =	wrdreg $0xFFFFFFFF  }
0xd0: {  	_ =	task.clear_ibuf [dreg:s22], $0x2FFFF;
	_ =	strace $0x9FFFFFFF  }
0xd1: {  	(tm) =	ssettm $0x7FFFFFFF  }
tec
execute0_lowered:
.L_overlay_start_1:
0x0: {  	(tag) =	ssettag $0x1  }
0x1: {  	s5 =	rddreg [dreg:$0x0]  }
0x2: {  	s1 =	rddreg [dreg:$0x1]  }
0x3: {  	s0 =	rddreg [dreg:$0x2];
	s3 =	simm.s32 $0x0;
	s4 =	srdreg.scid  }
0x4: {  	s2 =	stileid.u32;
	s15 =	simm.s32 $0x2;
	s16 =	simm.s32 $0x4000  }
0x5: {  	s17 =	simm.s32 $0x80;
	s18 =	simm.s32 $0x4080;
	s19 =	simm.s32 $0x1  }
0x6: {  	s20 =	simm.s32 $0x4100;
	s21 =	simm.s32 $0x8;
	s23 =	simm.s32 $0x0  }
0x7: {  	[smem:$0x7FF] =	sst s3;
	s6 =	sand.u32 $0x1, s4;
	s8 =	smul.u32 $0x50000, s2  }
0x8: {  	s4 =	sadd.s32 $0x1800, s5;
	s11 =	sadd.s32 $0x59A00, s5;
	s25 =	smul.u32 $0x1388, s2  }
0x9: {  	p0 =	seq.s32 s2, $0xF;
	s5 =	simm.s32 $0x19;
	s29 =	smul.u32 $0x14000, s2  }
0xa: {  	s22 =	sadd.s32 $0x12C000, s1;
	_ =	strace $0x8000004A;
	s10 =	smul.u32 $0x13880, s6  }
0xb: {  	s7 =	ssub.s32 $0x2, s6;
	s26 =	smul.u32 $0x138800, s6;
	s5 =	simm.s32 @!p0 $0x28  }
0xc: {  	s22 =	sshrl.u32 @p0 s22, $0x3;
	s9 =	sshrl.u32 s7, $0x1;
	s28 =	sshrl.u32 s8, $0x2  }
0xd: {  	s12 =	ssub.s32 s7, s9;
	s13 =	sadd.s32 s25, s10;
	s6 =	sadd.s32 s28, s1  }
0xe: {  	s30 =	sadd.s32 s29, s26;
	s9 =	sshrl.u32 s26, $0x3;
	s7 =	sshrl.u32 s13, $0x3  }
0xf: {  	s10 =	sshrl.u32 s30, $0x3;
	s14 =	sadd.s32 s11, s9;
	s31 =	sadd.s32 $0x80, s13  }
0x10: {  	s7 =	sadd.s32 s4, s7;
	s9 =	sadd.s32 s11, s10;
	s10 =	sadd.s32 $0x25800, s14  }
0x11: {  	s11 =	smax.u32 s12, $0x1;
	s14 =	sshrl.u32 s31, $0x3;
	s12 =	sadd.s32 $0x100, s13  }
0x12: {  	v0 =	vimm.f32 $0.0e+00;
	v1 =	vimm.f32 $1.000000000e+00;
	s8 =	sadd.s32 $0x270, s7;
	s13 =	sadd.s32 s14, s4;
	s14 =	simm.s32 $0x4180  }
.LBB2_1:
0x13: {  	s24 =	simm.s32 $0x0;
	s25 =	simm.s32 $0x200  }
.LBB2_2:
0x14: {  	p1 =	sne.s32 s25, $0x1E00;
	[tilespmem:s24+$0x41F0] =	vst v0  }
0x15: {  	[tilespmem:s24+$0x4180] =	vst v0  }
0x16: {  	[tilespmem:s24+$0x4190] =	vst v0  }
.Ltmp0:
0x17: {  	[tilespmem:s24+$0x41A0] =	vst v0;
	(pc) =	sbr.rel @p1 .LBB2_2-.Ltmp0, $4  }
0x18: {  	[tilespmem:s24+$0x41B0] =	vst v0  }
0x19: {  	[tilespmem:s24+$0x41C0] =	vst v0  }
0x1a: {  	[tilespmem:s24+$0x41D0] =	vst v0  }
0x1b: {  	[tilespmem:s24+$0x41E0] =	vst v0;
	s24 =	sshra.s32 s25, $0x2;
	s25 =	sadd.s32 $0x200, s25  }
0x1c: {  	[tilespmem:s24+$0x41F0] =	vst v0  }
0x1d: {  	[tilespmem:s24+$0x4180] =	vst v0  }
0x1e: {  	[tilespmem:s24+$0x4190] =	vst v0  }
0x1f: {  	[tilespmem:s24+$0x41A0] =	vst v0  }
0x20: {  	[tilespmem:s24+$0x41B0] =	vst v0  }
0x21: {  	[tilespmem:s24+$0x41C0] =	vst v0  }
0x22: {  	[tilespmem:s24+$0x41D0] =	vst v0  }
0x23: {  	[tilespmem:s24+$0x41E0] =	vst v0;
	s24 =	smov.u32 s6;
	s25 =	smov.u32 s5  }
.LBB2_4:
0x24: {  	p1 =	sne.s32 s25, $0x1  }
.Ltmp1:
0x25: {  	_ = 	snop;
	(pc) =	sbr.rel @p1 .LBB2_4-.Ltmp1, $4  }
0x26: {  	[spmem:s24] =	stream.linear.scatter [tilespmem:s14], [sflag:$0x2], $0x800, $0x38;
	[tilespmem:$0x18980] =	vst v63  }
0x27: {  	_ =	swait.ge [sflag:s15], $0x800  }
0x28: {  	[sflag:s15] =	ssyncset.done $0x0  }
0x29: {  	s24 =	sadd.s32 $0x800, s24;
	s25 =	sadd.s32 $0xFFFFFFFF, s25;
	[sflag:s15] =	ssyncadd.s32 $0xFFFFF800  }
0x2a: {  	s24 =	simm.s32 $0x0;
	s25 =	simm.s32 $0x200  }
.LBB2_6:
0x2b: {  	p1 =	sne.s32 s25, $0xFE00;
	[tilespmem:s24+$0x70] =	vst v1  }
0x2c: {  	[tilespmem:s24+$0x0] =	vst v1  }
0x2d: {  	[tilespmem:s24+$0x10] =	vst v1  }
.Ltmp2:
0x2e: {  	[tilespmem:s24+$0x20] =	vst v1;
	(pc) =	sbr.rel @p1 .LBB2_6-.Ltmp2, $4  }
0x2f: {  	[tilespmem:s24+$0x30] =	vst v1  }
0x30: {  	[tilespmem:s24+$0x40] =	vst v1  }
0x31: {  	[tilespmem:s24+$0x50] =	vst v1  }
0x32: {  	[tilespmem:s24+$0x60] =	vst v1;
	s24 =	sshra.s32 s25, $0x2;
	s25 =	sadd.s32 $0x200, s25  }
0x33: {  	[tilespmem:s24+$0x70] =	vst v1  }
0x34: {  	[tilespmem:s24+$0x0] =	vst v1  }
0x35: {  	[tilespmem:s24+$0x10] =	vst v1  }
0x36: {  	[tilespmem:s24+$0x20] =	vst v1  }
0x37: {  	[tilespmem:s24+$0x30] =	vst v1  }
0x38: {  	[tilespmem:s24+$0x40] =	vst v1  }
0x39: {  	[tilespmem:s24+$0x50] =	vst v1  }
0x3a: {  	[tilespmem:s24+$0x60] =	vst v1  }
0x3b: {  	s29 =	simm.s32 $0x0;
	[bflag:$0x0] =	sbarrier.arrive $0xFFFF  }
0x3c: {  	[tilespmem:s16], [sflag:$0x2] =	stream.linear.gather [hbm4b:s7+s29], $0x80, $0x38;
	[tilespmem:$0x18980] =	vst v63  }
0x3d: {  	_ =	swait.ge [sflag:s15], $0x80  }
0x3e: {  	[sflag:s15] =	ssyncset.done $0x0  }
0x3f: {  	[sflag:s15] =	ssyncadd.s32 $0xFFFFFF80  }
0x40: {  	[spmem:s1] =	stream.indirect.scatter.add.f32 [tilespmem:s3], [sflag:$0x1], $0x80, s16, s17, $0xb8;
	[tilespmem:$0x18980] =	vst v63  }
0x41: {  	s30 =	sadd.s32 $0x0, s13  }
0x42: {  	[tilespmem:s18], [sflag:$0x2] =	stream.linear.gather [hbm4b:s30+s3], $0x80, $0x38;
	[tilespmem:$0x18980] =	vst v63  }
0x43: {  	_ =	swait.ge [sflag:s15], $0x80  }
0x44: {  	[sflag:s15] =	ssyncset.done $0x0  }
0x45: {  	[sflag:s15] =	ssyncadd.s32 $0xFFFFFF80  }
0x46: {  	_ =	swait.ge [sflag:s19], $0x4000  }
0x47: {  	[sflag:s19] =	ssyncset.done $0x0  }
0x48: {  	s31 =	sshrl.u32 s12, $0x3;
	[sflag:s19] =	ssyncadd.s32 $0xFFFFC000  }
0x49: {  	[spmem:s1] =	stream.indirect.scatter.add.f32 [tilespmem:s3], [sflag:$0x1], $0x80, s18, s17, $0xb8;
	[tilespmem:$0x18980] =	vst v63  }
0x4a: {  	s24 =	sadd.s32 s4, s31  }
0x4b: {  	[tilespmem:s16], [sflag:$0x2] =	stream.linear.gather [hbm4b:s24+s3], $0x80, $0x38;
	[tilespmem:$0x18980] =	vst v63  }
0x4c: {  	_ =	swait.ge [sflag:s15], $0x80  }
0x4d: {  	[sflag:s15] =	ssyncset.done $0x0  }
0x4e: {  	[sflag:s15] =	ssyncadd.s32 $0xFFFFFF80  }
0x4f: {  	_ =	swait.ge [sflag:s19], $0x4000  }
0x50: {  	s25 =	smov.u32 s12;
	s24 =	simm.s32 $0x20;
	[sflag:s19] =	ssyncset.done $0x0  }
.LBB2_8:
0x51: {  	p1 =	sne.s32 s24, $0x240;
	[sflag:s19] =	ssyncadd.s32 $0xFFFFC000;
	s25 =	sadd.s32 $0x100, s25  }
0x52: {  	[spmem:s1] =	stream.indirect.scatter.add.f32 [tilespmem:s3], [sflag:$0x1], $0x80, s16, s17, $0xb8;
	[tilespmem:$0x18980] =	vst v63  }
0x53: {  	s26 =	sadd.s32 s24, s13;
	s24 =	sadd.s32 $0x20, s24  }
0x54: {  	[tilespmem:s18], [sflag:$0x2] =	stream.linear.gather [hbm4b:s26+s3], $0x80, $0x38;
	[tilespmem:$0x18980] =	vst v63  }
0x55: {  	_ =	swait.ge [sflag:s15], $0x80  }
0x56: {  	[sflag:s15] =	ssyncset.done $0x0  }
0x57: {  	[sflag:s15] =	ssyncadd.s32 $0xFFFFFF80  }
0x58: {  	_ =	swait.ge [sflag:s19], $0x4000  }
0x59: {  	[sflag:s19] =	ssyncset.done $0x0  }
0x5a: {  	s26 =	sshrl.u32 s25, $0x3;
	[sflag:s19] =	ssyncadd.s32 $0xFFFFC000  }
0x5b: {  	[spmem:s1] =	stream.indirect.scatter.add.f32 [tilespmem:s3], [sflag:$0x1], $0x80, s18, s17, $0xb8;
	[tilespmem:$0x18980] =	vst v63  }
0x5c: {  	s26 =	sadd.s32 s4, s26  }
0x5d: {  	[tilespmem:s16], [sflag:$0x2] =	stream.linear.gather [hbm4b:s26+s3], $0x80, $0x38;
	[tilespmem:$0x18980] =	vst v63  }
.Ltmp3:
0x5e: {  	_ =	swait.ge [sflag:s15], $0x80;
	(pc) =	sbr.rel @p1 .LBB2_8-.Ltmp3, $4  }
0x5f: {  	[sflag:s15] =	ssyncset.done $0x0  }
0x60: {  	[sflag:s15] =	ssyncadd.s32 $0xFFFFFF80  }
0x61: {  	_ =	swait.ge [sflag:s19], $0x4000  }
0x62: {  	[sflag:s19] =	ssyncset.done $0x0  }
0x63: {  	[sflag:s19] =	ssyncadd.s32 $0xFFFFC000  }
0x64: {  	[spmem:s1] =	stream.indirect.scatter.add.f32 [tilespmem:s3], [sflag:$0x2], $0x80, s16, s17, $0xb8;
	[tilespmem:$0x18980] =	vst v63  }
0x65: {  	_ =	swait.ge [sflag:s15], $0x4000  }
0x66: {  	[sflag:s15] =	ssyncset.done $0x0  }
0x67: {  	[sflag:s15] =	ssyncadd.s32 $0xFFFFC000  }
0x68: {  	[tilespmem:s20], [sflag:$0x2] =	stream.linear.gather [hbm4b:s8+s3], $0x8, $0x38;
	[tilespmem:$0x18980] =	vst v63  }
0x69: {  	_ =	swait.ge [sflag:s15], $0x8  }
0x6a: {  	[sflag:s15] =	ssyncset.done $0x0  }
0x6b: {  	[sflag:s15] =	ssyncadd.s32 $0xFFFFFFF8  }
0x6c: {  	[spmem:s1] =	stream.indirect.scatter.add.f32 [tilespmem:s3], [sflag:$0x2], $0x80, s20, s21, $0xb8;
	[tilespmem:$0x18980] =	vst v63  }
0x6d: {  	_ =	swait.ge [sflag:s15], $0x400  }
0x6e: {  	[sflag:s15] =	ssyncset.done $0x0  }
0x6f: {  	[sflag:s15] =	ssyncadd.s32 $0xFFFFFC00  }
0x70: {  	s24 =	simm.s32 @p0 $0x1FC2;
	[bflag:$0x0] =	sbarrier.arrive $0xFFFF  }
0x71: {  	[hbm:s10], [sflag:s24] =	dma.local @p0 [spmem:s22], $0x1900  }
0x72: {  	s24 =	simm.s32 @p0 $0x2  }
0x73: {  	s23 =	sadd.s32 $0x1, s23;
	_ =	swait.ge @p0 [sflag:s24], $0x1900  }
0x74: {  	s25 =	sshll.u32 @!p0 s2, $0x6;
	p1 =	sne.s32 s23, s11;
	[sflag:s24] =	ssyncset.done @p0 $0x0  }
0x75: {  	[sflag:s24] =	ssyncadd.s32 @p0 $0xFFFFE700;
	s24 =	sor.u32 @!p0 $0x1C02, s25;
	s25 =	sshrl.u32 @!p0 s6, $0x3  }
0x76: {  	[hbm:s9], [sflag:s24] =	dma.local @!p0 [spmem:s25], $0x2800  }
.Ltmp4:
0x77: {  	_ = 	snop;
	(pc) =	sbr.rel @p1 .LBB2_1-.Ltmp4, $4  }
0x78: {  	s24 =	simm.s32 @!p0 $0x2  }
0x79: {  	_ =	swait.ge @!p0 [sflag:s24], $0x2800  }
0x7a: {  	[sflag:s24] =	ssyncset.done @!p0 $0x0  }
0x7b: {  	[sflag:s24] =	ssyncadd.s32 @!p0 $0xFFFFD800  }
0x7c: {  	_ =	sfence.sel $0x180000  }
0x7d: {  	[bflag:$0x0] =	sbarrier.arrive $0xFFFF  }
0x7e: {  	p0 =	sne.s32 s2, $0x0;
	_ =	strace $0x9000004A  }
0x7f: {  	s0 =	sadd.s32 @!p0 $0x100000, s0;
	[bflag:$0x2] =	sbarrier.arrive $0xFFFF  }
0x80: {  	[sflag:s0] =	ssyncadd.tile.s32 @!p0 $0x1;
	_ =	shalt  }
.Lfunc_end2:
_tile_overlayer_lowered:
.L_overlay_start_2:
0x81: {  	(tag) =	ssettag $0x2  }
0x82: {  	s0 =	rddreg [dreg:$0x0];
	s2 =	stileid.u32  }
0x83: {  	s1 =	rddreg [dreg:$0x1];
	p0 =	sne.s32 s2, $0x0  }
0x84: {  	s3 =	rddreg [dreg:$0x2];
	[bflag:$0x3] =	sbarrier.arrive $0xFFFF;
	s2 =	simm.s32 @!p0 $0x1C02  }
0x85: {  	[timem:s3], [sflag:s2] =	dma.local @!p0 [hbm:s0], s1  }
0x86: {  	s0 =	simm.s32 @!p0 $0x2  }
0x87: {  	_ =	swait.ge @!p0 [sflag:s0], s1  }
0x88: {  	s1 =	ssub.s32 @!p0 $0x0, s1;
	[sflag:s0] =	ssyncset.done @!p0 $0x0  }
0x89: {  	[sflag:s0] =	ssyncadd.s32 @!p0 s1  }
0x8a: {  	[bflag:$0x3] =	sbarrier.arrive $0xFFFF  }
0x8b: {  	_ =	shalt  }

</sc_bundles>
